<compile_context>
chip_gen: v7x
topology: tpu7x:2x2x1
jax: 0.10.2.dev20260603
libtpu: 0.0.44.dev20260713+nightly
codegen_flags: <defaults>
</compile_context>

<pallas_src>
import functools

import jax
import jax.numpy as jnp
from jax import lax
from jax.experimental import pallas as pl
from jax.experimental.pallas import tpu as pltpu
from jax.experimental.pallas import tpu_sc as plsc

NC = 2
NS = 16
LN = 16
EB = 128


def _ceil_to(x, m):
    return (x + m - 1) // m * m


def _make_w_kernel(n_pad, e_pad, heads):
    per_w = e_pad // (NC * NS)
    n_chunks = per_w // EB
    st_rows = _ceil_to(_ceil_to(n_pad * heads, 128) // 128, NS)
    s_chunks = []
    b = 0
    while b < st_rows:
        sz = min(128, st_rows - b)
        s_chunks.append((b, sz))
        b += sz

    mesh = plsc.VectorSubcoreMesh(core_axis_name="c", subcore_axis_name="s")

    def body(src_hbm, dst_hbm, asrc_hbm, adst_hbm, zeros_hbm,
             w_hbm, ps_hbm, s_sh, asrc_v, adst_v, s_v, srcv, dstv,
             wbufs, idxbufs):
        c = lax.axis_index("c")
        s = lax.axis_index("s")
        wid = c * NS + s
        lanes = lax.broadcasted_iota(jnp.int32, (LN,), 0)
        zf = jnp.zeros((LN,), jnp.float32)

        pltpu.sync_copy(asrc_hbm, asrc_v)
        pltpu.sync_copy(adst_hbm, adst_v)

        @pl.when(s == 0)
        def _():
            pltpu.sync_copy(zeros_hbm.at[pl.ds(0, st_rows)], s_sh)

        def z_body(r, carry):
            for j in range(128 // LN):
                s_v[r, pl.ds(j * LN, LN)] = zf
            return carry

        lax.fori_loop(0, st_rows, z_body, 0)
        for bi, (base, sz) in enumerate(s_chunks):
            for g in range(sz // LN):
                idxbufs[bi][pl.ds(g * LN, LN)] = lanes + (base + g * LN)

        plsc.subcore_barrier()

        def chunk_body(k, carry):
            ebase = wid * per_w + k * EB
            pltpu.sync_copy(src_hbm.at[pl.ds(ebase, EB)], srcv)
            pltpu.sync_copy(dst_hbm.at[pl.ds(ebase, EB)], dstv)

            for g in range(EB // LN):
                s16 = srcv[pl.ds(g * LN, LN)]
                d16 = dstv[pl.ds(g * LN, LN)]
                for hd in range(heads):
                    a = plsc.load_gather(asrc_v, [s16 * heads + hd])
                    bb = plsc.load_gather(adst_v, [d16 * heads + hd])
                    al = a + bb
                    al = jnp.where(al >= 0.0, al, al * 0.2)
                    wbufs[hd][pl.ds(g * LN, LN)] = jnp.exp(al)
            for hd in range(heads):
                pltpu.sync_copy(wbufs[hd], w_hbm.at[hd, pl.ds(ebase, EB)])

            def e_body(e, carry2):
                zi = jnp.zeros((LN,), jnp.int32) + e
                wcomb = zf
                for hd in range(heads):
                    wv = plsc.load_gather(wbufs[hd], [zi])
                    wcomb = jnp.where(lanes == hd, wv, wcomb)
                dv = plsc.load_gather(dstv, [zi])
                idx = dv * heads + jnp.where(lanes < heads, lanes, 0)
                row = jnp.right_shift(idx, 7)
                colv = jnp.bitwise_and(idx, 127)
                cur = plsc.load_gather(s_v, [row, colv])
                plsc.store_scatter(s_v, [row, colv], cur + wcomb,
                                   mask=lanes < heads)
                return carry2

            lax.fori_loop(0, EB, e_body, 0)
            return carry

        lax.fori_loop(0, n_chunks, chunk_body, 0)

        for bi, (base, sz) in enumerate(s_chunks):
            pltpu.sync_copy(s_v.at[pl.ds(base, sz)], s_sh.at[idxbufs[bi]],
                            add=True)

        plsc.subcore_barrier()

        @pl.when(s == 0)
        def _():
            pltpu.sync_copy(s_sh, ps_hbm.at[c])

    return pl.kernel(
        body,
        out_type=(jax.ShapeDtypeStruct((heads, e_pad), jnp.float32),
                  jax.ShapeDtypeStruct((NC, st_rows, 128), jnp.float32)),
        mesh=mesh,
        compiler_params=pltpu.CompilerParams(needs_layout_passes=False),
        scratch_types=[
            pltpu.VMEM_SHARED((st_rows, 128), jnp.float32),
            pltpu.VMEM((n_pad * heads,), jnp.float32),
            pltpu.VMEM((n_pad * heads,), jnp.float32),
            pltpu.VMEM((st_rows, 128), jnp.float32),
            pltpu.VMEM((EB,), jnp.int32),
            pltpu.VMEM((EB,), jnp.int32),
            [pltpu.VMEM((EB,), jnp.float32) for _ in range(heads)],
            [pltpu.VMEM((sz,), jnp.int32) for _, sz in s_chunks],
        ],
    ), st_rows


def _make_p_kernel(n_pad, e_pad, heads, EB=128):
    per_w = e_pad // (NC * NS)
    n_chunks = per_w // EB
    rows_per_tile = n_pad // NS
    cpg = 128 // heads // LN

    mesh = plsc.VectorSubcoreMesh(core_axis_name="c", subcore_axis_name="s")

    def body(src_hbm, dst_hbm, h_hbm, w_hbm, zeros_hbm,
             pay_hbm, acc_sh, srcv, dstv, grows, wrows, sem):
        c = lax.axis_index("c")
        s = lax.axis_index("s")
        wid = c * NS + s

        @pl.when(s == 0)
        def _():
            pltpu.sync_copy(zeros_hbm, acc_sh)

        plsc.subcore_barrier()

        def chunk_body(k, carry):
            ebase = wid * per_w + k * EB
            pltpu.sync_copy(src_hbm.at[pl.ds(ebase, EB)], srcv)
            pltpu.sync_copy(dst_hbm.at[pl.ds(ebase, EB)], dstv)
            for hd in range(heads):
                pltpu.sync_copy(w_hbm.at[hd, pl.ds(ebase, EB)], wrows[hd])
            pltpu.async_copy(h_hbm.at[srcv], grows, sem).wait()

            def e_body(e, carry2):
                zi = jnp.zeros((LN,), jnp.int32) + e
                for hd in range(heads):
                    wv = plsc.load_gather(wrows[hd], [zi])
                    for j in range(cpg):
                        col = (hd * cpg + j) * LN
                        grows[e, pl.ds(col, LN)] = (
                            grows[e, pl.ds(col, LN)] * wv)
                return carry2

            lax.fori_loop(0, EB, e_body, 0)

            pltpu.sync_copy(grows, acc_sh.at[dstv], add=True)
            return carry

        lax.fori_loop(0, n_chunks, chunk_body, 0)

        plsc.subcore_barrier()
        r0 = s * rows_per_tile
        pltpu.sync_copy(acc_sh.at[pl.ds(r0, rows_per_tile)],
                        pay_hbm.at[c, pl.ds(r0, rows_per_tile)])

    return pl.kernel(
        body,
        out_type=jax.ShapeDtypeStruct((NC, n_pad, 128), jnp.float32),
        mesh=mesh,
        compiler_params=pltpu.CompilerParams(needs_layout_passes=False),
        scratch_types=[
            pltpu.VMEM_SHARED((n_pad, 128), jnp.float32),
            pltpu.VMEM((EB,), jnp.int32),
            pltpu.VMEM((EB,), jnp.int32),
            pltpu.VMEM((EB, 128), jnp.float32),
            [pltpu.VMEM((EB,), jnp.float32) for _ in range(heads)],
            pltpu.SemaphoreType.DMA,
        ],
    )


def _tc_pre(x_ref, w_ref, as_ref, ad_ref, h_ref, asrc_ref, adst_ref):
    h = jnp.dot(x_ref[...], w_ref[...], preferred_element_type=jnp.float32)
    h_ref[...] = h
    asrc_ref[...] = jnp.dot(h, as_ref[...], preferred_element_type=jnp.float32)
    adst_ref[...] = jnp.dot(h, ad_ref[...], preferred_element_type=jnp.float32)


def _expand_heads(v, heads, width):
    rep = width // heads
    parts = [jnp.broadcast_to(v[:, hd:hd + 1], (v.shape[0], rep))
             for hd in range(heads)]
    return jnp.concatenate(parts, axis=1) if heads > 1 else parts[0]


def _tc_finalize(heads, n_valid, blk, with_next, part_ref, s0_ref, s1_ref,
                 h_ref, asrc_ref, adst_ref, b_ref, *rest):
    if with_next:
        w2_ref, as2_ref, ad2_ref, out_ref, asrc2_ref, adst2_ref = rest
    else:
        (out_ref,) = rest
    p = part_ref[0] + part_ref[1]
    al = asrc_ref[...] + adst_ref[...]
    wself = jnp.exp(jnp.where(al >= 0.0, al, al * 0.2))
    num = p + h_ref[...] * _expand_heads(wself, heads, 128)
    den = s0_ref[...] + s1_ref[...] + wself
    out = num / (_expand_heads(den, heads, 128) + 1e-16) + b_ref[...]
    rows = (lax.broadcasted_iota(jnp.int32, out.shape, 0)
            + pl.program_id(0) * blk)
    out = jnp.where(rows < n_valid, out, 0.0)
    if with_next:
        h2 = jnp.where(out > 0.0, out, jnp.exp(jnp.minimum(out, 0.0)) - 1.0)
        h2 = jnp.dot(h2, w2_ref[...], preferred_element_type=jnp.float32)
        h2 = jnp.where(rows < n_valid, h2, 0.0)
        out_ref[...] = h2
        asrc2_ref[...] = jnp.dot(h2, as2_ref[...],
                                 preferred_element_type=jnp.float32)
        adst2_ref[...] = jnp.dot(h2, ad2_ref[...],
                                 preferred_element_type=jnp.float32)
    else:
        out_ref[...] = out


def _att_mat(att):
    H = att.shape[0]
    return (att[:, :, None] * jnp.eye(H, dtype=att.dtype)[:, None, :]).reshape(
        att.shape[0] * att.shape[1], H)


def kernel(x, edge_index, W1, att_src1, att_dst1, b1, W2, att_src2, att_dst2,
           b2):
    N, D = x.shape
    E = edge_index.shape[1]
    H1 = att_src1.shape[0]
    H2 = att_src2.shape[0]
    n_pad = _ceil_to(N + 1, NS * 8)
    e_pad = _ceil_to(E, NC * NS * EB)

    x_pad = jnp.zeros((n_pad, D), x.dtype).at[:N].set(x)
    sent = jnp.full((e_pad - E,), N, jnp.int32)
    src = jnp.concatenate([edge_index[0], sent])
    dst = jnp.concatenate([edge_index[1], sent])
    zeros_acc = jnp.zeros((n_pad, 128), jnp.float32)

    A1s, A1d = _att_mat(att_src1), _att_mat(att_dst1)
    A2s, A2d = _att_mat(att_src2), _att_mat(att_dst2)

    F = W1.shape[1]
    BLK = 512 if n_pad % 512 == 0 else 128
    n_blk = n_pad // BLK

    def rblk(*trail):
        return pl.BlockSpec((BLK,) + trail, lambda i: (i,) + (0,) * len(trail))

    def full(shape):
        return pl.BlockSpec(shape, lambda i: (0,) * len(shape))

    h1, as1, ad1 = pl.pallas_call(
        _tc_pre,
        grid=(n_blk,),
        in_specs=[rblk(D), full((D, F)), full((F, H1)), full((F, H1))],
        out_specs=[rblk(F), rblk(H1), rblk(H1)],
        out_shape=[jax.ShapeDtypeStruct((n_pad, F), jnp.float32),
                   jax.ShapeDtypeStruct((n_pad, H1), jnp.float32),
                   jax.ShapeDtypeStruct((n_pad, H1), jnp.float32)],
    )(x_pad, W1, A1s, A1d)

    wk1, _ = _make_w_kernel(n_pad, e_pad, H1)
    w1, ps1 = wk1(src, dst, as1.reshape(-1), ad1.reshape(-1), zeros_acc)
    pk1 = _make_p_kernel(n_pad, e_pad, H1)
    pay1 = pk1(src, dst, h1, w1, zeros_acc)
    s1a = ps1[0].reshape(-1)[:n_pad * H1].reshape(n_pad, H1)
    s1b = ps1[1].reshape(-1)[:n_pad * H1].reshape(n_pad, H1)

    OUT = W2.shape[1]
    part_spec = pl.BlockSpec((NC, BLK, 128), lambda i: (0, i, 0))
    h2, as2, ad2 = pl.pallas_call(
        functools.partial(_tc_finalize, H1, N, BLK, True),
        grid=(n_blk,),
        in_specs=[part_spec, rblk(H1), rblk(H1), rblk(F), rblk(H1), rblk(H1),
                  full((1, F)), full((F, OUT)), full((OUT, H2)),
                  full((OUT, H2))],
        out_specs=[rblk(OUT), rblk(H2), rblk(H2)],
        out_shape=[jax.ShapeDtypeStruct((n_pad, OUT), jnp.float32),
                   jax.ShapeDtypeStruct((n_pad, H2), jnp.float32),
                   jax.ShapeDtypeStruct((n_pad, H2), jnp.float32)],
    )(pay1, s1a, s1b, h1, as1, ad1, b1.reshape(1, F), W2, A2s, A2d)

    wk2, _ = _make_w_kernel(n_pad, e_pad, H2)
    w2, ps2 = wk2(src, dst, as2.reshape(-1), ad2.reshape(-1), zeros_acc)
    pk2 = _make_p_kernel(n_pad, e_pad, H2)
    pay2 = pk2(src, dst, h2, w2, zeros_acc)
    s2a = ps2[0].reshape(-1)[:n_pad * H2].reshape(n_pad, H2)
    s2b = ps2[1].reshape(-1)[:n_pad * H2].reshape(n_pad, H2)

    out = pl.pallas_call(
        functools.partial(_tc_finalize, H2, N, BLK, False),
        grid=(n_blk,),
        in_specs=[part_spec, rblk(H2), rblk(H2), rblk(OUT), rblk(H2),
                  rblk(H2), full((1, OUT))],
        out_specs=rblk(OUT),
        out_shape=jax.ShapeDtypeStruct((n_pad, OUT), jnp.float32),
    )(pay2, s2a, s2b, h2, as2, ad2, b2.reshape(1, OUT))

    return out[:N]

# --- scband reference (transcript-rebuilt; emitter-appended) ---
"""Pipeline reference for scband-gat-83872121356314 (READ-ONLY COPY).

The authoritative reference and input builder live on the scoring server;
editing this copy changes nothing except your own understanding.
"""

import jax, jax.numpy as jnp
import numpy as np


def segment_softmax(alpha, seg, num_segments):
    m = jax.ops.segment_max(alpha, seg, num_segments=num_segments)
    m = jnp.where(jnp.isfinite(m), m, 0.0)
    e = jnp.exp(alpha - m[seg])
    s = jax.ops.segment_sum(e, seg, num_segments=num_segments)
    return e / (s[seg] + 1e-16)


def gat_conv(x, edge_index, W, att_src, att_dst, bias, heads, out_ch):
    # Faithful PyG GATConv (shared lin for src/dst, add_self_loops=True,
    # leaky_relu(0.2), segment softmax over dst, concat heads, bias). Eval mode -> no dropout.
    N = x.shape[0]
    loop = jnp.arange(N, dtype=edge_index.dtype)
    ei = jnp.concatenate([edge_index, jnp.stack([loop, loop])], axis=1)
    src, dst = ei[0], ei[1]
    h = (x @ W).reshape(N, heads, out_ch)
    a_src = (h * att_src[None]).sum(-1)  # [N, H]
    a_dst = (h * att_dst[None]).sum(-1)  # [N, H]
    alpha = a_src[src] + a_dst[dst]      # [E', H]
    alpha = jax.nn.leaky_relu(alpha, negative_slope=0.2)
    alpha = segment_softmax(alpha, dst, N)
    msg = h[src] * alpha[..., None]      # [E', H, C]
    out = jax.ops.segment_sum(msg, dst, num_segments=N)
    return out.reshape(N, heads * out_ch) + bias


def setup_inputs(seed: int = 0):
    key = jax.random.key(seed)
    ks = jax.random.split(key, 12)
    N, E, D, H, C, OUT = 10000, 320000, 128, 2, 64, 128
    x = jax.random.normal(ks[0], (N, D), dtype=jnp.float32)
    edge_index = jax.random.randint(ks[1], (2, E), 0, N, dtype=jnp.int32)
    s1 = 1.0 / np.sqrt(D)
    s2 = 1.0 / np.sqrt(H * C)
    W1 = jax.random.normal(ks[2], (D, H * C), dtype=jnp.float32) * s1
    att_src1 = jax.random.normal(ks[3], (H, C), dtype=jnp.float32) * s1
    att_dst1 = jax.random.normal(ks[4], (H, C), dtype=jnp.float32) * s1
    b1 = jnp.zeros((H * C,), dtype=jnp.float32)
    W2 = jax.random.normal(ks[5], (H * C, OUT), dtype=jnp.float32) * s2
    att_src2 = jax.random.normal(ks[6], (1, OUT), dtype=jnp.float32) * s2
    att_dst2 = jax.random.normal(ks[7], (1, OUT), dtype=jnp.float32) * s2
    b2 = jnp.zeros((OUT,), dtype=jnp.float32)
    return {"x": x, "edge_index": edge_index, "W1": W1, "att_src1": att_src1,
            "att_dst1": att_dst1, "b1": b1, "W2": W2, "att_src2": att_src2,
            "att_dst2": att_dst2, "b2": b2}


def reference(x, edge_index, W1, att_src1, att_dst1, b1, W2, att_src2, att_dst2, b2):
    h = gat_conv(x, edge_index, W1, att_src1, att_dst1, b1, heads=2, out_ch=64)
    h = jax.nn.elu(h)
    out = gat_conv(h, edge_index, W2, att_src2, att_dst2, b2, heads=1, out_ch=128)
    return out

if __name__ == "__main__":
    import jax
    _d = setup_inputs()
    print(jax.jit(kernel)(*tuple(_d.values())))

</pallas_src>

<mosaic_0001>
#map = affine_map<(d0, d1) -> (0)>
#map1 = affine_map<(d0, d1) -> (0, 0)>
#map2 = affine_map<(d0, d1) -> (0, 0, 0)>
module attributes {stable_mosaic.version = 14 : i64} {
  func.func @body(%arg0: i32, %arg1: i32, %arg2: memref<323584xi32, #tpu.memory_space<hbm>>, %arg3: memref<323584xi32, #tpu.memory_space<hbm>>, %arg4: memref<10112x128xf32, #tpu.memory_space<hbm>>, %arg5: memref<1x323584xf32, #tpu.memory_space<hbm>>, %arg6: memref<10112x128xf32, #tpu.memory_space<hbm>>, %arg7: memref<2x10112x128xf32, #tpu.memory_space<hbm>>, %arg8: memref<10112x128xf32, #tpu.memory_space<vmem_shared>>, %arg9: memref<128xi32, #tpu.memory_space<vmem>>, %arg10: memref<128xi32, #tpu.memory_space<vmem>>, %arg11: memref<128x128xf32, #tpu.memory_space<vmem>>, %arg12: memref<128xf32, #tpu.memory_space<vmem>>, %arg13: memref<!tpu.dma_semaphore, #tpu.memory_space<semaphore_mem>>) attributes {dimension_semantics = [#tpu.dimension_semantics<core_parallel>, #tpu.dimension_semantics<subcore_parallel>], iteration_bounds = array<i64: 2, 16>, scalar_prefetch = 0 : i64, scratch_operands = 6 : i64, tpu.core_type = #tpu.core_type<sc_vector_subcore>, window_params = [{transform_indices = #map}, {transform_indices = #map}, {transform_indices = #map1}, {transform_indices = #map1}, {transform_indices = #map1}, {transform_indices = #map2}]} {
    %mul3A = arith.constant 16 : i32
    %mul3A_0 = arith.muli %arg0, %mul3A : i32
    %add3A = arith.addi %mul3A_0, %arg1 : i32
    %eq3A = arith.constant 0 : i32
    %eq3A_1 = arith.cmpi eq, %arg1, %eq3A : i32
    %convert_element_type3A = arith.extui %eq3A_1 : i1 to i32
    %cond3A = arith.constant 0 : i32
    %cond3A_2 = arith.cmpi ne, %convert_element_type3A, %cond3A : i32
    scf.if %cond3A_2 {
      "tpu.region"() ({
        %run_scoped3A = tpu.sem_alloc : memref<!tpu.dma_semaphore, #tpu.memory_space<semaphore_mem>>
        tpu.enqueue_dma source(%arg6 : memref<10112x128xf32, #tpu.memory_space<hbm>>) target(%arg8 : memref<10112x128xf32, #tpu.memory_space<vmem_shared>>) target_semaphore(%run_scoped3A : memref<!tpu.dma_semaphore, #tpu.memory_space<semaphore_mem>>)
        tpu.wait_dma2 semaphore(%run_scoped3A : memref<!tpu.dma_semaphore, #tpu.memory_space<semaphore_mem>>) src(%arg6 : memref<10112x128xf32, #tpu.memory_space<hbm>>) dst(%arg8 : memref<10112x128xf32, #tpu.memory_space<vmem_shared>>)
        tpu.yield
      }) : () -> ()
    } else {
    }
    %barrier3A = arith.constant 0 : index
    tpu.barrier barrier_id(%barrier3A)
    %scan3A = arith.constant 0 : i32
    %scan3A_3 = arith.constant 0 : i32
    %scan3A_4 = arith.constant 79 : i32
    %scan3A_5 = arith.addi %scan3A_3, %scan3A_4 : i32
    %scan3A_6 = arith.constant 1 : i32
    scf.for %scan3A_11 = %scan3A_3 to %scan3A_5 step %scan3A_6  : i32 {
      %mul3A_12 = arith.constant 10112 : i32
      %mul3A_13 = arith.muli %add3A, %mul3A_12 : i32
      %mul3A_14 = arith.constant 128 : i32
      %mul3A_15 = arith.muli %scan3A_11, %mul3A_14 : i32
      %add3A_16 = arith.addi %mul3A_13, %mul3A_15 : i32
      "tpu.region"() ({
        %run_scoped3A_27 = tpu.sem_alloc : memref<!tpu.dma_semaphore, #tpu.memory_space<semaphore_mem>>
        %dma_start3A_28 = tpu.memref_slice %arg2[%add3A_16] : memref<323584xi32, #tpu.memory_space<hbm>> -> memref<128xi32, #tpu.memory_space<hbm>>
        %dma_start3A_29 = tpu.memref_slice %arg2[%add3A_16] : memref<323584xi32, #tpu.memory_space<hbm>> -> memref<128xi32, #tpu.memory_space<hbm>>
        tpu.enqueue_dma source(%dma_start3A_29 : memref<128xi32, #tpu.memory_space<hbm>>) target(%arg9 : memref<128xi32, #tpu.memory_space<vmem>>) target_semaphore(%run_scoped3A_27 : memref<!tpu.dma_semaphore, #tpu.memory_space<semaphore_mem>>)
        %dma_wait3A_30 = tpu.memref_slice %arg2[%add3A_16] : memref<323584xi32, #tpu.memory_space<hbm>> -> memref<128xi32, #tpu.memory_space<hbm>>
        %dma_wait3A_31 = tpu.memref_slice %arg2[%add3A_16] : memref<323584xi32, #tpu.memory_space<hbm>> -> memref<128xi32, #tpu.memory_space<hbm>>
        tpu.wait_dma2 semaphore(%run_scoped3A_27 : memref<!tpu.dma_semaphore, #tpu.memory_space<semaphore_mem>>) src(%dma_wait3A_31 : memref<128xi32, #tpu.memory_space<hbm>>) dst(%arg9 : memref<128xi32, #tpu.memory_space<vmem>>)
        tpu.yield
      }) : () -> ()
      "tpu.region"() ({
        %run_scoped3A_27 = tpu.sem_alloc : memref<!tpu.dma_semaphore, #tpu.memory_space<semaphore_mem>>
        %dma_start3A_28 = tpu.memref_slice %arg3[%add3A_16] : memref<323584xi32, #tpu.memory_space<hbm>> -> memref<128xi32, #tpu.memory_space<hbm>>
        %dma_start3A_29 = tpu.memref_slice %arg3[%add3A_16] : memref<323584xi32, #tpu.memory_space<hbm>> -> memref<128xi32, #tpu.memory_space<hbm>>
        tpu.enqueue_dma source(%dma_start3A_29 : memref<128xi32, #tpu.memory_space<hbm>>) target(%arg10 : memref<128xi32, #tpu.memory_space<vmem>>) target_semaphore(%run_scoped3A_27 : memref<!tpu.dma_semaphore, #tpu.memory_space<semaphore_mem>>)
        %dma_wait3A_30 = tpu.memref_slice %arg3[%add3A_16] : memref<323584xi32, #tpu.memory_space<hbm>> -> memref<128xi32, #tpu.memory_space<hbm>>
        %dma_wait3A_31 = tpu.memref_slice %arg3[%add3A_16] : memref<323584xi32, #tpu.memory_space<hbm>> -> memref<128xi32, #tpu.memory_space<hbm>>
        tpu.wait_dma2 semaphore(%run_scoped3A_27 : memref<!tpu.dma_semaphore, #tpu.memory_space<semaphore_mem>>) src(%dma_wait3A_31 : memref<128xi32, #tpu.memory_space<hbm>>) dst(%arg10 : memref<128xi32, #tpu.memory_space<vmem>>)
        tpu.yield
      }) : () -> ()
      %run_scoped3A = arith.constant 0 : i32
      "tpu.region"() ({
        %run_scoped3A_27 = tpu.sem_alloc : memref<!tpu.dma_semaphore, #tpu.memory_space<semaphore_mem>>
        %dma_start3A_28 = tpu.memref_slice %arg5[%run_scoped3A, %add3A_16] : memref<1x323584xf32, #tpu.memory_space<hbm>> -> memref<1x128xf32, #tpu.memory_space<hbm>>
        %dma_start3A_29 = tpu.memref_squeeze %dma_start3A_28 : memref<1x128xf32, #tpu.memory_space<hbm>> -> memref<128xf32, #tpu.memory_space<hbm>>
        %dma_start3A_30 = tpu.memref_slice %arg5[%run_scoped3A, %add3A_16] : memref<1x323584xf32, #tpu.memory_space<hbm>> -> memref<1x128xf32, #tpu.memory_space<hbm>>
        %dma_start3A_31 = tpu.memref_squeeze %dma_start3A_30 : memref<1x128xf32, #tpu.memory_space<hbm>> -> memref<128xf32, #tpu.memory_space<hbm>>
        tpu.enqueue_dma source(%dma_start3A_31 : memref<128xf32, #tpu.memory_space<hbm>>) target(%arg12 : memref<128xf32, #tpu.memory_space<vmem>>) target_semaphore(%run_scoped3A_27 : memref<!tpu.dma_semaphore, #tpu.memory_space<semaphore_mem>>)
        %dma_wait3A_32 = tpu.memref_slice %arg5[%run_scoped3A, %add3A_16] : memref<1x323584xf32, #tpu.memory_space<hbm>> -> memref<1x128xf32, #tpu.memory_space<hbm>>
        %dma_wait3A_33 = tpu.memref_squeeze %dma_wait3A_32 : memref<1x128xf32, #tpu.memory_space<hbm>> -> memref<128xf32, #tpu.memory_space<hbm>>
        %dma_wait3A_34 = tpu.memref_slice %arg5[%run_scoped3A, %add3A_16] : memref<1x323584xf32, #tpu.memory_space<hbm>> -> memref<1x128xf32, #tpu.memory_space<hbm>>
        %dma_wait3A_35 = tpu.memref_squeeze %dma_wait3A_34 : memref<1x128xf32, #tpu.memory_space<hbm>> -> memref<128xf32, #tpu.memory_space<hbm>>
        tpu.wait_dma2 semaphore(%run_scoped3A_27 : memref<!tpu.dma_semaphore, #tpu.memory_space<semaphore_mem>>) src(%dma_wait3A_35 : memref<128xf32, #tpu.memory_space<hbm>>) dst(%arg12 : memref<128xf32, #tpu.memory_space<vmem>>)
        tpu.yield
      }) : () -> ()
      %dma_start3A = arith.constant 0 : i32
      %dma_start3A_17 = arith.constant 0 : i32
      %dma_start3A_18 = tpu.memref_slice %arg4[%dma_start3A, %dma_start3A_17] : memref<10112x128xf32, #tpu.memory_space<hbm>> -> memref<10112x128xf32, #tpu.memory_space<hbm>>
      tpu.enqueue_indirect_dma source(%dma_start3A_18 : memref<10112x128xf32, #tpu.memory_space<hbm>>) target(%arg11 : memref<128x128xf32, #tpu.memory_space<vmem>>) offsets(%arg9 : memref<128xi32, #tpu.memory_space<vmem>>) semaphore(%arg13 : memref<!tpu.dma_semaphore, #tpu.memory_space<semaphore_mem>>)
      %dma_wait3A = arith.constant 0 : i32
      %dma_wait3A_19 = arith.constant 0 : i32
      %dma_wait3A_20 = tpu.memref_slice %arg4[%dma_wait3A, %dma_wait3A_19] : memref<10112x128xf32, #tpu.memory_space<hbm>> -> memref<10112x128xf32, #tpu.memory_space<hbm>>
      tpu.wait_indirect_dma semaphore(%arg13 : memref<!tpu.dma_semaphore, #tpu.memory_space<semaphore_mem>>) src(%dma_wait3A_20 : memref<10112x128xf32, #tpu.memory_space<hbm>>) dst(%arg11 : memref<128x128xf32, #tpu.memory_space<vmem>>)
      %scan3A_21 = arith.constant 0 : i32
      %scan3A_22 = arith.constant 0 : i32
      %scan3A_23 = arith.constant 128 : i32
      %scan3A_24 = arith.addi %scan3A_22, %scan3A_23 : i32
      %scan3A_25 = arith.constant 1 : i32
      scf.for %scan3A_27 = %scan3A_22 to %scan3A_24 step %scan3A_25  : i32 {
        %broadcast_in_dim3A = arith.constant 0 : i32
        %broadcast_in_dim3A_28 = vector.broadcast %broadcast_in_dim3A : i32 to vector<16xi32>
        %add3A_29 = vector.broadcast %scan3A_27 : i32 to vector<16xi32>
        %add3A_30 = arith.addi %broadcast_in_dim3A_28, %add3A_29 : vector<16xi32>
        %gather3A = tpu.vector_load_idx %arg12[%add3A_30] : memref<128xf32, #tpu.memory_space<vmem>>[vector<16xi32>], vector<16xf32>,
        %get3A = arith.index_cast %scan3A_27 : i32 to index
        %get3A_31 = arith.constant 0 : index
        %get3A_32 = tpu.vector_load %arg11[%get3A, %get3A_31] {strides = array<i32>} : memref<128x128xf32, #tpu.memory_space<vmem>>, vector<16xf32>,
        %mul3A_33 = arith.mulf %get3A_32, %gather3A : vector<16xf32>
        %swap3A = arith.index_cast %scan3A_27 : i32 to index
        %swap3A_34 = arith.constant 0 : index
        %swap3A_35 = tpu.vector_load %arg11[%swap3A, %swap3A_34] {strides = array<i32>} : memref<128x128xf32, #tpu.memory_space<vmem>>, vector<16xf32>,
        tpu.vector_store %arg11[%swap3A, %swap3A_34], %mul3A_33 {strides = array<i32>} : memref<128x128xf32, #tpu.memory_space<vmem>>, vector<16xf32>,
        %get3A_36 = arith.index_cast %scan3A_27 : i32 to index
        %get3A_37 = arith.constant 16 : index
        %get3A_38 = tpu.vector_load %arg11[%get3A_36, %get3A_37] {strides = array<i32>} : memref<128x128xf32, #tpu.memory_space<vmem>>, vector<16xf32>,
        %mul3A_39 = arith.mulf %get3A_38, %gather3A : vector<16xf32>
        %swap3A_40 = arith.index_cast %scan3A_27 : i32 to index
        %swap3A_41 = arith.constant 16 : index
        %swap3A_42 = tpu.vector_load %arg11[%swap3A_40, %swap3A_41] {strides = array<i32>} : memref<128x128xf32, #tpu.memory_space<vmem>>, vector<16xf32>,
        tpu.vector_store %arg11[%swap3A_40, %swap3A_41], %mul3A_39 {strides = array<i32>} : memref<128x128xf32, #tpu.memory_space<vmem>>, vector<16xf32>,
        %get3A_43 = arith.index_cast %scan3A_27 : i32 to index
        %get3A_44 = arith.constant 32 : index
        %get3A_45 = tpu.vector_load %arg11[%get3A_43, %get3A_44] {strides = array<i32>} : memref<128x128xf32, #tpu.memory_space<vmem>>, vector<16xf32>,
        %mul3A_46 = arith.mulf %get3A_45, %gather3A : vector<16xf32>
        %swap3A_47 = arith.index_cast %scan3A_27 : i32 to index
        %swap3A_48 = arith.constant 32 : index
        %swap3A_49 = tpu.vector_load %arg11[%swap3A_47, %swap3A_48] {strides = array<i32>} : memref<128x128xf32, #tpu.memory_space<vmem>>, vector<16xf32>,
        tpu.vector_store %arg11[%swap3A_47, %swap3A_48], %mul3A_46 {strides = array<i32>} : memref<128x128xf32, #tpu.memory_space<vmem>>, vector<16xf32>,
        %get3A_50 = arith.index_cast %scan3A_27 : i32 to index
        %get3A_51 = arith.constant 48 : index
        %get3A_52 = tpu.vector_load %arg11[%get3A_50, %get3A_51] {strides = array<i32>} : memref<128x128xf32, #tpu.memory_space<vmem>>, vector<16xf32>,
        %mul3A_53 = arith.mulf %get3A_52, %gather3A : vector<16xf32>
        %swap3A_54 = arith.index_cast %scan3A_27 : i32 to index
        %swap3A_55 = arith.constant 48 : index
        %swap3A_56 = tpu.vector_load %arg11[%swap3A_54, %swap3A_55] {strides = array<i32>} : memref<128x128xf32, #tpu.memory_space<vmem>>, vector<16xf32>,
        tpu.vector_store %arg11[%swap3A_54, %swap3A_55], %mul3A_53 {strides = array<i32>} : memref<128x128xf32, #tpu.memory_space<vmem>>, vector<16xf32>,
        %get3A_57 = arith.index_cast %scan3A_27 : i32 to index
        %get3A_58 = arith.constant 64 : index
        %get3A_59 = tpu.vector_load %arg11[%get3A_57, %get3A_58] {strides = array<i32>} : memref<128x128xf32, #tpu.memory_space<vmem>>, vector<16xf32>,
        %mul3A_60 = arith.mulf %get3A_59, %gather3A : vector<16xf32>
        %swap3A_61 = arith.index_cast %scan3A_27 : i32 to index
        %swap3A_62 = arith.constant 64 : index
        %swap3A_63 = tpu.vector_load %arg11[%swap3A_61, %swap3A_62] {strides = array<i32>} : memref<128x128xf32, #tpu.memory_space<vmem>>, vector<16xf32>,
        tpu.vector_store %arg11[%swap3A_61, %swap3A_62], %mul3A_60 {strides = array<i32>} : memref<128x128xf32, #tpu.memory_space<vmem>>, vector<16xf32>,
        %get3A_64 = arith.index_cast %scan3A_27 : i32 to index
        %get3A_65 = arith.constant 80 : index
        %get3A_66 = tpu.vector_load %arg11[%get3A_64, %get3A_65] {strides = array<i32>} : memref<128x128xf32, #tpu.memory_space<vmem>>, vector<16xf32>,
        %mul3A_67 = arith.mulf %get3A_66, %gather3A : vector<16xf32>
        %swap3A_68 = arith.index_cast %scan3A_27 : i32 to index
        %swap3A_69 = arith.constant 80 : index
        %swap3A_70 = tpu.vector_load %arg11[%swap3A_68, %swap3A_69] {strides = array<i32>} : memref<128x128xf32, #tpu.memory_space<vmem>>, vector<16xf32>,
        tpu.vector_store %arg11[%swap3A_68, %swap3A_69], %mul3A_67 {strides = array<i32>} : memref<128x128xf32, #tpu.memory_space<vmem>>, vector<16xf32>,
        %get3A_71 = arith.index_cast %scan3A_27 : i32 to index
        %get3A_72 = arith.constant 96 : index
        %get3A_73 = tpu.vector_load %arg11[%get3A_71, %get3A_72] {strides = array<i32>} : memref<128x128xf32, #tpu.memory_space<vmem>>, vector<16xf32>,
        %mul3A_74 = arith.mulf %get3A_73, %gather3A : vector<16xf32>
        %swap3A_75 = arith.index_cast %scan3A_27 : i32 to index
        %swap3A_76 = arith.constant 96 : index
        %swap3A_77 = tpu.vector_load %arg11[%swap3A_75, %swap3A_76] {strides = array<i32>} : memref<128x128xf32, #tpu.memory_space<vmem>>, vector<16xf32>,
        tpu.vector_store %arg11[%swap3A_75, %swap3A_76], %mul3A_74 {strides = array<i32>} : memref<128x128xf32, #tpu.memory_space<vmem>>, vector<16xf32>,
        %get3A_78 = arith.index_cast %scan3A_27 : i32 to index
        %get3A_79 = arith.constant 112 : index
        %get3A_80 = tpu.vector_load %arg11[%get3A_78, %get3A_79] {strides = array<i32>} : memref<128x128xf32, #tpu.memory_space<vmem>>, vector<16xf32>,
        %mul3A_81 = arith.mulf %get3A_80, %gather3A : vector<16xf32>
        %swap3A_82 = arith.index_cast %scan3A_27 : i32 to index
        %swap3A_83 = arith.constant 112 : index
        %swap3A_84 = tpu.vector_load %arg11[%swap3A_82, %swap3A_83] {strides = array<i32>} : memref<128x128xf32, #tpu.memory_space<vmem>>, vector<16xf32>,
        tpu.vector_store %arg11[%swap3A_82, %swap3A_83], %mul3A_81 {strides = array<i32>} : memref<128x128xf32, #tpu.memory_space<vmem>>, vector<16xf32>,
      }
      %scan3A_26 = arith.constant 128 : i32
      "tpu.region"() ({
        %run_scoped3A_27 = tpu.sem_alloc : memref<!tpu.dma_semaphore, #tpu.memory_space<semaphore_mem>>
        %dma_start3A_28 = arith.constant 0 : i32
        %dma_start3A_29 = arith.constant 0 : i32
        %dma_start3A_30 = tpu.memref_slice %arg8[%dma_start3A_28, %dma_start3A_29] : memref<10112x128xf32, #tpu.memory_space<vmem_shared>> -> memref<10112x128xf32, #tpu.memory_space<vmem_shared>>
        tpu.enqueue_indirect_dma source(%arg11 : memref<128x128xf32, #tpu.memory_space<vmem>>) target(%dma_start3A_30 : memref<10112x128xf32, #tpu.memory_space<vmem_shared>>) offsets(%arg10 : memref<128xi32, #tpu.memory_space<vmem>>) semaphore(%run_scoped3A_27 : memref<!tpu.dma_semaphore, #tpu.memory_space<semaphore_mem>>) {add = true}
        %dma_wait3A_31 = arith.constant 0 : i32
        %dma_wait3A_32 = arith.constant 0 : i32
        %dma_wait3A_33 = tpu.memref_slice %arg8[%dma_wait3A_31, %dma_wait3A_32] : memref<10112x128xf32, #tpu.memory_space<vmem_shared>> -> memref<10112x128xf32, #tpu.memory_space<vmem_shared>>
        tpu.wait_indirect_dma semaphore(%run_scoped3A_27 : memref<!tpu.dma_semaphore, #tpu.memory_space<semaphore_mem>>) src(%arg11 : memref<128x128xf32, #tpu.memory_space<vmem>>) dst(%dma_wait3A_33 : memref<10112x128xf32, #tpu.memory_space<vmem_shared>>)
        tpu.yield
      }) : () -> ()
    }
    %scan3A_7 = arith.constant 79 : i32
    %barrier3A_8 = arith.constant 0 : index
    tpu.barrier barrier_id(%barrier3A_8)
    %mul3A_9 = arith.constant 632 : i32
    %mul3A_10 = arith.muli %arg1, %mul3A_9 : i32
    "tpu.region"() ({
      %run_scoped3A = tpu.sem_alloc : memref<!tpu.dma_semaphore, #tpu.memory_space<semaphore_mem>>
      %dma_start3A = arith.constant 0 : i32
      %dma_start3A_11 = tpu.memref_slice %arg7[%arg0, %mul3A_10, %dma_start3A] : memref<2x10112x128xf32, #tpu.memory_space<hbm>> -> memref<1x632x128xf32, #tpu.memory_space<hbm>>
      %dma_start3A_12 = tpu.memref_squeeze %dma_start3A_11 : memref<1x632x128xf32, #tpu.memory_space<hbm>> -> memref<632x128xf32, #tpu.memory_space<hbm>>
      %dma_start3A_13 = arith.constant 0 : i32
      %dma_start3A_14 = tpu.memref_slice %arg8[%mul3A_10, %dma_start3A_13] : memref<10112x128xf32, #tpu.memory_space<vmem_shared>> -> memref<632x128xf32, #tpu.memory_space<vmem_shared>>
      tpu.enqueue_dma source(%dma_start3A_14 : memref<632x128xf32, #tpu.memory_space<vmem_shared>>) target(%dma_start3A_12 : memref<632x128xf32, #tpu.memory_space<hbm>>) target_semaphore(%run_scoped3A : memref<!tpu.dma_semaphore, #tpu.memory_space<semaphore_mem>>)
      %dma_wait3A = arith.constant 0 : i32
      %dma_wait3A_15 = tpu.memref_slice %arg7[%arg0, %mul3A_10, %dma_wait3A] : memref<2x10112x128xf32, #tpu.memory_space<hbm>> -> memref<1x632x128xf32, #tpu.memory_space<hbm>>
      %dma_wait3A_16 = tpu.memref_squeeze %dma_wait3A_15 : memref<1x632x128xf32, #tpu.memory_space<hbm>> -> memref<632x128xf32, #tpu.memory_space<hbm>>
      %dma_wait3A_17 = arith.constant 0 : i32
      %dma_wait3A_18 = tpu.memref_slice %arg8[%mul3A_10, %dma_wait3A_17] : memref<10112x128xf32, #tpu.memory_space<vmem_shared>> -> memref<632x128xf32, #tpu.memory_space<vmem_shared>>
      tpu.wait_dma2 semaphore(%run_scoped3A : memref<!tpu.dma_semaphore, #tpu.memory_space<semaphore_mem>>) src(%dma_wait3A_18 : memref<632x128xf32, #tpu.memory_space<vmem_shared>>) dst(%dma_wait3A_16 : memref<632x128xf32, #tpu.memory_space<hbm>>)
      tpu.yield
    }) : () -> ()
    return
  }
}

#map = affine_map<(d0, d1) -> (0)>
#map1 = affine_map<(d0, d1) -> (0, 0)>
#map2 = affine_map<(d0, d1) -> (0, 0, 0)>
module attributes {stable_mosaic.version = 14 : i64} {
  func.func @body(%arg0: i32, %arg1: i32, %arg2: memref<323584xi32, #tpu.memory_space<hbm>>, %arg3: memref<323584xi32, #tpu.memory_space<hbm>>, %arg4: memref<20224xf32, #tpu.memory_space<hbm>>, %arg5: memref<20224xf32, #tpu.memory_space<hbm>>, %arg6: memref<10112x128xf32, #tpu.memory_space<hbm>>, %arg7: memref<2x323584xf32, #tpu.memory_space<hbm>>, %arg8: memref<2x160x128xf32, #tpu.memory_space<hbm>>, %arg9: memref<160x128xf32, #tpu.memory_space<vmem_shared>>, %arg10: memref<20224xf32, #tpu.memory_space<vmem>>, %arg11: memref<20224xf32, #tpu.memory_space<vmem>>, %arg12: memref<160x128xf32, #tpu.memory_space<vmem>>, %arg13: memref<128xi32, #tpu.memory_space<vmem>>, %arg14: memref<128xi32, #tpu.memory_space<vmem>>, %arg15: memref<128xf32, #tpu.memory_space<vmem>>, %arg16: memref<128xf32, #tpu.memory_space<vmem>>, %arg17: memref<128xi32, #tpu.memory_space<vmem>>, %arg18: memref<32xi32, #tpu.memory_space<vmem>>) attributes {dimension_semantics = [#tpu.dimension_semantics<core_parallel>, #tpu.dimension_semantics<subcore_parallel>], iteration_bounds = array<i64: 2, 16>, scalar_prefetch = 0 : i64, scratch_operands = 10 : i64, tpu.core_type = #tpu.core_type<sc_vector_subcore>, window_params = [{transform_indices = #map}, {transform_indices = #map}, {transform_indices = #map}, {transform_indices = #map}, {transform_indices = #map1}, {transform_indices = #map1}, {transform_indices = #map2}]} {
    %mul3A = arith.constant 16 : i32
    %mul3A_0 = arith.muli %arg0, %mul3A : i32
    %add3A = arith.addi %mul3A_0, %arg1 : i32
    %iota3A = tpu.iota {dimensions = array<i32: 0>} : vector<16xi32>
    %broadcast_in_dim3A = arith.constant 0.000000e+00 : f32
    %broadcast_in_dim3A_1 = vector.broadcast %broadcast_in_dim3A : f32 to vector<16xf32>
    "tpu.region"() ({
      %run_scoped3A = tpu.sem_alloc : memref<!tpu.dma_semaphore, #tpu.memory_space<semaphore_mem>>
      tpu.enqueue_dma source(%arg4 : memref<20224xf32, #tpu.memory_space<hbm>>) target(%arg10 : memref<20224xf32, #tpu.memory_space<vmem>>) target_semaphore(%run_scoped3A : memref<!tpu.dma_semaphore, #tpu.memory_space<semaphore_mem>>)
      tpu.wait_dma2 semaphore(%run_scoped3A : memref<!tpu.dma_semaphore, #tpu.memory_space<semaphore_mem>>) src(%arg4 : memref<20224xf32, #tpu.memory_space<hbm>>) dst(%arg10 : memref<20224xf32, #tpu.memory_space<vmem>>)
      tpu.yield
    }) : () -> ()
    "tpu.region"() ({
      %run_scoped3A = tpu.sem_alloc : memref<!tpu.dma_semaphore, #tpu.memory_space<semaphore_mem>>
      tpu.enqueue_dma source(%arg5 : memref<20224xf32, #tpu.memory_space<hbm>>) target(%arg11 : memref<20224xf32, #tpu.memory_space<vmem>>) target_semaphore(%run_scoped3A : memref<!tpu.dma_semaphore, #tpu.memory_space<semaphore_mem>>)
      tpu.wait_dma2 semaphore(%run_scoped3A : memref<!tpu.dma_semaphore, #tpu.memory_space<semaphore_mem>>) src(%arg5 : memref<20224xf32, #tpu.memory_space<hbm>>) dst(%arg11 : memref<20224xf32, #tpu.memory_space<vmem>>)
      tpu.yield
    }) : () -> ()
    %eq3A = arith.constant 0 : i32
    %eq3A_2 = arith.cmpi eq, %arg1, %eq3A : i32
    %convert_element_type3A = arith.extui %eq3A_2 : i1 to i32
    %cond3A = arith.constant 0 : i32
    %cond3A_3 = arith.cmpi ne, %convert_element_type3A, %cond3A : i32
    scf.if %cond3A_3 {
      "tpu.region"() ({
        %run_scoped3A = tpu.sem_alloc : memref<!tpu.dma_semaphore, #tpu.memory_space<semaphore_mem>>
        %dma_start3A = arith.constant 0 : i32
        %dma_start3A_70 = arith.constant 0 : i32
        %dma_start3A_71 = tpu.memref_slice %arg6[%dma_start3A, %dma_start3A_70] : memref<10112x128xf32, #tpu.memory_space<hbm>> -> memref<160x128xf32, #tpu.memory_space<hbm>>
        tpu.enqueue_dma source(%dma_start3A_71 : memref<160x128xf32, #tpu.memory_space<hbm>>) target(%arg9 : memref<160x128xf32, #tpu.memory_space<vmem_shared>>) target_semaphore(%run_scoped3A : memref<!tpu.dma_semaphore, #tpu.memory_space<semaphore_mem>>)
        %dma_wait3A = arith.constant 0 : i32
        %dma_wait3A_72 = arith.constant 0 : i32
        %dma_wait3A_73 = tpu.memref_slice %arg6[%dma_wait3A, %dma_wait3A_72] : memref<10112x128xf32, #tpu.memory_space<hbm>> -> memref<160x128xf32, #tpu.memory_space<hbm>>
        tpu.wait_dma2 semaphore(%run_scoped3A : memref<!tpu.dma_semaphore, #tpu.memory_space<semaphore_mem>>) src(%dma_wait3A_73 : memref<160x128xf32, #tpu.memory_space<hbm>>) dst(%arg9 : memref<160x128xf32, #tpu.memory_space<vmem_shared>>)
        tpu.yield
      }) : () -> ()
    } else {
    }
    %scan3A = arith.constant 0 : i32
    %scan3A_4 = arith.constant 0 : i32
    %scan3A_5 = arith.constant 160 : i32
    %scan3A_6 = arith.addi %scan3A_4, %scan3A_5 : i32
    %scan3A_7 = arith.constant 1 : i32
    scf.for %scan3A_70 = %scan3A_4 to %scan3A_6 step %scan3A_7  : i32 {
      %swap3A_71 = arith.index_cast %scan3A_70 : i32 to index
      %swap3A_72 = arith.constant 0 : index
      %swap3A_73 = tpu.vector_load %arg12[%swap3A_71, %swap3A_72] {strides = array<i32>} : memref<160x128xf32, #tpu.memory_space<vmem>>, vector<16xf32>,
      tpu.vector_store %arg12[%swap3A_71, %swap3A_72], %broadcast_in_dim3A_1 {strides = array<i32>} : memref<160x128xf32, #tpu.memory_space<vmem>>, vector<16xf32>,
      %swap3A_74 = arith.index_cast %scan3A_70 : i32 to index
      %swap3A_75 = arith.constant 16 : index
      %swap3A_76 = tpu.vector_load %arg12[%swap3A_74, %swap3A_75] {strides = array<i32>} : memref<160x128xf32, #tpu.memory_space<vmem>>, vector<16xf32>,
      tpu.vector_store %arg12[%swap3A_74, %swap3A_75], %broadcast_in_dim3A_1 {strides = array<i32>} : memref<160x128xf32, #tpu.memory_space<vmem>>, vector<16xf32>,
      %swap3A_77 = arith.index_cast %scan3A_70 : i32 to index
      %swap3A_78 = arith.constant 32 : index
      %swap3A_79 = tpu.vector_load %arg12[%swap3A_77, %swap3A_78] {strides = array<i32>} : memref<160x128xf32, #tpu.memory_space<vmem>>, vector<16xf32>,
      tpu.vector_store %arg12[%swap3A_77, %swap3A_78], %broadcast_in_dim3A_1 {strides = array<i32>} : memref<160x128xf32, #tpu.memory_space<vmem>>, vector<16xf32>,
      %swap3A_80 = arith.index_cast %scan3A_70 : i32 to index
      %swap3A_81 = arith.constant 48 : index
      %swap3A_82 = tpu.vector_load %arg12[%swap3A_80, %swap3A_81] {strides = array<i32>} : memref<160x128xf32, #tpu.memory_space<vmem>>, vector<16xf32>,
      tpu.vector_store %arg12[%swap3A_80, %swap3A_81], %broadcast_in_dim3A_1 {strides = array<i32>} : memref<160x128xf32, #tpu.memory_space<vmem>>, vector<16xf32>,
      %swap3A_83 = arith.index_cast %scan3A_70 : i32 to index
      %swap3A_84 = arith.constant 64 : index
      %swap3A_85 = tpu.vector_load %arg12[%swap3A_83, %swap3A_84] {strides = array<i32>} : memref<160x128xf32, #tpu.memory_space<vmem>>, vector<16xf32>,
      tpu.vector_store %arg12[%swap3A_83, %swap3A_84], %broadcast_in_dim3A_1 {strides = array<i32>} : memref<160x128xf32, #tpu.memory_space<vmem>>, vector<16xf32>,
      %swap3A_86 = arith.index_cast %scan3A_70 : i32 to index
      %swap3A_87 = arith.constant 80 : index
      %swap3A_88 = tpu.vector_load %arg12[%swap3A_86, %swap3A_87] {strides = array<i32>} : memref<160x128xf32, #tpu.memory_space<vmem>>, vector<16xf32>,
      tpu.vector_store %arg12[%swap3A_86, %swap3A_87], %broadcast_in_dim3A_1 {strides = array<i32>} : memref<160x128xf32, #tpu.memory_space<vmem>>, vector<16xf32>,
      %swap3A_89 = arith.index_cast %scan3A_70 : i32 to index
      %swap3A_90 = arith.constant 96 : index
      %swap3A_91 = tpu.vector_load %arg12[%swap3A_89, %swap3A_90] {strides = array<i32>} : memref<160x128xf32, #tpu.memory_space<vmem>>, vector<16xf32>,
      tpu.vector_store %arg12[%swap3A_89, %swap3A_90], %broadcast_in_dim3A_1 {strides = array<i32>} : memref<160x128xf32, #tpu.memory_space<vmem>>, vector<16xf32>,
      %swap3A_92 = arith.index_cast %scan3A_70 : i32 to index
      %swap3A_93 = arith.constant 112 : index
      %swap3A_94 = tpu.vector_load %arg12[%swap3A_92, %swap3A_93] {strides = array<i32>} : memref<160x128xf32, #tpu.memory_space<vmem>>, vector<16xf32>,
      tpu.vector_store %arg12[%swap3A_92, %swap3A_93], %broadcast_in_dim3A_1 {strides = array<i32>} : memref<160x128xf32, #tpu.memory_space<vmem>>, vector<16xf32>,
    }
    %scan3A_8 = arith.constant 160 : i32
    %add3A_9 = arith.constant 0 : i32
    %add3A_10 = vector.broadcast %add3A_9 : i32 to vector<16xi32>
    %add3A_11 = arith.addi %iota3A, %add3A_10 : vector<16xi32>
    %swap3A = arith.constant 0 : index
    %swap3A_12 = tpu.vector_load %arg17[%swap3A] {strides = array<i32>} : memref<128xi32, #tpu.memory_space<vmem>>, vector<16xi32>,
    tpu.vector_store %arg17[%swap3A], %add3A_11 {strides = array<i32>} : memref<128xi32, #tpu.memory_space<vmem>>, vector<16xi32>,
    %add3A_13 = arith.constant 16 : i32
    %add3A_14 = vector.broadcast %add3A_13 : i32 to vector<16xi32>
    %add3A_15 = arith.addi %iota3A, %add3A_14 : vector<16xi32>
    %swap3A_16 = arith.constant 16 : index
    %swap3A_17 = tpu.vector_load %arg17[%swap3A_16] {strides = array<i32>} : memref<128xi32, #tpu.memory_space<vmem>>, vector<16xi32>,
    tpu.vector_store %arg17[%swap3A_16], %add3A_15 {strides = array<i32>} : memref<128xi32, #tpu.memory_space<vmem>>, vector<16xi32>,
    %add3A_18 = arith.constant 32 : i32
    %add3A_19 = vector.broadcast %add3A_18 : i32 to vector<16xi32>
    %add3A_20 = arith.addi %iota3A, %add3A_19 : vector<16xi32>
    %swap3A_21 = arith.constant 32 : index
    %swap3A_22 = tpu.vector_load %arg17[%swap3A_21] {strides = array<i32>} : memref<128xi32, #tpu.memory_space<vmem>>, vector<16xi32>,
    tpu.vector_store %arg17[%swap3A_21], %add3A_20 {strides = array<i32>} : memref<128xi32, #tpu.memory_space<vmem>>, vector<16xi32>,
    %add3A_23 = arith.constant 48 : i32
    %add3A_24 = vector.broadcast %add3A_23 : i32 to vector<16xi32>
    %add3A_25 = arith.addi %iota3A, %add3A_24 : vector<16xi32>
    %swap3A_26 = arith.constant 48 : index
    %swap3A_27 = tpu.vector_load %arg17[%swap3A_26] {strides = array<i32>} : memref<128xi32, #tpu.memory_space<vmem>>, vector<16xi32>,
    tpu.vector_store %arg17[%swap3A_26], %add3A_25 {strides = array<i32>} : memref<128xi32, #tpu.memory_space<vmem>>, vector<16xi32>,
    %add3A_28 = arith.constant 64 : i32
    %add3A_29 = vector.broadcast %add3A_28 : i32 to vector<16xi32>
    %add3A_30 = arith.addi %iota3A, %add3A_29 : vector<16xi32>
    %swap3A_31 = arith.constant 64 : index
    %swap3A_32 = tpu.vector_load %arg17[%swap3A_31] {strides = array<i32>} : memref<128xi32, #tpu.memory_space<vmem>>, vector<16xi32>,
    tpu.vector_store %arg17[%swap3A_31], %add3A_30 {strides = array<i32>} : memref<128xi32, #tpu.memory_space<vmem>>, vector<16xi32>,
    %add3A_33 = arith.constant 80 : i32
    %add3A_34 = vector.broadcast %add3A_33 : i32 to vector<16xi32>
    %add3A_35 = arith.addi %iota3A, %add3A_34 : vector<16xi32>
    %swap3A_36 = arith.constant 80 : index
    %swap3A_37 = tpu.vector_load %arg17[%swap3A_36] {strides = array<i32>} : memref<128xi32, #tpu.memory_space<vmem>>, vector<16xi32>,
    tpu.vector_store %arg17[%swap3A_36], %add3A_35 {strides = array<i32>} : memref<128xi32, #tpu.memory_space<vmem>>, vector<16xi32>,
    %add3A_38 = arith.constant 96 : i32
    %add3A_39 = vector.broadcast %add3A_38 : i32 to vector<16xi32>
    %add3A_40 = arith.addi %iota3A, %add3A_39 : vector<16xi32>
    %swap3A_41 = arith.constant 96 : index
    %swap3A_42 = tpu.vector_load %arg17[%swap3A_41] {strides = array<i32>} : memref<128xi32, #tpu.memory_space<vmem>>, vector<16xi32>,
    tpu.vector_store %arg17[%swap3A_41], %add3A_40 {strides = array<i32>} : memref<128xi32, #tpu.memory_space<vmem>>, vector<16xi32>,
    %add3A_43 = arith.constant 112 : i32
    %add3A_44 = vector.broadcast %add3A_43 : i32 to vector<16xi32>
    %add3A_45 = arith.addi %iota3A, %add3A_44 : vector<16xi32>
    %swap3A_46 = arith.constant 112 : index
    %swap3A_47 = tpu.vector_load %arg17[%swap3A_46] {strides = array<i32>} : memref<128xi32, #tpu.memory_space<vmem>>, vector<16xi32>,
    tpu.vector_store %arg17[%swap3A_46], %add3A_45 {strides = array<i32>} : memref<128xi32, #tpu.memory_space<vmem>>, vector<16xi32>,
    %add3A_48 = arith.constant 128 : i32
    %add3A_49 = vector.broadcast %add3A_48 : i32 to vector<16xi32>
    %add3A_50 = arith.addi %iota3A, %add3A_49 : vector<16xi32>
    %swap3A_51 = arith.constant 0 : index
    %swap3A_52 = tpu.vector_load %arg18[%swap3A_51] {strides = array<i32>} : memref<32xi32, #tpu.memory_space<vmem>>, vector<16xi32>,
    tpu.vector_store %arg18[%swap3A_51], %add3A_50 {strides = array<i32>} : memref<32xi32, #tpu.memory_space<vmem>>, vector<16xi32>,
    %add3A_53 = arith.constant 144 : i32
    %add3A_54 = vector.broadcast %add3A_53 : i32 to vector<16xi32>
    %add3A_55 = arith.addi %iota3A, %add3A_54 : vector<16xi32>
    %swap3A_56 = arith.constant 16 : index
    %swap3A_57 = tpu.vector_load %arg18[%swap3A_56] {strides = array<i32>} : memref<32xi32, #tpu.memory_space<vmem>>, vector<16xi32>,
    tpu.vector_store %arg18[%swap3A_56], %add3A_55 {strides = array<i32>} : memref<32xi32, #tpu.memory_space<vmem>>, vector<16xi32>,
    %barrier3A = arith.constant 0 : index
    tpu.barrier barrier_id(%barrier3A)
    %scan3A_58 = arith.constant 0 : i32
    %scan3A_59 = arith.constant 0 : i32
    %scan3A_60 = arith.constant 79 : i32
    %scan3A_61 = arith.addi %scan3A_59, %scan3A_60 : i32
    %scan3A_62 = arith.constant 1 : i32
    scf.for %scan3A_70 = %scan3A_59 to %scan3A_61 step %scan3A_62  : i32 {
      %mul3A_71 = arith.constant 10112 : i32
      %mul3A_72 = arith.muli %add3A, %mul3A_71 : i32
      %mul3A_73 = arith.constant 128 : i32
      %mul3A_74 = arith.muli %scan3A_70, %mul3A_73 : i32
      %add3A_75 = arith.addi %mul3A_72, %mul3A_74 : i32
      "tpu.region"() ({
        %run_scoped3A_510 = tpu.sem_alloc : memref<!tpu.dma_semaphore, #tpu.memory_space<semaphore_mem>>
        %dma_start3A = tpu.memref_slice %arg2[%add3A_75] : memref<323584xi32, #tpu.memory_space<hbm>> -> memref<128xi32, #tpu.memory_space<hbm>>
        %dma_start3A_511 = tpu.memref_slice %arg2[%add3A_75] : memref<323584xi32, #tpu.memory_space<hbm>> -> memref<128xi32, #tpu.memory_space<hbm>>
        tpu.enqueue_dma source(%dma_start3A_511 : memref<128xi32, #tpu.memory_space<hbm>>) target(%arg13 : memref<128xi32, #tpu.memory_space<vmem>>) target_semaphore(%run_scoped3A_510 : memref<!tpu.dma_semaphore, #tpu.memory_space<semaphore_mem>>)
        %dma_wait3A = tpu.memref_slice %arg2[%add3A_75] : memref<323584xi32, #tpu.memory_space<hbm>> -> memref<128xi32, #tpu.memory_space<hbm>>
        %dma_wait3A_512 = tpu.memref_slice %arg2[%add3A_75] : memref<323584xi32, #tpu.memory_space<hbm>> -> memref<128xi32, #tpu.memory_space<hbm>>
        tpu.wait_dma2 semaphore(%run_scoped3A_510 : memref<!tpu.dma_semaphore, #tpu.memory_space<semaphore_mem>>) src(%dma_wait3A_512 : memref<128xi32, #tpu.memory_space<hbm>>) dst(%arg13 : memref<128xi32, #tpu.memory_space<vmem>>)
        tpu.yield
      }) : () -> ()
      "tpu.region"() ({
        %run_scoped3A_510 = tpu.sem_alloc : memref<!tpu.dma_semaphore, #tpu.memory_space<semaphore_mem>>
        %dma_start3A = tpu.memref_slice %arg3[%add3A_75] : memref<323584xi32, #tpu.memory_space<hbm>> -> memref<128xi32, #tpu.memory_space<hbm>>
        %dma_start3A_511 = tpu.memref_slice %arg3[%add3A_75] : memref<323584xi32, #tpu.memory_space<hbm>> -> memref<128xi32, #tpu.memory_space<hbm>>
        tpu.enqueue_dma source(%dma_start3A_511 : memref<128xi32, #tpu.memory_space<hbm>>) target(%arg14 : memref<128xi32, #tpu.memory_space<vmem>>) target_semaphore(%run_scoped3A_510 : memref<!tpu.dma_semaphore, #tpu.memory_space<semaphore_mem>>)
        %dma_wait3A = tpu.memref_slice %arg3[%add3A_75] : memref<323584xi32, #tpu.memory_space<hbm>> -> memref<128xi32, #tpu.memory_space<hbm>>
        %dma_wait3A_512 = tpu.memref_slice %arg3[%add3A_75] : memref<323584xi32, #tpu.memory_space<hbm>> -> memref<128xi32, #tpu.memory_space<hbm>>
        tpu.wait_dma2 semaphore(%run_scoped3A_510 : memref<!tpu.dma_semaphore, #tpu.memory_space<semaphore_mem>>) src(%dma_wait3A_512 : memref<128xi32, #tpu.memory_space<hbm>>) dst(%arg14 : memref<128xi32, #tpu.memory_space<vmem>>)
        tpu.yield
      }) : () -> ()
      %get3A = arith.constant 0 : index
      %get3A_76 = tpu.vector_load %arg13[%get3A] {strides = array<i32>} : memref<128xi32, #tpu.memory_space<vmem>>, vector<16xi32>,
      %get3A_77 = arith.constant 0 : index
      %get3A_78 = tpu.vector_load %arg14[%get3A_77] {strides = array<i32>} : memref<128xi32, #tpu.memory_space<vmem>>, vector<16xi32>,
      %mul3A_79 = arith.constant 2 : i32
      %mul3A_80 = vector.broadcast %mul3A_79 : i32 to vector<16xi32>
      %mul3A_81 = arith.muli %get3A_76, %mul3A_80 : vector<16xi32>
      %add3A_82 = arith.constant 0 : i32
      %add3A_83 = vector.broadcast %add3A_82 : i32 to vector<16xi32>
      %add3A_84 = arith.addi %mul3A_81, %add3A_83 : vector<16xi32>
      %gather3A = tpu.vector_load_idx %arg10[%add3A_84] : memref<20224xf32, #tpu.memory_space<vmem>>[vector<16xi32>], vector<16xf32>,
      %mul3A_85 = arith.constant 2 : i32
      %mul3A_86 = vector.broadcast %mul3A_85 : i32 to vector<16xi32>
      %mul3A_87 = arith.muli %get3A_78, %mul3A_86 : vector<16xi32>
      %add3A_88 = arith.constant 0 : i32
      %add3A_89 = vector.broadcast %add3A_88 : i32 to vector<16xi32>
      %add3A_90 = arith.addi %mul3A_87, %add3A_89 : vector<16xi32>
      %gather3A_91 = tpu.vector_load_idx %arg11[%add3A_90] : memref<20224xf32, #tpu.memory_space<vmem>>[vector<16xi32>], vector<16xf32>,
      %add3A_92 = arith.addf %gather3A, %gather3A_91 : vector<16xf32>
      %ge3A = arith.constant 0.000000e+00 : f32
      %ge3A_93 = vector.broadcast %ge3A : f32 to vector<16xf32>
      %ge3A_94 = arith.cmpf oge, %add3A_92, %ge3A_93 : vector<16xf32>
      %mul3A_95 = arith.constant 2.000000e-01 : f32
      %mul3A_96 = vector.broadcast %mul3A_95 : f32 to vector<16xf32>
      %mul3A_97 = arith.mulf %add3A_92, %mul3A_96 : vector<16xf32>
      %select_n3A = arith.select %ge3A_94, %add3A_92, %mul3A_97 : vector<16xi1>, vector<16xf32>
      %exp3A = math.exp %select_n3A : vector<16xf32>
      %swap3A_98 = arith.constant 0 : index
      %swap3A_99 = tpu.vector_load %arg15[%swap3A_98] {strides = array<i32>} : memref<128xf32, #tpu.memory_space<vmem>>, vector<16xf32>,
      tpu.vector_store %arg15[%swap3A_98], %exp3A {strides = array<i32>} : memref<128xf32, #tpu.memory_space<vmem>>, vector<16xf32>,
      %mul3A_100 = arith.constant 2 : i32
      %mul3A_101 = vector.broadcast %mul3A_100 : i32 to vector<16xi32>
      %mul3A_102 = arith.muli %get3A_76, %mul3A_101 : vector<16xi32>
      %add3A_103 = arith.constant 1 : i32
      %add3A_104 = vector.broadcast %add3A_103 : i32 to vector<16xi32>
      %add3A_105 = arith.addi %mul3A_102, %add3A_104 : vector<16xi32>
      %gather3A_106 = tpu.vector_load_idx %arg10[%add3A_105] : memref<20224xf32, #tpu.memory_space<vmem>>[vector<16xi32>], vector<16xf32>,
      %mul3A_107 = arith.constant 2 : i32
      %mul3A_108 = vector.broadcast %mul3A_107 : i32 to vector<16xi32>
      %mul3A_109 = arith.muli %get3A_78, %mul3A_108 : vector<16xi32>
      %add3A_110 = arith.constant 1 : i32
      %add3A_111 = vector.broadcast %add3A_110 : i32 to vector<16xi32>
      %add3A_112 = arith.addi %mul3A_109, %add3A_111 : vector<16xi32>
      %gather3A_113 = tpu.vector_load_idx %arg11[%add3A_112] : memref<20224xf32, #tpu.memory_space<vmem>>[vector<16xi32>], vector<16xf32>,
      %add3A_114 = arith.addf %gather3A_106, %gather3A_113 : vector<16xf32>
      %ge3A_115 = arith.constant 0.000000e+00 : f32
      %ge3A_116 = vector.broadcast %ge3A_115 : f32 to vector<16xf32>
      %ge3A_117 = arith.cmpf oge, %add3A_114, %ge3A_116 : vector<16xf32>
      %mul3A_118 = arith.constant 2.000000e-01 : f32
      %mul3A_119 = vector.broadcast %mul3A_118 : f32 to vector<16xf32>
      %mul3A_120 = arith.mulf %add3A_114, %mul3A_119 : vector<16xf32>
      %select_n3A_121 = arith.select %ge3A_117, %add3A_114, %mul3A_120 : vector<16xi1>, vector<16xf32>
      %exp3A_122 = math.exp %select_n3A_121 : vector<16xf32>
      %swap3A_123 = arith.constant 0 : index
      %swap3A_124 = tpu.vector_load %arg16[%swap3A_123] {strides = array<i32>} : memref<128xf32, #tpu.memory_space<vmem>>, vector<16xf32>,
      tpu.vector_store %arg16[%swap3A_123], %exp3A_122 {strides = array<i32>} : memref<128xf32, #tpu.memory_space<vmem>>, vector<16xf32>,
      %get3A_125 = arith.constant 16 : index
      %get3A_126 = tpu.vector_load %arg13[%get3A_125] {strides = array<i32>} : memref<128xi32, #tpu.memory_space<vmem>>, vector<16xi32>,
      %get3A_127 = arith.constant 16 : index
      %get3A_128 = tpu.vector_load %arg14[%get3A_127] {strides = array<i32>} : memref<128xi32, #tpu.memory_space<vmem>>, vector<16xi32>,
      %mul3A_129 = arith.constant 2 : i32
      %mul3A_130 = vector.broadcast %mul3A_129 : i32 to vector<16xi32>
      %mul3A_131 = arith.muli %get3A_126, %mul3A_130 : vector<16xi32>
      %add3A_132 = arith.constant 0 : i32
      %add3A_133 = vector.broadcast %add3A_132 : i32 to vector<16xi32>
      %add3A_134 = arith.addi %mul3A_131, %add3A_133 : vector<16xi32>
      %gather3A_135 = tpu.vector_load_idx %arg10[%add3A_134] : memref<20224xf32, #tpu.memory_space<vmem>>[vector<16xi32>], vector<16xf32>,
      %mul3A_136 = arith.constant 2 : i32
      %mul3A_137 = vector.broadcast %mul3A_136 : i32 to vector<16xi32>
      %mul3A_138 = arith.muli %get3A_128, %mul3A_137 : vector<16xi32>
      %add3A_139 = arith.constant 0 : i32
      %add3A_140 = vector.broadcast %add3A_139 : i32 to vector<16xi32>
      %add3A_141 = arith.addi %mul3A_138, %add3A_140 : vector<16xi32>
      %gather3A_142 = tpu.vector_load_idx %arg11[%add3A_141] : memref<20224xf32, #tpu.memory_space<vmem>>[vector<16xi32>], vector<16xf32>,
      %add3A_143 = arith.addf %gather3A_135, %gather3A_142 : vector<16xf32>
      %ge3A_144 = arith.constant 0.000000e+00 : f32
      %ge3A_145 = vector.broadcast %ge3A_144 : f32 to vector<16xf32>
      %ge3A_146 = arith.cmpf oge, %add3A_143, %ge3A_145 : vector<16xf32>
      %mul3A_147 = arith.constant 2.000000e-01 : f32
      %mul3A_148 = vector.broadcast %mul3A_147 : f32 to vector<16xf32>
      %mul3A_149 = arith.mulf %add3A_143, %mul3A_148 : vector<16xf32>
      %select_n3A_150 = arith.select %ge3A_146, %add3A_143, %mul3A_149 : vector<16xi1>, vector<16xf32>
      %exp3A_151 = math.exp %select_n3A_150 : vector<16xf32>
      %swap3A_152 = arith.constant 16 : index
      %swap3A_153 = tpu.vector_load %arg15[%swap3A_152] {strides = array<i32>} : memref<128xf32, #tpu.memory_space<vmem>>, vector<16xf32>,
      tpu.vector_store %arg15[%swap3A_152], %exp3A_151 {strides = array<i32>} : memref<128xf32, #tpu.memory_space<vmem>>, vector<16xf32>,
      %mul3A_154 = arith.constant 2 : i32
      %mul3A_155 = vector.broadcast %mul3A_154 : i32 to vector<16xi32>
      %mul3A_156 = arith.muli %get3A_126, %mul3A_155 : vector<16xi32>
      %add3A_157 = arith.constant 1 : i32
      %add3A_158 = vector.broadcast %add3A_157 : i32 to vector<16xi32>
      %add3A_159 = arith.addi %mul3A_156, %add3A_158 : vector<16xi32>
      %gather3A_160 = tpu.vector_load_idx %arg10[%add3A_159] : memref<20224xf32, #tpu.memory_space<vmem>>[vector<16xi32>], vector<16xf32>,
      %mul3A_161 = arith.constant 2 : i32
      %mul3A_162 = vector.broadcast %mul3A_161 : i32 to vector<16xi32>
      %mul3A_163 = arith.muli %get3A_128, %mul3A_162 : vector<16xi32>
      %add3A_164 = arith.constant 1 : i32
      %add3A_165 = vector.broadcast %add3A_164 : i32 to vector<16xi32>
      %add3A_166 = arith.addi %mul3A_163, %add3A_165 : vector<16xi32>
      %gather3A_167 = tpu.vector_load_idx %arg11[%add3A_166] : memref<20224xf32, #tpu.memory_space<vmem>>[vector<16xi32>], vector<16xf32>,
      %add3A_168 = arith.addf %gather3A_160, %gather3A_167 : vector<16xf32>
      %ge3A_169 = arith.constant 0.000000e+00 : f32
      %ge3A_170 = vector.broadcast %ge3A_169 : f32 to vector<16xf32>
      %ge3A_171 = arith.cmpf oge, %add3A_168, %ge3A_170 : vector<16xf32>
      %mul3A_172 = arith.constant 2.000000e-01 : f32
      %mul3A_173 = vector.broadcast %mul3A_172 : f32 to vector<16xf32>
      %mul3A_174 = arith.mulf %add3A_168, %mul3A_173 : vector<16xf32>
      %select_n3A_175 = arith.select %ge3A_171, %add3A_168, %mul3A_174 : vector<16xi1>, vector<16xf32>
      %exp3A_176 = math.exp %select_n3A_175 : vector<16xf32>
      %swap3A_177 = arith.constant 16 : index
      %swap3A_178 = tpu.vector_load %arg16[%swap3A_177] {strides = array<i32>} : memref<128xf32, #tpu.memory_space<vmem>>, vector<16xf32>,
      tpu.vector_store %arg16[%swap3A_177], %exp3A_176 {strides = array<i32>} : memref<128xf32, #tpu.memory_space<vmem>>, vector<16xf32>,
      %get3A_179 = arith.constant 32 : index
      %get3A_180 = tpu.vector_load %arg13[%get3A_179] {strides = array<i32>} : memref<128xi32, #tpu.memory_space<vmem>>, vector<16xi32>,
      %get3A_181 = arith.constant 32 : index
      %get3A_182 = tpu.vector_load %arg14[%get3A_181] {strides = array<i32>} : memref<128xi32, #tpu.memory_space<vmem>>, vector<16xi32>,
      %mul3A_183 = arith.constant 2 : i32
      %mul3A_184 = vector.broadcast %mul3A_183 : i32 to vector<16xi32>
      %mul3A_185 = arith.muli %get3A_180, %mul3A_184 : vector<16xi32>
      %add3A_186 = arith.constant 0 : i32
      %add3A_187 = vector.broadcast %add3A_186 : i32 to vector<16xi32>
      %add3A_188 = arith.addi %mul3A_185, %add3A_187 : vector<16xi32>
      %gather3A_189 = tpu.vector_load_idx %arg10[%add3A_188] : memref<20224xf32, #tpu.memory_space<vmem>>[vector<16xi32>], vector<16xf32>,
      %mul3A_190 = arith.constant 2 : i32
      %mul3A_191 = vector.broadcast %mul3A_190 : i32 to vector<16xi32>
      %mul3A_192 = arith.muli %get3A_182, %mul3A_191 : vector<16xi32>
      %add3A_193 = arith.constant 0 : i32
      %add3A_194 = vector.broadcast %add3A_193 : i32 to vector<16xi32>
      %add3A_195 = arith.addi %mul3A_192, %add3A_194 : vector<16xi32>
      %gather3A_196 = tpu.vector_load_idx %arg11[%add3A_195] : memref<20224xf32, #tpu.memory_space<vmem>>[vector<16xi32>], vector<16xf32>,
      %add3A_197 = arith.addf %gather3A_189, %gather3A_196 : vector<16xf32>
      %ge3A_198 = arith.constant 0.000000e+00 : f32
      %ge3A_199 = vector.broadcast %ge3A_198 : f32 to vector<16xf32>
      %ge3A_200 = arith.cmpf oge, %add3A_197, %ge3A_199 : vector<16xf32>
      %mul3A_201 = arith.constant 2.000000e-01 : f32
      %mul3A_202 = vector.broadcast %mul3A_201 : f32 to vector<16xf32>
      %mul3A_203 = arith.mulf %add3A_197, %mul3A_202 : vector<16xf32>
      %select_n3A_204 = arith.select %ge3A_200, %add3A_197, %mul3A_203 : vector<16xi1>, vector<16xf32>
      %exp3A_205 = math.exp %select_n3A_204 : vector<16xf32>
      %swap3A_206 = arith.constant 32 : index
      %swap3A_207 = tpu.vector_load %arg15[%swap3A_206] {strides = array<i32>} : memref<128xf32, #tpu.memory_space<vmem>>, vector<16xf32>,
      tpu.vector_store %arg15[%swap3A_206], %exp3A_205 {strides = array<i32>} : memref<128xf32, #tpu.memory_space<vmem>>, vector<16xf32>,
      %mul3A_208 = arith.constant 2 : i32
      %mul3A_209 = vector.broadcast %mul3A_208 : i32 to vector<16xi32>
      %mul3A_210 = arith.muli %get3A_180, %mul3A_209 : vector<16xi32>
      %add3A_211 = arith.constant 1 : i32
      %add3A_212 = vector.broadcast %add3A_211 : i32 to vector<16xi32>
      %add3A_213 = arith.addi %mul3A_210, %add3A_212 : vector<16xi32>
      %gather3A_214 = tpu.vector_load_idx %arg10[%add3A_213] : memref<20224xf32, #tpu.memory_space<vmem>>[vector<16xi32>], vector<16xf32>,
      %mul3A_215 = arith.constant 2 : i32
      %mul3A_216 = vector.broadcast %mul3A_215 : i32 to vector<16xi32>
      %mul3A_217 = arith.muli %get3A_182, %mul3A_216 : vector<16xi32>
      %add3A_218 = arith.constant 1 : i32
      %add3A_219 = vector.broadcast %add3A_218 : i32 to vector<16xi32>
      %add3A_220 = arith.addi %mul3A_217, %add3A_219 : vector<16xi32>
      %gather3A_221 = tpu.vector_load_idx %arg11[%add3A_220] : memref<20224xf32, #tpu.memory_space<vmem>>[vector<16xi32>], vector<16xf32>,
      %add3A_222 = arith.addf %gather3A_214, %gather3A_221 : vector<16xf32>
      %ge3A_223 = arith.constant 0.000000e+00 : f32
      %ge3A_224 = vector.broadcast %ge3A_223 : f32 to vector<16xf32>
      %ge3A_225 = arith.cmpf oge, %add3A_222, %ge3A_224 : vector<16xf32>
      %mul3A_226 = arith.constant 2.000000e-01 : f32
      %mul3A_227 = vector.broadcast %mul3A_226 : f32 to vector<16xf32>
      %mul3A_228 = arith.mulf %add3A_222, %mul3A_227 : vector<16xf32>
      %select_n3A_229 = arith.select %ge3A_225, %add3A_222, %mul3A_228 : vector<16xi1>, vector<16xf32>
      %exp3A_230 = math.exp %select_n3A_229 : vector<16xf32>
      %swap3A_231 = arith.constant 32 : index
      %swap3A_232 = tpu.vector_load %arg16[%swap3A_231] {strides = array<i32>} : memref<128xf32, #tpu.memory_space<vmem>>, vector<16xf32>,
      tpu.vector_store %arg16[%swap3A_231], %exp3A_230 {strides = array<i32>} : memref<128xf32, #tpu.memory_space<vmem>>, vector<16xf32>,
      %get3A_233 = arith.constant 48 : index
      %get3A_234 = tpu.vector_load %arg13[%get3A_233] {strides = array<i32>} : memref<128xi32, #tpu.memory_space<vmem>>, vector<16xi32>,
      %get3A_235 = arith.constant 48 : index
      %get3A_236 = tpu.vector_load %arg14[%get3A_235] {strides = array<i32>} : memref<128xi32, #tpu.memory_space<vmem>>, vector<16xi32>,
      %mul3A_237 = arith.constant 2 : i32
      %mul3A_238 = vector.broadcast %mul3A_237 : i32 to vector<16xi32>
      %mul3A_239 = arith.muli %get3A_234, %mul3A_238 : vector<16xi32>
      %add3A_240 = arith.constant 0 : i32
      %add3A_241 = vector.broadcast %add3A_240 : i32 to vector<16xi32>
      %add3A_242 = arith.addi %mul3A_239, %add3A_241 : vector<16xi32>
      %gather3A_243 = tpu.vector_load_idx %arg10[%add3A_242] : memref<20224xf32, #tpu.memory_space<vmem>>[vector<16xi32>], vector<16xf32>,
      %mul3A_244 = arith.constant 2 : i32
      %mul3A_245 = vector.broadcast %mul3A_244 : i32 to vector<16xi32>
      %mul3A_246 = arith.muli %get3A_236, %mul3A_245 : vector<16xi32>
      %add3A_247 = arith.constant 0 : i32
      %add3A_248 = vector.broadcast %add3A_247 : i32 to vector<16xi32>
      %add3A_249 = arith.addi %mul3A_246, %add3A_248 : vector<16xi32>
      %gather3A_250 = tpu.vector_load_idx %arg11[%add3A_249] : memref<20224xf32, #tpu.memory_space<vmem>>[vector<16xi32>], vector<16xf32>,
      %add3A_251 = arith.addf %gather3A_243, %gather3A_250 : vector<16xf32>
      %ge3A_252 = arith.constant 0.000000e+00 : f32
      %ge3A_253 = vector.broadcast %ge3A_252 : f32 to vector<16xf32>
      %ge3A_254 = arith.cmpf oge, %add3A_251, %ge3A_253 : vector<16xf32>
      %mul3A_255 = arith.constant 2.000000e-01 : f32
      %mul3A_256 = vector.broadcast %mul3A_255 : f32 to vector<16xf32>
      %mul3A_257 = arith.mulf %add3A_251, %mul3A_256 : vector<16xf32>
      %select_n3A_258 = arith.select %ge3A_254, %add3A_251, %mul3A_257 : vector<16xi1>, vector<16xf32>
      %exp3A_259 = math.exp %select_n3A_258 : vector<16xf32>
      %swap3A_260 = arith.constant 48 : index
      %swap3A_261 = tpu.vector_load %arg15[%swap3A_260] {strides = array<i32>} : memref<128xf32, #tpu.memory_space<vmem>>, vector<16xf32>,
      tpu.vector_store %arg15[%swap3A_260], %exp3A_259 {strides = array<i32>} : memref<128xf32, #tpu.memory_space<vmem>>, vector<16xf32>,
      %mul3A_262 = arith.constant 2 : i32
      %mul3A_263 = vector.broadcast %mul3A_262 : i32 to vector<16xi32>
      %mul3A_264 = arith.muli %get3A_234, %mul3A_263 : vector<16xi32>
      %add3A_265 = arith.constant 1 : i32
      %add3A_266 = vector.broadcast %add3A_265 : i32 to vector<16xi32>
      %add3A_267 = arith.addi %mul3A_264, %add3A_266 : vector<16xi32>
      %gather3A_268 = tpu.vector_load_idx %arg10[%add3A_267] : memref<20224xf32, #tpu.memory_space<vmem>>[vector<16xi32>], vector<16xf32>,
      %mul3A_269 = arith.constant 2 : i32
      %mul3A_270 = vector.broadcast %mul3A_269 : i32 to vector<16xi32>
      %mul3A_271 = arith.muli %get3A_236, %mul3A_270 : vector<16xi32>
      %add3A_272 = arith.constant 1 : i32
      %add3A_273 = vector.broadcast %add3A_272 : i32 to vector<16xi32>
      %add3A_274 = arith.addi %mul3A_271, %add3A_273 : vector<16xi32>
      %gather3A_275 = tpu.vector_load_idx %arg11[%add3A_274] : memref<20224xf32, #tpu.memory_space<vmem>>[vector<16xi32>], vector<16xf32>,
      %add3A_276 = arith.addf %gather3A_268, %gather3A_275 : vector<16xf32>
      %ge3A_277 = arith.constant 0.000000e+00 : f32
      %ge3A_278 = vector.broadcast %ge3A_277 : f32 to vector<16xf32>
      %ge3A_279 = arith.cmpf oge, %add3A_276, %ge3A_278 : vector<16xf32>
      %mul3A_280 = arith.constant 2.000000e-01 : f32
      %mul3A_281 = vector.broadcast %mul3A_280 : f32 to vector<16xf32>
      %mul3A_282 = arith.mulf %add3A_276, %mul3A_281 : vector<16xf32>
      %select_n3A_283 = arith.select %ge3A_279, %add3A_276, %mul3A_282 : vector<16xi1>, vector<16xf32>
      %exp3A_284 = math.exp %select_n3A_283 : vector<16xf32>
      %swap3A_285 = arith.constant 48 : index
      %swap3A_286 = tpu.vector_load %arg16[%swap3A_285] {strides = array<i32>} : memref<128xf32, #tpu.memory_space<vmem>>, vector<16xf32>,
      tpu.vector_store %arg16[%swap3A_285], %exp3A_284 {strides = array<i32>} : memref<128xf32, #tpu.memory_space<vmem>>, vector<16xf32>,
      %get3A_287 = arith.constant 64 : index
      %get3A_288 = tpu.vector_load %arg13[%get3A_287] {strides = array<i32>} : memref<128xi32, #tpu.memory_space<vmem>>, vector<16xi32>,
      %get3A_289 = arith.constant 64 : index
      %get3A_290 = tpu.vector_load %arg14[%get3A_289] {strides = array<i32>} : memref<128xi32, #tpu.memory_space<vmem>>, vector<16xi32>,
      %mul3A_291 = arith.constant 2 : i32
      %mul3A_292 = vector.broadcast %mul3A_291 : i32 to vector<16xi32>
      %mul3A_293 = arith.muli %get3A_288, %mul3A_292 : vector<16xi32>
      %add3A_294 = arith.constant 0 : i32
      %add3A_295 = vector.broadcast %add3A_294 : i32 to vector<16xi32>
      %add3A_296 = arith.addi %mul3A_293, %add3A_295 : vector<16xi32>
      %gather3A_297 = tpu.vector_load_idx %arg10[%add3A_296] : memref<20224xf32, #tpu.memory_space<vmem>>[vector<16xi32>], vector<16xf32>,
      %mul3A_298 = arith.constant 2 : i32
      %mul3A_299 = vector.broadcast %mul3A_298 : i32 to vector<16xi32>
      %mul3A_300 = arith.muli %get3A_290, %mul3A_299 : vector<16xi32>
      %add3A_301 = arith.constant 0 : i32
      %add3A_302 = vector.broadcast %add3A_301 : i32 to vector<16xi32>
      %add3A_303 = arith.addi %mul3A_300, %add3A_302 : vector<16xi32>
      %gather3A_304 = tpu.vector_load_idx %arg11[%add3A_303] : memref<20224xf32, #tpu.memory_space<vmem>>[vector<16xi32>], vector<16xf32>,
      %add3A_305 = arith.addf %gather3A_297, %gather3A_304 : vector<16xf32>
      %ge3A_306 = arith.constant 0.000000e+00 : f32
      %ge3A_307 = vector.broadcast %ge3A_306 : f32 to vector<16xf32>
      %ge3A_308 = arith.cmpf oge, %add3A_305, %ge3A_307 : vector<16xf32>
      %mul3A_309 = arith.constant 2.000000e-01 : f32
      %mul3A_310 = vector.broadcast %mul3A_309 : f32 to vector<16xf32>
      %mul3A_311 = arith.mulf %add3A_305, %mul3A_310 : vector<16xf32>
      %select_n3A_312 = arith.select %ge3A_308, %add3A_305, %mul3A_311 : vector<16xi1>, vector<16xf32>
      %exp3A_313 = math.exp %select_n3A_312 : vector<16xf32>
      %swap3A_314 = arith.constant 64 : index
      %swap3A_315 = tpu.vector_load %arg15[%swap3A_314] {strides = array<i32>} : memref<128xf32, #tpu.memory_space<vmem>>, vector<16xf32>,
      tpu.vector_store %arg15[%swap3A_314], %exp3A_313 {strides = array<i32>} : memref<128xf32, #tpu.memory_space<vmem>>, vector<16xf32>,
      %mul3A_316 = arith.constant 2 : i32
      %mul3A_317 = vector.broadcast %mul3A_316 : i32 to vector<16xi32>
      %mul3A_318 = arith.muli %get3A_288, %mul3A_317 : vector<16xi32>
      %add3A_319 = arith.constant 1 : i32
      %add3A_320 = vector.broadcast %add3A_319 : i32 to vector<16xi32>
      %add3A_321 = arith.addi %mul3A_318, %add3A_320 : vector<16xi32>
      %gather3A_322 = tpu.vector_load_idx %arg10[%add3A_321] : memref<20224xf32, #tpu.memory_space<vmem>>[vector<16xi32>], vector<16xf32>,
      %mul3A_323 = arith.constant 2 : i32
      %mul3A_324 = vector.broadcast %mul3A_323 : i32 to vector<16xi32>
      %mul3A_325 = arith.muli %get3A_290, %mul3A_324 : vector<16xi32>
      %add3A_326 = arith.constant 1 : i32
      %add3A_327 = vector.broadcast %add3A_326 : i32 to vector<16xi32>
      %add3A_328 = arith.addi %mul3A_325, %add3A_327 : vector<16xi32>
      %gather3A_329 = tpu.vector_load_idx %arg11[%add3A_328] : memref<20224xf32, #tpu.memory_space<vmem>>[vector<16xi32>], vector<16xf32>,
      %add3A_330 = arith.addf %gather3A_322, %gather3A_329 : vector<16xf32>
      %ge3A_331 = arith.constant 0.000000e+00 : f32
      %ge3A_332 = vector.broadcast %ge3A_331 : f32 to vector<16xf32>
      %ge3A_333 = arith.cmpf oge, %add3A_330, %ge3A_332 : vector<16xf32>
      %mul3A_334 = arith.constant 2.000000e-01 : f32
      %mul3A_335 = vector.broadcast %mul3A_334 : f32 to vector<16xf32>
      %mul3A_336 = arith.mulf %add3A_330, %mul3A_335 : vector<16xf32>
      %select_n3A_337 = arith.select %ge3A_333, %add3A_330, %mul3A_336 : vector<16xi1>, vector<16xf32>
      %exp3A_338 = math.exp %select_n3A_337 : vector<16xf32>
      %swap3A_339 = arith.constant 64 : index
      %swap3A_340 = tpu.vector_load %arg16[%swap3A_339] {strides = array<i32>} : memref<128xf32, #tpu.memory_space<vmem>>, vector<16xf32>,
      tpu.vector_store %arg16[%swap3A_339], %exp3A_338 {strides = array<i32>} : memref<128xf32, #tpu.memory_space<vmem>>, vector<16xf32>,
      %get3A_341 = arith.constant 80 : index
      %get3A_342 = tpu.vector_load %arg13[%get3A_341] {strides = array<i32>} : memref<128xi32, #tpu.memory_space<vmem>>, vector<16xi32>,
      %get3A_343 = arith.constant 80 : index
      %get3A_344 = tpu.vector_load %arg14[%get3A_343] {strides = array<i32>} : memref<128xi32, #tpu.memory_space<vmem>>, vector<16xi32>,
      %mul3A_345 = arith.constant 2 : i32
      %mul3A_346 = vector.broadcast %mul3A_345 : i32 to vector<16xi32>
      %mul3A_347 = arith.muli %get3A_342, %mul3A_346 : vector<16xi32>
      %add3A_348 = arith.constant 0 : i32
      %add3A_349 = vector.broadcast %add3A_348 : i32 to vector<16xi32>
      %add3A_350 = arith.addi %mul3A_347, %add3A_349 : vector<16xi32>
      %gather3A_351 = tpu.vector_load_idx %arg10[%add3A_350] : memref<20224xf32, #tpu.memory_space<vmem>>[vector<16xi32>], vector<16xf32>,
      %mul3A_352 = arith.constant 2 : i32
      %mul3A_353 = vector.broadcast %mul3A_352 : i32 to vector<16xi32>
      %mul3A_354 = arith.muli %get3A_344, %mul3A_353 : vector<16xi32>
      %add3A_355 = arith.constant 0 : i32
      %add3A_356 = vector.broadcast %add3A_355 : i32 to vector<16xi32>
      %add3A_357 = arith.addi %mul3A_354, %add3A_356 : vector<16xi32>
      %gather3A_358 = tpu.vector_load_idx %arg11[%add3A_357] : memref<20224xf32, #tpu.memory_space<vmem>>[vector<16xi32>], vector<16xf32>,
      %add3A_359 = arith.addf %gather3A_351, %gather3A_358 : vector<16xf32>
      %ge3A_360 = arith.constant 0.000000e+00 : f32
      %ge3A_361 = vector.broadcast %ge3A_360 : f32 to vector<16xf32>
      %ge3A_362 = arith.cmpf oge, %add3A_359, %ge3A_361 : vector<16xf32>
      %mul3A_363 = arith.constant 2.000000e-01 : f32
      %mul3A_364 = vector.broadcast %mul3A_363 : f32 to vector<16xf32>
      %mul3A_365 = arith.mulf %add3A_359, %mul3A_364 : vector<16xf32>
      %select_n3A_366 = arith.select %ge3A_362, %add3A_359, %mul3A_365 : vector<16xi1>, vector<16xf32>
      %exp3A_367 = math.exp %select_n3A_366 : vector<16xf32>
      %swap3A_368 = arith.constant 80 : index
      %swap3A_369 = tpu.vector_load %arg15[%swap3A_368] {strides = array<i32>} : memref<128xf32, #tpu.memory_space<vmem>>, vector<16xf32>,
      tpu.vector_store %arg15[%swap3A_368], %exp3A_367 {strides = array<i32>} : memref<128xf32, #tpu.memory_space<vmem>>, vector<16xf32>,
      %mul3A_370 = arith.constant 2 : i32
      %mul3A_371 = vector.broadcast %mul3A_370 : i32 to vector<16xi32>
      %mul3A_372 = arith.muli %get3A_342, %mul3A_371 : vector<16xi32>
      %add3A_373 = arith.constant 1 : i32
      %add3A_374 = vector.broadcast %add3A_373 : i32 to vector<16xi32>
      %add3A_375 = arith.addi %mul3A_372, %add3A_374 : vector<16xi32>
      %gather3A_376 = tpu.vector_load_idx %arg10[%add3A_375] : memref<20224xf32, #tpu.memory_space<vmem>>[vector<16xi32>], vector<16xf32>,
      %mul3A_377 = arith.constant 2 : i32
      %mul3A_378 = vector.broadcast %mul3A_377 : i32 to vector<16xi32>
      %mul3A_379 = arith.muli %get3A_344, %mul3A_378 : vector<16xi32>
      %add3A_380 = arith.constant 1 : i32
      %add3A_381 = vector.broadcast %add3A_380 : i32 to vector<16xi32>
      %add3A_382 = arith.addi %mul3A_379, %add3A_381 : vector<16xi32>
      %gather3A_383 = tpu.vector_load_idx %arg11[%add3A_382] : memref<20224xf32, #tpu.memory_space<vmem>>[vector<16xi32>], vector<16xf32>,
      %add3A_384 = arith.addf %gather3A_376, %gather3A_383 : vector<16xf32>
      %ge3A_385 = arith.constant 0.000000e+00 : f32
      %ge3A_386 = vector.broadcast %ge3A_385 : f32 to vector<16xf32>
      %ge3A_387 = arith.cmpf oge, %add3A_384, %ge3A_386 : vector<16xf32>
      %mul3A_388 = arith.constant 2.000000e-01 : f32
      %mul3A_389 = vector.broadcast %mul3A_388 : f32 to vector<16xf32>
      %mul3A_390 = arith.mulf %add3A_384, %mul3A_389 : vector<16xf32>
      %select_n3A_391 = arith.select %ge3A_387, %add3A_384, %mul3A_390 : vector<16xi1>, vector<16xf32>
      %exp3A_392 = math.exp %select_n3A_391 : vector<16xf32>
      %swap3A_393 = arith.constant 80 : index
      %swap3A_394 = tpu.vector_load %arg16[%swap3A_393] {strides = array<i32>} : memref<128xf32, #tpu.memory_space<vmem>>, vector<16xf32>,
      tpu.vector_store %arg16[%swap3A_393], %exp3A_392 {strides = array<i32>} : memref<128xf32, #tpu.memory_space<vmem>>, vector<16xf32>,
      %get3A_395 = arith.constant 96 : index
      %get3A_396 = tpu.vector_load %arg13[%get3A_395] {strides = array<i32>} : memref<128xi32, #tpu.memory_space<vmem>>, vector<16xi32>,
      %get3A_397 = arith.constant 96 : index
      %get3A_398 = tpu.vector_load %arg14[%get3A_397] {strides = array<i32>} : memref<128xi32, #tpu.memory_space<vmem>>, vector<16xi32>,
      %mul3A_399 = arith.constant 2 : i32
      %mul3A_400 = vector.broadcast %mul3A_399 : i32 to vector<16xi32>
      %mul3A_401 = arith.muli %get3A_396, %mul3A_400 : vector<16xi32>
      %add3A_402 = arith.constant 0 : i32
      %add3A_403 = vector.broadcast %add3A_402 : i32 to vector<16xi32>
      %add3A_404 = arith.addi %mul3A_401, %add3A_403 : vector<16xi32>
      %gather3A_405 = tpu.vector_load_idx %arg10[%add3A_404] : memref<20224xf32, #tpu.memory_space<vmem>>[vector<16xi32>], vector<16xf32>,
      %mul3A_406 = arith.constant 2 : i32
      %mul3A_407 = vector.broadcast %mul3A_406 : i32 to vector<16xi32>
      %mul3A_408 = arith.muli %get3A_398, %mul3A_407 : vector<16xi32>
      %add3A_409 = arith.constant 0 : i32
      %add3A_410 = vector.broadcast %add3A_409 : i32 to vector<16xi32>
      %add3A_411 = arith.addi %mul3A_408, %add3A_410 : vector<16xi32>
      %gather3A_412 = tpu.vector_load_idx %arg11[%add3A_411] : memref<20224xf32, #tpu.memory_space<vmem>>[vector<16xi32>], vector<16xf32>,
      %add3A_413 = arith.addf %gather3A_405, %gather3A_412 : vector<16xf32>
      %ge3A_414 = arith.constant 0.000000e+00 : f32
      %ge3A_415 = vector.broadcast %ge3A_414 : f32 to vector<16xf32>
      %ge3A_416 = arith.cmpf oge, %add3A_413, %ge3A_415 : vector<16xf32>
      %mul3A_417 = arith.constant 2.000000e-01 : f32
      %mul3A_418 = vector.broadcast %mul3A_417 : f32 to vector<16xf32>
      %mul3A_419 = arith.mulf %add3A_413, %mul3A_418 : vector<16xf32>
      %select_n3A_420 = arith.select %ge3A_416, %add3A_413, %mul3A_419 : vector<16xi1>, vector<16xf32>
      %exp3A_421 = math.exp %select_n3A_420 : vector<16xf32>
      %swap3A_422 = arith.constant 96 : index
      %swap3A_423 = tpu.vector_load %arg15[%swap3A_422] {strides = array<i32>} : memref<128xf32, #tpu.memory_space<vmem>>, vector<16xf32>,
      tpu.vector_store %arg15[%swap3A_422], %exp3A_421 {strides = array<i32>} : memref<128xf32, #tpu.memory_space<vmem>>, vector<16xf32>,
      %mul3A_424 = arith.constant 2 : i32
      %mul3A_425 = vector.broadcast %mul3A_424 : i32 to vector<16xi32>
      %mul3A_426 = arith.muli %get3A_396, %mul3A_425 : vector<16xi32>
      %add3A_427 = arith.constant 1 : i32
      %add3A_428 = vector.broadcast %add3A_427 : i32 to vector<16xi32>
      %add3A_429 = arith.addi %mul3A_426, %add3A_428 : vector<16xi32>
      %gather3A_430 = tpu.vector_load_idx %arg10[%add3A_429] : memref<20224xf32, #tpu.memory_space<vmem>>[vector<16xi32>], vector<16xf32>,
      %mul3A_431 = arith.constant 2 : i32
      %mul3A_432 = vector.broadcast %mul3A_431 : i32 to vector<16xi32>
      %mul3A_433 = arith.muli %get3A_398, %mul3A_432 : vector<16xi32>
      %add3A_434 = arith.constant 1 : i32
      %add3A_435 = vector.broadcast %add3A_434 : i32 to vector<16xi32>
      %add3A_436 = arith.addi %mul3A_433, %add3A_435 : vector<16xi32>
      %gather3A_437 = tpu.vector_load_idx %arg11[%add3A_436] : memref<20224xf32, #tpu.memory_space<vmem>>[vector<16xi32>], vector<16xf32>,
      %add3A_438 = arith.addf %gather3A_430, %gather3A_437 : vector<16xf32>
      %ge3A_439 = arith.constant 0.000000e+00 : f32
      %ge3A_440 = vector.broadcast %ge3A_439 : f32 to vector<16xf32>
      %ge3A_441 = arith.cmpf oge, %add3A_438, %ge3A_440 : vector<16xf32>
      %mul3A_442 = arith.constant 2.000000e-01 : f32
      %mul3A_443 = vector.broadcast %mul3A_442 : f32 to vector<16xf32>
      %mul3A_444 = arith.mulf %add3A_438, %mul3A_443 : vector<16xf32>
      %select_n3A_445 = arith.select %ge3A_441, %add3A_438, %mul3A_444 : vector<16xi1>, vector<16xf32>
      %exp3A_446 = math.exp %select_n3A_445 : vector<16xf32>
      %swap3A_447 = arith.constant 96 : index
      %swap3A_448 = tpu.vector_load %arg16[%swap3A_447] {strides = array<i32>} : memref<128xf32, #tpu.memory_space<vmem>>, vector<16xf32>,
      tpu.vector_store %arg16[%swap3A_447], %exp3A_446 {strides = array<i32>} : memref<128xf32, #tpu.memory_space<vmem>>, vector<16xf32>,
      %get3A_449 = arith.constant 112 : index
      %get3A_450 = tpu.vector_load %arg13[%get3A_449] {strides = array<i32>} : memref<128xi32, #tpu.memory_space<vmem>>, vector<16xi32>,
      %get3A_451 = arith.constant 112 : index
      %get3A_452 = tpu.vector_load %arg14[%get3A_451] {strides = array<i32>} : memref<128xi32, #tpu.memory_space<vmem>>, vector<16xi32>,
      %mul3A_453 = arith.constant 2 : i32
      %mul3A_454 = vector.broadcast %mul3A_453 : i32 to vector<16xi32>
      %mul3A_455 = arith.muli %get3A_450, %mul3A_454 : vector<16xi32>
      %add3A_456 = arith.constant 0 : i32
      %add3A_457 = vector.broadcast %add3A_456 : i32 to vector<16xi32>
      %add3A_458 = arith.addi %mul3A_455, %add3A_457 : vector<16xi32>
      %gather3A_459 = tpu.vector_load_idx %arg10[%add3A_458] : memref<20224xf32, #tpu.memory_space<vmem>>[vector<16xi32>], vector<16xf32>,
      %mul3A_460 = arith.constant 2 : i32
      %mul3A_461 = vector.broadcast %mul3A_460 : i32 to vector<16xi32>
      %mul3A_462 = arith.muli %get3A_452, %mul3A_461 : vector<16xi32>
      %add3A_463 = arith.constant 0 : i32
      %add3A_464 = vector.broadcast %add3A_463 : i32 to vector<16xi32>
      %add3A_465 = arith.addi %mul3A_462, %add3A_464 : vector<16xi32>
      %gather3A_466 = tpu.vector_load_idx %arg11[%add3A_465] : memref<20224xf32, #tpu.memory_space<vmem>>[vector<16xi32>], vector<16xf32>,
      %add3A_467 = arith.addf %gather3A_459, %gather3A_466 : vector<16xf32>
      %ge3A_468 = arith.constant 0.000000e+00 : f32
      %ge3A_469 = vector.broadcast %ge3A_468 : f32 to vector<16xf32>
      %ge3A_470 = arith.cmpf oge, %add3A_467, %ge3A_469 : vector<16xf32>
      %mul3A_471 = arith.constant 2.000000e-01 : f32
      %mul3A_472 = vector.broadcast %mul3A_471 : f32 to vector<16xf32>
      %mul3A_473 = arith.mulf %add3A_467, %mul3A_472 : vector<16xf32>
      %select_n3A_474 = arith.select %ge3A_470, %add3A_467, %mul3A_473 : vector<16xi1>, vector<16xf32>
      %exp3A_475 = math.exp %select_n3A_474 : vector<16xf32>
      %swap3A_476 = arith.constant 112 : index
      %swap3A_477 = tpu.vector_load %arg15[%swap3A_476] {strides = array<i32>} : memref<128xf32, #tpu.memory_space<vmem>>, vector<16xf32>,
      tpu.vector_store %arg15[%swap3A_476], %exp3A_475 {strides = array<i32>} : memref<128xf32, #tpu.memory_space<vmem>>, vector<16xf32>,
      %mul3A_478 = arith.constant 2 : i32
      %mul3A_479 = vector.broadcast %mul3A_478 : i32 to vector<16xi32>
      %mul3A_480 = arith.muli %get3A_450, %mul3A_479 : vector<16xi32>
      %add3A_481 = arith.constant 1 : i32
      %add3A_482 = vector.broadcast %add3A_481 : i32 to vector<16xi32>
      %add3A_483 = arith.addi %mul3A_480, %add3A_482 : vector<16xi32>
      %gather3A_484 = tpu.vector_load_idx %arg10[%add3A_483] : memref<20224xf32, #tpu.memory_space<vmem>>[vector<16xi32>], vector<16xf32>,
      %mul3A_485 = arith.constant 2 : i32
      %mul3A_486 = vector.broadcast %mul3A_485 : i32 to vector<16xi32>
      %mul3A_487 = arith.muli %get3A_452, %mul3A_486 : vector<16xi32>
      %add3A_488 = arith.constant 1 : i32
      %add3A_489 = vector.broadcast %add3A_488 : i32 to vector<16xi32>
      %add3A_490 = arith.addi %mul3A_487, %add3A_489 : vector<16xi32>
      %gather3A_491 = tpu.vector_load_idx %arg11[%add3A_490] : memref<20224xf32, #tpu.memory_space<vmem>>[vector<16xi32>], vector<16xf32>,
      %add3A_492 = arith.addf %gather3A_484, %gather3A_491 : vector<16xf32>
      %ge3A_493 = arith.constant 0.000000e+00 : f32
      %ge3A_494 = vector.broadcast %ge3A_493 : f32 to vector<16xf32>
      %ge3A_495 = arith.cmpf oge, %add3A_492, %ge3A_494 : vector<16xf32>
      %mul3A_496 = arith.constant 2.000000e-01 : f32
      %mul3A_497 = vector.broadcast %mul3A_496 : f32 to vector<16xf32>
      %mul3A_498 = arith.mulf %add3A_492, %mul3A_497 : vector<16xf32>
      %select_n3A_499 = arith.select %ge3A_495, %add3A_492, %mul3A_498 : vector<16xi1>, vector<16xf32>
      %exp3A_500 = math.exp %select_n3A_499 : vector<16xf32>
      %swap3A_501 = arith.constant 112 : index
      %swap3A_502 = tpu.vector_load %arg16[%swap3A_501] {strides = array<i32>} : memref<128xf32, #tpu.memory_space<vmem>>, vector<16xf32>,
      tpu.vector_store %arg16[%swap3A_501], %exp3A_500 {strides = array<i32>} : memref<128xf32, #tpu.memory_space<vmem>>, vector<16xf32>,
      %run_scoped3A = arith.constant 0 : i32
      "tpu.region"() ({
        %run_scoped3A_510 = tpu.sem_alloc : memref<!tpu.dma_semaphore, #tpu.memory_space<semaphore_mem>>
        %dma_start3A = tpu.memref_slice %arg7[%run_scoped3A, %add3A_75] : memref<2x323584xf32, #tpu.memory_space<hbm>> -> memref<1x128xf32, #tpu.memory_space<hbm>>
        %dma_start3A_511 = tpu.memref_squeeze %dma_start3A : memref<1x128xf32, #tpu.memory_space<hbm>> -> memref<128xf32, #tpu.memory_space<hbm>>
        %dma_start3A_512 = tpu.memref_slice %arg7[%run_scoped3A, %add3A_75] : memref<2x323584xf32, #tpu.memory_space<hbm>> -> memref<1x128xf32, #tpu.memory_space<hbm>>
        %dma_start3A_513 = tpu.memref_squeeze %dma_start3A_512 : memref<1x128xf32, #tpu.memory_space<hbm>> -> memref<128xf32, #tpu.memory_space<hbm>>
        tpu.enqueue_dma source(%arg15 : memref<128xf32, #tpu.memory_space<vmem>>) target(%dma_start3A_513 : memref<128xf32, #tpu.memory_space<hbm>>) target_semaphore(%run_scoped3A_510 : memref<!tpu.dma_semaphore, #tpu.memory_space<semaphore_mem>>)
        %dma_wait3A = tpu.memref_slice %arg7[%run_scoped3A, %add3A_75] : memref<2x323584xf32, #tpu.memory_space<hbm>> -> memref<1x128xf32, #tpu.memory_space<hbm>>
        %dma_wait3A_514 = tpu.memref_squeeze %dma_wait3A : memref<1x128xf32, #tpu.memory_space<hbm>> -> memref<128xf32, #tpu.memory_space<hbm>>
        %dma_wait3A_515 = tpu.memref_slice %arg7[%run_scoped3A, %add3A_75] : memref<2x323584xf32, #tpu.memory_space<hbm>> -> memref<1x128xf32, #tpu.memory_space<hbm>>
        %dma_wait3A_516 = tpu.memref_squeeze %dma_wait3A_515 : memref<1x128xf32, #tpu.memory_space<hbm>> -> memref<128xf32, #tpu.memory_space<hbm>>
        tpu.wait_dma2 semaphore(%run_scoped3A_510 : memref<!tpu.dma_semaphore, #tpu.memory_space<semaphore_mem>>) src(%arg15 : memref<128xf32, #tpu.memory_space<vmem>>) dst(%dma_wait3A_516 : memref<128xf32, #tpu.memory_space<hbm>>)
        tpu.yield
      }) : () -> ()
      %run_scoped3A_503 = arith.constant 1 : i32
      "tpu.region"() ({
        %run_scoped3A_510 = tpu.sem_alloc : memref<!tpu.dma_semaphore, #tpu.memory_space<semaphore_mem>>
        %dma_start3A = tpu.memref_slice %arg7[%run_scoped3A_503, %add3A_75] : memref<2x323584xf32, #tpu.memory_space<hbm>> -> memref<1x128xf32, #tpu.memory_space<hbm>>
        %dma_start3A_511 = tpu.memref_squeeze %dma_start3A : memref<1x128xf32, #tpu.memory_space<hbm>> -> memref<128xf32, #tpu.memory_space<hbm>>
        %dma_start3A_512 = tpu.memref_slice %arg7[%run_scoped3A_503, %add3A_75] : memref<2x323584xf32, #tpu.memory_space<hbm>> -> memref<1x128xf32, #tpu.memory_space<hbm>>
        %dma_start3A_513 = tpu.memref_squeeze %dma_start3A_512 : memref<1x128xf32, #tpu.memory_space<hbm>> -> memref<128xf32, #tpu.memory_space<hbm>>
        tpu.enqueue_dma source(%arg16 : memref<128xf32, #tpu.memory_space<vmem>>) target(%dma_start3A_513 : memref<128xf32, #tpu.memory_space<hbm>>) target_semaphore(%run_scoped3A_510 : memref<!tpu.dma_semaphore, #tpu.memory_space<semaphore_mem>>)
        %dma_wait3A = tpu.memref_slice %arg7[%run_scoped3A_503, %add3A_75] : memref<2x323584xf32, #tpu.memory_space<hbm>> -> memref<1x128xf32, #tpu.memory_space<hbm>>
        %dma_wait3A_514 = tpu.memref_squeeze %dma_wait3A : memref<1x128xf32, #tpu.memory_space<hbm>> -> memref<128xf32, #tpu.memory_space<hbm>>
        %dma_wait3A_515 = tpu.memref_slice %arg7[%run_scoped3A_503, %add3A_75] : memref<2x323584xf32, #tpu.memory_space<hbm>> -> memref<1x128xf32, #tpu.memory_space<hbm>>
        %dma_wait3A_516 = tpu.memref_squeeze %dma_wait3A_515 : memref<1x128xf32, #tpu.memory_space<hbm>> -> memref<128xf32, #tpu.memory_space<hbm>>
        tpu.wait_dma2 semaphore(%run_scoped3A_510 : memref<!tpu.dma_semaphore, #tpu.memory_space<semaphore_mem>>) src(%arg16 : memref<128xf32, #tpu.memory_space<vmem>>) dst(%dma_wait3A_516 : memref<128xf32, #tpu.memory_space<hbm>>)
        tpu.yield
      }) : () -> ()
      %scan3A_504 = arith.constant 0 : i32
      %scan3A_505 = arith.constant 0 : i32
      %scan3A_506 = arith.constant 128 : i32
      %scan3A_507 = arith.addi %scan3A_505, %scan3A_506 : i32
      %scan3A_508 = arith.constant 1 : i32
      scf.for %scan3A_510 = %scan3A_505 to %scan3A_507 step %scan3A_508  : i32 {
        %broadcast_in_dim3A_511 = arith.constant 0 : i32
        %broadcast_in_dim3A_512 = vector.broadcast %broadcast_in_dim3A_511 : i32 to vector<16xi32>
        %add3A_513 = vector.broadcast %scan3A_510 : i32 to vector<16xi32>
        %add3A_514 = arith.addi %broadcast_in_dim3A_512, %add3A_513 : vector<16xi32>
        %gather3A_515 = tpu.vector_load_idx %arg15[%add3A_514] : memref<128xf32, #tpu.memory_space<vmem>>[vector<16xi32>], vector<16xf32>,
        %eq3A_516 = arith.constant 0 : i32
        %eq3A_517 = vector.broadcast %eq3A_516 : i32 to vector<16xi32>
        %eq3A_518 = arith.cmpi eq, %iota3A, %eq3A_517 : vector<16xi32>
        %select_n3A_519 = arith.select %eq3A_518, %gather3A_515, %broadcast_in_dim3A_1 : vector<16xi1>, vector<16xf32>
        %gather3A_520 = tpu.vector_load_idx %arg16[%add3A_514] : memref<128xf32, #tpu.memory_space<vmem>>[vector<16xi32>], vector<16xf32>,
        %eq3A_521 = arith.constant 1 : i32
        %eq3A_522 = vector.broadcast %eq3A_521 : i32 to vector<16xi32>
        %eq3A_523 = arith.cmpi eq, %iota3A, %eq3A_522 : vector<16xi32>
        %select_n3A_524 = arith.select %eq3A_523, %gather3A_520, %select_n3A_519 : vector<16xi1>, vector<16xf32>
        %gather3A_525 = tpu.vector_load_idx %arg14[%add3A_514] : memref<128xi32, #tpu.memory_space<vmem>>[vector<16xi32>], vector<16xi32>,
        %mul3A_526 = arith.constant 2 : i32
        %mul3A_527 = vector.broadcast %mul3A_526 : i32 to vector<16xi32>
        %mul3A_528 = arith.muli %gather3A_525, %mul3A_527 : vector<16xi32>
        %lt3A = arith.constant 2 : i32
        %lt3A_529 = vector.broadcast %lt3A : i32 to vector<16xi32>
        %lt3A_530 = arith.cmpi slt, %iota3A, %lt3A_529 : vector<16xi32>
        %jit3A = arith.constant 0 : i32
        %broadcast_in_dim3A_531 = vector.broadcast %jit3A : i32 to vector<16xi32>
        %select_n3A_532 = arith.select %lt3A_530, %iota3A, %broadcast_in_dim3A_531 : vector<16xi1>, vector<16xi32>
        %add3A_533 = arith.addi %mul3A_528, %select_n3A_532 : vector<16xi32>
        %shift_right_arithmetic3A = arith.constant 7 : i32
        %shift_right_arithmetic3A_534 = vector.broadcast %shift_right_arithmetic3A : i32 to vector<16xi32>
        %shift_right_arithmetic3A_535 = arith.shrsi %add3A_533, %shift_right_arithmetic3A_534 : vector<16xi32>
        %and3A = arith.constant 127 : i32
        %and3A_536 = vector.broadcast %and3A : i32 to vector<16xi32>
        %and3A_537 = arith.andi %add3A_533, %and3A_536 : vector<16xi32>
        %gather3A_538 = tpu.vector_load_idx %arg12[%shift_right_arithmetic3A_535, %and3A_537] : memref<160x128xf32, #tpu.memory_space<vmem>>[vector<16xi32>, vector<16xi32>], vector<16xf32>,
        %add3A_539 = arith.addf %gather3A_538, %select_n3A_524 : vector<16xf32>
        %lt3A_540 = arith.constant 2 : i32
        %lt3A_541 = vector.broadcast %lt3A_540 : i32 to vector<16xi32>
        %lt3A_542 = arith.cmpi slt, %iota3A, %lt3A_541 : vector<16xi32>
        tpu.vector_store_idx %arg12[%shift_right_arithmetic3A_535, %and3A_537], %add3A_539 masked %lt3A_542 : memref<160x128xf32, #tpu.memory_space<vmem>>[vector<16xi32>, vector<16xi32>], vector<16xf32>, vector<16xi1>
      }
      %scan3A_509 = arith.constant 128 : i32
    }
    %scan3A_63 = arith.constant 79 : i32
    "tpu.region"() ({
      %run_scoped3A = tpu.sem_alloc : memref<!tpu.dma_semaphore, #tpu.memory_space<semaphore_mem>>
      %dma_start3A = arith.constant 0 : i32
      %dma_start3A_70 = arith.constant 0 : i32
      %dma_start3A_71 = tpu.memref_slice %arg12[%dma_start3A, %dma_start3A_70] : memref<160x128xf32, #tpu.memory_space<vmem>> -> memref<128x128xf32, #tpu.memory_space<vmem>>
      %dma_start3A_72 = arith.constant 0 : i32
      %dma_start3A_73 = arith.constant 0 : i32
      %dma_start3A_74 = tpu.memref_slice %arg9[%dma_start3A_72, %dma_start3A_73] : memref<160x128xf32, #tpu.memory_space<vmem_shared>> -> memref<160x128xf32, #tpu.memory_space<vmem_shared>>
      tpu.enqueue_indirect_dma source(%dma_start3A_71 : memref<128x128xf32, #tpu.memory_space<vmem>>) target(%dma_start3A_74 : memref<160x128xf32, #tpu.memory_space<vmem_shared>>) offsets(%arg17 : memref<128xi32, #tpu.memory_space<vmem>>) semaphore(%run_scoped3A : memref<!tpu.dma_semaphore, #tpu.memory_space<semaphore_mem>>) {add = true}
      %dma_wait3A = arith.constant 0 : i32
      %dma_wait3A_75 = arith.constant 0 : i32
      %dma_wait3A_76 = tpu.memref_slice %arg12[%dma_wait3A, %dma_wait3A_75] : memref<160x128xf32, #tpu.memory_space<vmem>> -> memref<128x128xf32, #tpu.memory_space<vmem>>
      %dma_wait3A_77 = arith.constant 0 : i32
      %dma_wait3A_78 = arith.constant 0 : i32
      %dma_wait3A_79 = tpu.memref_slice %arg9[%dma_wait3A_77, %dma_wait3A_78] : memref<160x128xf32, #tpu.memory_space<vmem_shared>> -> memref<160x128xf32, #tpu.memory_space<vmem_shared>>
      tpu.wait_indirect_dma semaphore(%run_scoped3A : memref<!tpu.dma_semaphore, #tpu.memory_space<semaphore_mem>>) src(%dma_wait3A_76 : memref<128x128xf32, #tpu.memory_space<vmem>>) dst(%dma_wait3A_79 : memref<160x128xf32, #tpu.memory_space<vmem_shared>>)
      tpu.yield
    }) : () -> ()
    "tpu.region"() ({
      %run_scoped3A = tpu.sem_alloc : memref<!tpu.dma_semaphore, #tpu.memory_space<semaphore_mem>>
      %dma_start3A = arith.constant 128 : i32
      %dma_start3A_70 = arith.constant 0 : i32
      %dma_start3A_71 = tpu.memref_slice %arg12[%dma_start3A, %dma_start3A_70] : memref<160x128xf32, #tpu.memory_space<vmem>> -> memref<32x128xf32, #tpu.memory_space<vmem>>
      %dma_start3A_72 = arith.constant 0 : i32
      %dma_start3A_73 = arith.constant 0 : i32
      %dma_start3A_74 = tpu.memref_slice %arg9[%dma_start3A_72, %dma_start3A_73] : memref<160x128xf32, #tpu.memory_space<vmem_shared>> -> memref<160x128xf32, #tpu.memory_space<vmem_shared>>
      tpu.enqueue_indirect_dma source(%dma_start3A_71 : memref<32x128xf32, #tpu.memory_space<vmem>>) target(%dma_start3A_74 : memref<160x128xf32, #tpu.memory_space<vmem_shared>>) offsets(%arg18 : memref<32xi32, #tpu.memory_space<vmem>>) semaphore(%run_scoped3A : memref<!tpu.dma_semaphore, #tpu.memory_space<semaphore_mem>>) {add = true}
      %dma_wait3A = arith.constant 128 : i32
      %dma_wait3A_75 = arith.constant 0 : i32
      %dma_wait3A_76 = tpu.memref_slice %arg12[%dma_wait3A, %dma_wait3A_75] : memref<160x128xf32, #tpu.memory_space<vmem>> -> memref<32x128xf32, #tpu.memory_space<vmem>>
      %dma_wait3A_77 = arith.constant 0 : i32
      %dma_wait3A_78 = arith.constant 0 : i32
      %dma_wait3A_79 = tpu.memref_slice %arg9[%dma_wait3A_77, %dma_wait3A_78] : memref<160x128xf32, #tpu.memory_space<vmem_shared>> -> memref<160x128xf32, #tpu.memory_space<vmem_shared>>
      tpu.wait_indirect_dma semaphore(%run_scoped3A : memref<!tpu.dma_semaphore, #tpu.memory_space<semaphore_mem>>) src(%dma_wait3A_76 : memref<32x128xf32, #tpu.memory_space<vmem>>) dst(%dma_wait3A_79 : memref<160x128xf32, #tpu.memory_space<vmem_shared>>)
      tpu.yield
    }) : () -> ()
    %barrier3A_64 = arith.constant 0 : index
    tpu.barrier barrier_id(%barrier3A_64)
    %eq3A_65 = arith.constant 0 : i32
    %eq3A_66 = arith.cmpi eq, %arg1, %eq3A_65 : i32
    %convert_element_type3A_67 = arith.extui %eq3A_66 : i1 to i32
    %cond3A_68 = arith.constant 0 : i32
    %cond3A_69 = arith.cmpi ne, %convert_element_type3A_67, %cond3A_68 : i32
    scf.if %cond3A_69 {
      "tpu.region"() ({
        %run_scoped3A = tpu.sem_alloc : memref<!tpu.dma_semaphore, #tpu.memory_space<semaphore_mem>>
        %dma_start3A = arith.constant 0 : i32
        %dma_start3A_70 = arith.constant 0 : i32
        %dma_start3A_71 = tpu.memref_slice %arg8[%arg0, %dma_start3A, %dma_start3A_70] : memref<2x160x128xf32, #tpu.memory_space<hbm>> -> memref<1x160x128xf32, #tpu.memory_space<hbm>>
        %dma_start3A_72 = tpu.memref_squeeze %dma_start3A_71 : memref<1x160x128xf32, #tpu.memory_space<hbm>> -> memref<160x128xf32, #tpu.memory_space<hbm>>
        tpu.enqueue_dma source(%arg9 : memref<160x128xf32, #tpu.memory_space<vmem_shared>>) target(%dma_start3A_72 : memref<160x128xf32, #tpu.memory_space<hbm>>) target_semaphore(%run_scoped3A : memref<!tpu.dma_semaphore, #tpu.memory_space<semaphore_mem>>)
        %dma_wait3A = arith.constant 0 : i32
        %dma_wait3A_73 = arith.constant 0 : i32
        %dma_wait3A_74 = tpu.memref_slice %arg8[%arg0, %dma_wait3A, %dma_wait3A_73] : memref<2x160x128xf32, #tpu.memory_space<hbm>> -> memref<1x160x128xf32, #tpu.memory_space<hbm>>
        %dma_wait3A_75 = tpu.memref_squeeze %dma_wait3A_74 : memref<1x160x128xf32, #tpu.memory_space<hbm>> -> memref<160x128xf32, #tpu.memory_space<hbm>>
        tpu.wait_dma2 semaphore(%run_scoped3A : memref<!tpu.dma_semaphore, #tpu.memory_space<semaphore_mem>>) src(%arg9 : memref<160x128xf32, #tpu.memory_space<vmem_shared>>) dst(%dma_wait3A_75 : memref<160x128xf32, #tpu.memory_space<hbm>>)
        tpu.yield
      }) : () -> ()
    } else {
    }
    return
  }
}

#map = affine_map<(d0, d1) -> (0)>
#map1 = affine_map<(d0, d1) -> (0, 0)>
#map2 = affine_map<(d0, d1) -> (0, 0, 0)>
module attributes {stable_mosaic.version = 14 : i64} {
  func.func @body(%arg0: i32, %arg1: i32, %arg2: memref<323584xi32, #tpu.memory_space<hbm>>, %arg3: memref<323584xi32, #tpu.memory_space<hbm>>, %arg4: memref<10112x128xf32, #tpu.memory_space<hbm>>, %arg5: memref<2x323584xf32, #tpu.memory_space<hbm>>, %arg6: memref<10112x128xf32, #tpu.memory_space<hbm>>, %arg7: memref<2x10112x128xf32, #tpu.memory_space<hbm>>, %arg8: memref<10112x128xf32, #tpu.memory_space<vmem_shared>>, %arg9: memref<128xi32, #tpu.memory_space<vmem>>, %arg10: memref<128xi32, #tpu.memory_space<vmem>>, %arg11: memref<128x128xf32, #tpu.memory_space<vmem>>, %arg12: memref<128xf32, #tpu.memory_space<vmem>>, %arg13: memref<128xf32, #tpu.memory_space<vmem>>, %arg14: memref<!tpu.dma_semaphore, #tpu.memory_space<semaphore_mem>>) attributes {dimension_semantics = [#tpu.dimension_semantics<core_parallel>, #tpu.dimension_semantics<subcore_parallel>], iteration_bounds = array<i64: 2, 16>, scalar_prefetch = 0 : i64, scratch_operands = 7 : i64, tpu.core_type = #tpu.core_type<sc_vector_subcore>, window_params = [{transform_indices = #map}, {transform_indices = #map}, {transform_indices = #map1}, {transform_indices = #map1}, {transform_indices = #map1}, {transform_indices = #map2}]} {
    %mul3A = arith.constant 16 : i32
    %mul3A_0 = arith.muli %arg0, %mul3A : i32
    %add3A = arith.addi %mul3A_0, %arg1 : i32
    %eq3A = arith.constant 0 : i32
    %eq3A_1 = arith.cmpi eq, %arg1, %eq3A : i32
    %convert_element_type3A = arith.extui %eq3A_1 : i1 to i32
    %cond3A = arith.constant 0 : i32
    %cond3A_2 = arith.cmpi ne, %convert_element_type3A, %cond3A : i32
    scf.if %cond3A_2 {
      "tpu.region"() ({
        %run_scoped3A = tpu.sem_alloc : memref<!tpu.dma_semaphore, #tpu.memory_space<semaphore_mem>>
        tpu.enqueue_dma source(%arg6 : memref<10112x128xf32, #tpu.memory_space<hbm>>) target(%arg8 : memref<10112x128xf32, #tpu.memory_space<vmem_shared>>) target_semaphore(%run_scoped3A : memref<!tpu.dma_semaphore, #tpu.memory_space<semaphore_mem>>)
        tpu.wait_dma2 semaphore(%run_scoped3A : memref<!tpu.dma_semaphore, #tpu.memory_space<semaphore_mem>>) src(%arg6 : memref<10112x128xf32, #tpu.memory_space<hbm>>) dst(%arg8 : memref<10112x128xf32, #tpu.memory_space<vmem_shared>>)
        tpu.yield
      }) : () -> ()
    } else {
    }
    %barrier3A = arith.constant 0 : index
    tpu.barrier barrier_id(%barrier3A)
    %scan3A = arith.constant 0 : i32
    %scan3A_3 = arith.constant 0 : i32
    %scan3A_4 = arith.constant 79 : i32
    %scan3A_5 = arith.addi %scan3A_3, %scan3A_4 : i32
    %scan3A_6 = arith.constant 1 : i32
    scf.for %scan3A_11 = %scan3A_3 to %scan3A_5 step %scan3A_6  : i32 {
      %mul3A_12 = arith.constant 10112 : i32
      %mul3A_13 = arith.muli %add3A, %mul3A_12 : i32
      %mul3A_14 = arith.constant 128 : i32
      %mul3A_15 = arith.muli %scan3A_11, %mul3A_14 : i32
      %add3A_16 = arith.addi %mul3A_13, %mul3A_15 : i32
      "tpu.region"() ({
        %run_scoped3A_28 = tpu.sem_alloc : memref<!tpu.dma_semaphore, #tpu.memory_space<semaphore_mem>>
        %dma_start3A_29 = tpu.memref_slice %arg2[%add3A_16] : memref<323584xi32, #tpu.memory_space<hbm>> -> memref<128xi32, #tpu.memory_space<hbm>>
        %dma_start3A_30 = tpu.memref_slice %arg2[%add3A_16] : memref<323584xi32, #tpu.memory_space<hbm>> -> memref<128xi32, #tpu.memory_space<hbm>>
        tpu.enqueue_dma source(%dma_start3A_30 : memref<128xi32, #tpu.memory_space<hbm>>) target(%arg9 : memref<128xi32, #tpu.memory_space<vmem>>) target_semaphore(%run_scoped3A_28 : memref<!tpu.dma_semaphore, #tpu.memory_space<semaphore_mem>>)
        %dma_wait3A_31 = tpu.memref_slice %arg2[%add3A_16] : memref<323584xi32, #tpu.memory_space<hbm>> -> memref<128xi32, #tpu.memory_space<hbm>>
        %dma_wait3A_32 = tpu.memref_slice %arg2[%add3A_16] : memref<323584xi32, #tpu.memory_space<hbm>> -> memref<128xi32, #tpu.memory_space<hbm>>
        tpu.wait_dma2 semaphore(%run_scoped3A_28 : memref<!tpu.dma_semaphore, #tpu.memory_space<semaphore_mem>>) src(%dma_wait3A_32 : memref<128xi32, #tpu.memory_space<hbm>>) dst(%arg9 : memref<128xi32, #tpu.memory_space<vmem>>)
        tpu.yield
      }) : () -> ()
      "tpu.region"() ({
        %run_scoped3A_28 = tpu.sem_alloc : memref<!tpu.dma_semaphore, #tpu.memory_space<semaphore_mem>>
        %dma_start3A_29 = tpu.memref_slice %arg3[%add3A_16] : memref<323584xi32, #tpu.memory_space<hbm>> -> memref<128xi32, #tpu.memory_space<hbm>>
        %dma_start3A_30 = tpu.memref_slice %arg3[%add3A_16] : memref<323584xi32, #tpu.memory_space<hbm>> -> memref<128xi32, #tpu.memory_space<hbm>>
        tpu.enqueue_dma source(%dma_start3A_30 : memref<128xi32, #tpu.memory_space<hbm>>) target(%arg10 : memref<128xi32, #tpu.memory_space<vmem>>) target_semaphore(%run_scoped3A_28 : memref<!tpu.dma_semaphore, #tpu.memory_space<semaphore_mem>>)
        %dma_wait3A_31 = tpu.memref_slice %arg3[%add3A_16] : memref<323584xi32, #tpu.memory_space<hbm>> -> memref<128xi32, #tpu.memory_space<hbm>>
        %dma_wait3A_32 = tpu.memref_slice %arg3[%add3A_16] : memref<323584xi32, #tpu.memory_space<hbm>> -> memref<128xi32, #tpu.memory_space<hbm>>
        tpu.wait_dma2 semaphore(%run_scoped3A_28 : memref<!tpu.dma_semaphore, #tpu.memory_space<semaphore_mem>>) src(%dma_wait3A_32 : memref<128xi32, #tpu.memory_space<hbm>>) dst(%arg10 : memref<128xi32, #tpu.memory_space<vmem>>)
        tpu.yield
      }) : () -> ()
      %run_scoped3A = arith.constant 0 : i32
      "tpu.region"() ({
        %run_scoped3A_28 = tpu.sem_alloc : memref<!tpu.dma_semaphore, #tpu.memory_space<semaphore_mem>>
        %dma_start3A_29 = tpu.memref_slice %arg5[%run_scoped3A, %add3A_16] : memref<2x323584xf32, #tpu.memory_space<hbm>> -> memref<1x128xf32, #tpu.memory_space<hbm>>
        %dma_start3A_30 = tpu.memref_squeeze %dma_start3A_29 : memref<1x128xf32, #tpu.memory_space<hbm>> -> memref<128xf32, #tpu.memory_space<hbm>>
        %dma_start3A_31 = tpu.memref_slice %arg5[%run_scoped3A, %add3A_16] : memref<2x323584xf32, #tpu.memory_space<hbm>> -> memref<1x128xf32, #tpu.memory_space<hbm>>
        %dma_start3A_32 = tpu.memref_squeeze %dma_start3A_31 : memref<1x128xf32, #tpu.memory_space<hbm>> -> memref<128xf32, #tpu.memory_space<hbm>>
        tpu.enqueue_dma source(%dma_start3A_32 : memref<128xf32, #tpu.memory_space<hbm>>) target(%arg12 : memref<128xf32, #tpu.memory_space<vmem>>) target_semaphore(%run_scoped3A_28 : memref<!tpu.dma_semaphore, #tpu.memory_space<semaphore_mem>>)
        %dma_wait3A_33 = tpu.memref_slice %arg5[%run_scoped3A, %add3A_16] : memref<2x323584xf32, #tpu.memory_space<hbm>> -> memref<1x128xf32, #tpu.memory_space<hbm>>
        %dma_wait3A_34 = tpu.memref_squeeze %dma_wait3A_33 : memref<1x128xf32, #tpu.memory_space<hbm>> -> memref<128xf32, #tpu.memory_space<hbm>>
        %dma_wait3A_35 = tpu.memref_slice %arg5[%run_scoped3A, %add3A_16] : memref<2x323584xf32, #tpu.memory_space<hbm>> -> memref<1x128xf32, #tpu.memory_space<hbm>>
        %dma_wait3A_36 = tpu.memref_squeeze %dma_wait3A_35 : memref<1x128xf32, #tpu.memory_space<hbm>> -> memref<128xf32, #tpu.memory_space<hbm>>
        tpu.wait_dma2 semaphore(%run_scoped3A_28 : memref<!tpu.dma_semaphore, #tpu.memory_space<semaphore_mem>>) src(%dma_wait3A_36 : memref<128xf32, #tpu.memory_space<hbm>>) dst(%arg12 : memref<128xf32, #tpu.memory_space<vmem>>)
        tpu.yield
      }) : () -> ()
      %run_scoped3A_17 = arith.constant 1 : i32
      "tpu.region"() ({
        %run_scoped3A_28 = tpu.sem_alloc : memref<!tpu.dma_semaphore, #tpu.memory_space<semaphore_mem>>
        %dma_start3A_29 = tpu.memref_slice %arg5[%run_scoped3A_17, %add3A_16] : memref<2x323584xf32, #tpu.memory_space<hbm>> -> memref<1x128xf32, #tpu.memory_space<hbm>>
        %dma_start3A_30 = tpu.memref_squeeze %dma_start3A_29 : memref<1x128xf32, #tpu.memory_space<hbm>> -> memref<128xf32, #tpu.memory_space<hbm>>
        %dma_start3A_31 = tpu.memref_slice %arg5[%run_scoped3A_17, %add3A_16] : memref<2x323584xf32, #tpu.memory_space<hbm>> -> memref<1x128xf32, #tpu.memory_space<hbm>>
        %dma_start3A_32 = tpu.memref_squeeze %dma_start3A_31 : memref<1x128xf32, #tpu.memory_space<hbm>> -> memref<128xf32, #tpu.memory_space<hbm>>
        tpu.enqueue_dma source(%dma_start3A_32 : memref<128xf32, #tpu.memory_space<hbm>>) target(%arg13 : memref<128xf32, #tpu.memory_space<vmem>>) target_semaphore(%run_scoped3A_28 : memref<!tpu.dma_semaphore, #tpu.memory_space<semaphore_mem>>)
        %dma_wait3A_33 = tpu.memref_slice %arg5[%run_scoped3A_17, %add3A_16] : memref<2x323584xf32, #tpu.memory_space<hbm>> -> memref<1x128xf32, #tpu.memory_space<hbm>>
        %dma_wait3A_34 = tpu.memref_squeeze %dma_wait3A_33 : memref<1x128xf32, #tpu.memory_space<hbm>> -> memref<128xf32, #tpu.memory_space<hbm>>
        %dma_wait3A_35 = tpu.memref_slice %arg5[%run_scoped3A_17, %add3A_16] : memref<2x323584xf32, #tpu.memory_space<hbm>> -> memref<1x128xf32, #tpu.memory_space<hbm>>
        %dma_wait3A_36 = tpu.memref_squeeze %dma_wait3A_35 : memref<1x128xf32, #tpu.memory_space<hbm>> -> memref<128xf32, #tpu.memory_space<hbm>>
        tpu.wait_dma2 semaphore(%run_scoped3A_28 : memref<!tpu.dma_semaphore, #tpu.memory_space<semaphore_mem>>) src(%dma_wait3A_36 : memref<128xf32, #tpu.memory_space<hbm>>) dst(%arg13 : memref<128xf32, #tpu.memory_space<vmem>>)
        tpu.yield
      }) : () -> ()
      %dma_start3A = arith.constant 0 : i32
      %dma_start3A_18 = arith.constant 0 : i32
      %dma_start3A_19 = tpu.memref_slice %arg4[%dma_start3A, %dma_start3A_18] : memref<10112x128xf32, #tpu.memory_space<hbm>> -> memref<10112x128xf32, #tpu.memory_space<hbm>>
      tpu.enqueue_indirect_dma source(%dma_start3A_19 : memref<10112x128xf32, #tpu.memory_space<hbm>>) target(%arg11 : memref<128x128xf32, #tpu.memory_space<vmem>>) offsets(%arg9 : memref<128xi32, #tpu.memory_space<vmem>>) semaphore(%arg14 : memref<!tpu.dma_semaphore, #tpu.memory_space<semaphore_mem>>)
      %dma_wait3A = arith.constant 0 : i32
      %dma_wait3A_20 = arith.constant 0 : i32
      %dma_wait3A_21 = tpu.memref_slice %arg4[%dma_wait3A, %dma_wait3A_20] : memref<10112x128xf32, #tpu.memory_space<hbm>> -> memref<10112x128xf32, #tpu.memory_space<hbm>>
      tpu.wait_indirect_dma semaphore(%arg14 : memref<!tpu.dma_semaphore, #tpu.memory_space<semaphore_mem>>) src(%dma_wait3A_21 : memref<10112x128xf32, #tpu.memory_space<hbm>>) dst(%arg11 : memref<128x128xf32, #tpu.memory_space<vmem>>)
      %scan3A_22 = arith.constant 0 : i32
      %scan3A_23 = arith.constant 0 : i32
      %scan3A_24 = arith.constant 128 : i32
      %scan3A_25 = arith.addi %scan3A_23, %scan3A_24 : i32
      %scan3A_26 = arith.constant 1 : i32
      scf.for %scan3A_28 = %scan3A_23 to %scan3A_25 step %scan3A_26  : i32 {
        %broadcast_in_dim3A = arith.constant 0 : i32
        %broadcast_in_dim3A_29 = vector.broadcast %broadcast_in_dim3A : i32 to vector<16xi32>
        %add3A_30 = vector.broadcast %scan3A_28 : i32 to vector<16xi32>
        %add3A_31 = arith.addi %broadcast_in_dim3A_29, %add3A_30 : vector<16xi32>
        %gather3A = tpu.vector_load_idx %arg12[%add3A_31] : memref<128xf32, #tpu.memory_space<vmem>>[vector<16xi32>], vector<16xf32>,
        %get3A = arith.index_cast %scan3A_28 : i32 to index
        %get3A_32 = arith.constant 0 : index
        %get3A_33 = tpu.vector_load %arg11[%get3A, %get3A_32] {strides = array<i32>} : memref<128x128xf32, #tpu.memory_space<vmem>>, vector<16xf32>,
        %mul3A_34 = arith.mulf %get3A_33, %gather3A : vector<16xf32>
        %swap3A = arith.index_cast %scan3A_28 : i32 to index
        %swap3A_35 = arith.constant 0 : index
        %swap3A_36 = tpu.vector_load %arg11[%swap3A, %swap3A_35] {strides = array<i32>} : memref<128x128xf32, #tpu.memory_space<vmem>>, vector<16xf32>,
        tpu.vector_store %arg11[%swap3A, %swap3A_35], %mul3A_34 {strides = array<i32>} : memref<128x128xf32, #tpu.memory_space<vmem>>, vector<16xf32>,
        %get3A_37 = arith.index_cast %scan3A_28 : i32 to index
        %get3A_38 = arith.constant 16 : index
        %get3A_39 = tpu.vector_load %arg11[%get3A_37, %get3A_38] {strides = array<i32>} : memref<128x128xf32, #tpu.memory_space<vmem>>, vector<16xf32>,
        %mul3A_40 = arith.mulf %get3A_39, %gather3A : vector<16xf32>
        %swap3A_41 = arith.index_cast %scan3A_28 : i32 to index
        %swap3A_42 = arith.constant 16 : index
        %swap3A_43 = tpu.vector_load %arg11[%swap3A_41, %swap3A_42] {strides = array<i32>} : memref<128x128xf32, #tpu.memory_space<vmem>>, vector<16xf32>,
        tpu.vector_store %arg11[%swap3A_41, %swap3A_42], %mul3A_40 {strides = array<i32>} : memref<128x128xf32, #tpu.memory_space<vmem>>, vector<16xf32>,
        %get3A_44 = arith.index_cast %scan3A_28 : i32 to index
        %get3A_45 = arith.constant 32 : index
        %get3A_46 = tpu.vector_load %arg11[%get3A_44, %get3A_45] {strides = array<i32>} : memref<128x128xf32, #tpu.memory_space<vmem>>, vector<16xf32>,
        %mul3A_47 = arith.mulf %get3A_46, %gather3A : vector<16xf32>
        %swap3A_48 = arith.index_cast %scan3A_28 : i32 to index
        %swap3A_49 = arith.constant 32 : index
        %swap3A_50 = tpu.vector_load %arg11[%swap3A_48, %swap3A_49] {strides = array<i32>} : memref<128x128xf32, #tpu.memory_space<vmem>>, vector<16xf32>,
        tpu.vector_store %arg11[%swap3A_48, %swap3A_49], %mul3A_47 {strides = array<i32>} : memref<128x128xf32, #tpu.memory_space<vmem>>, vector<16xf32>,
        %get3A_51 = arith.index_cast %scan3A_28 : i32 to index
        %get3A_52 = arith.constant 48 : index
        %get3A_53 = tpu.vector_load %arg11[%get3A_51, %get3A_52] {strides = array<i32>} : memref<128x128xf32, #tpu.memory_space<vmem>>, vector<16xf32>,
        %mul3A_54 = arith.mulf %get3A_53, %gather3A : vector<16xf32>
        %swap3A_55 = arith.index_cast %scan3A_28 : i32 to index
        %swap3A_56 = arith.constant 48 : index
        %swap3A_57 = tpu.vector_load %arg11[%swap3A_55, %swap3A_56] {strides = array<i32>} : memref<128x128xf32, #tpu.memory_space<vmem>>, vector<16xf32>,
        tpu.vector_store %arg11[%swap3A_55, %swap3A_56], %mul3A_54 {strides = array<i32>} : memref<128x128xf32, #tpu.memory_space<vmem>>, vector<16xf32>,
        %gather3A_58 = tpu.vector_load_idx %arg13[%add3A_31] : memref<128xf32, #tpu.memory_space<vmem>>[vector<16xi32>], vector<16xf32>,
        %get3A_59 = arith.index_cast %scan3A_28 : i32 to index
        %get3A_60 = arith.constant 64 : index
        %get3A_61 = tpu.vector_load %arg11[%get3A_59, %get3A_60] {strides = array<i32>} : memref<128x128xf32, #tpu.memory_space<vmem>>, vector<16xf32>,
        %mul3A_62 = arith.mulf %get3A_61, %gather3A_58 : vector<16xf32>
        %swap3A_63 = arith.index_cast %scan3A_28 : i32 to index
        %swap3A_64 = arith.constant 64 : index
        %swap3A_65 = tpu.vector_load %arg11[%swap3A_63, %swap3A_64] {strides = array<i32>} : memref<128x128xf32, #tpu.memory_space<vmem>>, vector<16xf32>,
        tpu.vector_store %arg11[%swap3A_63, %swap3A_64], %mul3A_62 {strides = array<i32>} : memref<128x128xf32, #tpu.memory_space<vmem>>, vector<16xf32>,
        %get3A_66 = arith.index_cast %scan3A_28 : i32 to index
        %get3A_67 = arith.constant 80 : index
        %get3A_68 = tpu.vector_load %arg11[%get3A_66, %get3A_67] {strides = array<i32>} : memref<128x128xf32, #tpu.memory_space<vmem>>, vector<16xf32>,
        %mul3A_69 = arith.mulf %get3A_68, %gather3A_58 : vector<16xf32>
        %swap3A_70 = arith.index_cast %scan3A_28 : i32 to index
        %swap3A_71 = arith.constant 80 : index
        %swap3A_72 = tpu.vector_load %arg11[%swap3A_70, %swap3A_71] {strides = array<i32>} : memref<128x128xf32, #tpu.memory_space<vmem>>, vector<16xf32>,
        tpu.vector_store %arg11[%swap3A_70, %swap3A_71], %mul3A_69 {strides = array<i32>} : memref<128x128xf32, #tpu.memory_space<vmem>>, vector<16xf32>,
        %get3A_73 = arith.index_cast %scan3A_28 : i32 to index
        %get3A_74 = arith.constant 96 : index
        %get3A_75 = tpu.vector_load %arg11[%get3A_73, %get3A_74] {strides = array<i32>} : memref<128x128xf32, #tpu.memory_space<vmem>>, vector<16xf32>,
        %mul3A_76 = arith.mulf %get3A_75, %gather3A_58 : vector<16xf32>
        %swap3A_77 = arith.index_cast %scan3A_28 : i32 to index
        %swap3A_78 = arith.constant 96 : index
        %swap3A_79 = tpu.vector_load %arg11[%swap3A_77, %swap3A_78] {strides = array<i32>} : memref<128x128xf32, #tpu.memory_space<vmem>>, vector<16xf32>,
        tpu.vector_store %arg11[%swap3A_77, %swap3A_78], %mul3A_76 {strides = array<i32>} : memref<128x128xf32, #tpu.memory_space<vmem>>, vector<16xf32>,
        %get3A_80 = arith.index_cast %scan3A_28 : i32 to index
        %get3A_81 = arith.constant 112 : index
        %get3A_82 = tpu.vector_load %arg11[%get3A_80, %get3A_81] {strides = array<i32>} : memref<128x128xf32, #tpu.memory_space<vmem>>, vector<16xf32>,
        %mul3A_83 = arith.mulf %get3A_82, %gather3A_58 : vector<16xf32>
        %swap3A_84 = arith.index_cast %scan3A_28 : i32 to index
        %swap3A_85 = arith.constant 112 : index
        %swap3A_86 = tpu.vector_load %arg11[%swap3A_84, %swap3A_85] {strides = array<i32>} : memref<128x128xf32, #tpu.memory_space<vmem>>, vector<16xf32>,
        tpu.vector_store %arg11[%swap3A_84, %swap3A_85], %mul3A_83 {strides = array<i32>} : memref<128x128xf32, #tpu.memory_space<vmem>>, vector<16xf32>,
      }
      %scan3A_27 = arith.constant 128 : i32
      "tpu.region"() ({
        %run_scoped3A_28 = tpu.sem_alloc : memref<!tpu.dma_semaphore, #tpu.memory_space<semaphore_mem>>
        %dma_start3A_29 = arith.constant 0 : i32
        %dma_start3A_30 = arith.constant 0 : i32
        %dma_start3A_31 = tpu.memref_slice %arg8[%dma_start3A_29, %dma_start3A_30] : memref<10112x128xf32, #tpu.memory_space<vmem_shared>> -> memref<10112x128xf32, #tpu.memory_space<vmem_shared>>
        tpu.enqueue_indirect_dma source(%arg11 : memref<128x128xf32, #tpu.memory_space<vmem>>) target(%dma_start3A_31 : memref<10112x128xf32, #tpu.memory_space<vmem_shared>>) offsets(%arg10 : memref<128xi32, #tpu.memory_space<vmem>>) semaphore(%run_scoped3A_28 : memref<!tpu.dma_semaphore, #tpu.memory_space<semaphore_mem>>) {add = true}
        %dma_wait3A_32 = arith.constant 0 : i32
        %dma_wait3A_33 = arith.constant 0 : i32
        %dma_wait3A_34 = tpu.memref_slice %arg8[%dma_wait3A_32, %dma_wait3A_33] : memref<10112x128xf32, #tpu.memory_space<vmem_shared>> -> memref<10112x128xf32, #tpu.memory_space<vmem_shared>>
        tpu.wait_indirect_dma semaphore(%run_scoped3A_28 : memref<!tpu.dma_semaphore, #tpu.memory_space<semaphore_mem>>) src(%arg11 : memref<128x128xf32, #tpu.memory_space<vmem>>) dst(%dma_wait3A_34 : memref<10112x128xf32, #tpu.memory_space<vmem_shared>>)
        tpu.yield
      }) : () -> ()
    }
    %scan3A_7 = arith.constant 79 : i32
    %barrier3A_8 = arith.constant 0 : index
    tpu.barrier barrier_id(%barrier3A_8)
    %mul3A_9 = arith.constant 632 : i32
    %mul3A_10 = arith.muli %arg1, %mul3A_9 : i32
    "tpu.region"() ({
      %run_scoped3A = tpu.sem_alloc : memref<!tpu.dma_semaphore, #tpu.memory_space<semaphore_mem>>
      %dma_start3A = arith.constant 0 : i32
      %dma_start3A_11 = tpu.memref_slice %arg7[%arg0, %mul3A_10, %dma_start3A] : memref<2x10112x128xf32, #tpu.memory_space<hbm>> -> memref<1x632x128xf32, #tpu.memory_space<hbm>>
      %dma_start3A_12 = tpu.memref_squeeze %dma_start3A_11 : memref<1x632x128xf32, #tpu.memory_space<hbm>> -> memref<632x128xf32, #tpu.memory_space<hbm>>
      %dma_start3A_13 = arith.constant 0 : i32
      %dma_start3A_14 = tpu.memref_slice %arg8[%mul3A_10, %dma_start3A_13] : memref<10112x128xf32, #tpu.memory_space<vmem_shared>> -> memref<632x128xf32, #tpu.memory_space<vmem_shared>>
      tpu.enqueue_dma source(%dma_start3A_14 : memref<632x128xf32, #tpu.memory_space<vmem_shared>>) target(%dma_start3A_12 : memref<632x128xf32, #tpu.memory_space<hbm>>) target_semaphore(%run_scoped3A : memref<!tpu.dma_semaphore, #tpu.memory_space<semaphore_mem>>)
      %dma_wait3A = arith.constant 0 : i32
      %dma_wait3A_15 = tpu.memref_slice %arg7[%arg0, %mul3A_10, %dma_wait3A] : memref<2x10112x128xf32, #tpu.memory_space<hbm>> -> memref<1x632x128xf32, #tpu.memory_space<hbm>>
      %dma_wait3A_16 = tpu.memref_squeeze %dma_wait3A_15 : memref<1x632x128xf32, #tpu.memory_space<hbm>> -> memref<632x128xf32, #tpu.memory_space<hbm>>
      %dma_wait3A_17 = arith.constant 0 : i32
      %dma_wait3A_18 = tpu.memref_slice %arg8[%mul3A_10, %dma_wait3A_17] : memref<10112x128xf32, #tpu.memory_space<vmem_shared>> -> memref<632x128xf32, #tpu.memory_space<vmem_shared>>
      tpu.wait_dma2 semaphore(%run_scoped3A : memref<!tpu.dma_semaphore, #tpu.memory_space<semaphore_mem>>) src(%dma_wait3A_18 : memref<632x128xf32, #tpu.memory_space<vmem_shared>>) dst(%dma_wait3A_16 : memref<632x128xf32, #tpu.memory_space<hbm>>)
      tpu.yield
    }) : () -> ()
    return
  }
}

#map = affine_map<(d0, d1) -> (0)>
#map1 = affine_map<(d0, d1) -> (0, 0)>
#map2 = affine_map<(d0, d1) -> (0, 0, 0)>
module attributes {stable_mosaic.version = 14 : i64} {
  func.func @body(%arg0: i32, %arg1: i32, %arg2: memref<323584xi32, #tpu.memory_space<hbm>>, %arg3: memref<323584xi32, #tpu.memory_space<hbm>>, %arg4: memref<10112xf32, #tpu.memory_space<hbm>>, %arg5: memref<10112xf32, #tpu.memory_space<hbm>>, %arg6: memref<10112x128xf32, #tpu.memory_space<hbm>>, %arg7: memref<1x323584xf32, #tpu.memory_space<hbm>>, %arg8: memref<2x80x128xf32, #tpu.memory_space<hbm>>, %arg9: memref<80x128xf32, #tpu.memory_space<vmem_shared>>, %arg10: memref<10112xf32, #tpu.memory_space<vmem>>, %arg11: memref<10112xf32, #tpu.memory_space<vmem>>, %arg12: memref<80x128xf32, #tpu.memory_space<vmem>>, %arg13: memref<128xi32, #tpu.memory_space<vmem>>, %arg14: memref<128xi32, #tpu.memory_space<vmem>>, %arg15: memref<128xf32, #tpu.memory_space<vmem>>, %arg16: memref<80xi32, #tpu.memory_space<vmem>>) attributes {dimension_semantics = [#tpu.dimension_semantics<core_parallel>, #tpu.dimension_semantics<subcore_parallel>], iteration_bounds = array<i64: 2, 16>, scalar_prefetch = 0 : i64, scratch_operands = 8 : i64, tpu.core_type = #tpu.core_type<sc_vector_subcore>, window_params = [{transform_indices = #map}, {transform_indices = #map}, {transform_indices = #map}, {transform_indices = #map}, {transform_indices = #map1}, {transform_indices = #map1}, {transform_indices = #map2}]} {
    %mul3A = arith.constant 16 : i32
    %mul3A_0 = arith.muli %arg0, %mul3A : i32
    %add3A = arith.addi %mul3A_0, %arg1 : i32
    %iota3A = tpu.iota {dimensions = array<i32: 0>} : vector<16xi32>
    %broadcast_in_dim3A = arith.constant 0.000000e+00 : f32
    %broadcast_in_dim3A_1 = vector.broadcast %broadcast_in_dim3A : f32 to vector<16xf32>
    "tpu.region"() ({
      %run_scoped3A = tpu.sem_alloc : memref<!tpu.dma_semaphore, #tpu.memory_space<semaphore_mem>>
      tpu.enqueue_dma source(%arg4 : memref<10112xf32, #tpu.memory_space<hbm>>) target(%arg10 : memref<10112xf32, #tpu.memory_space<vmem>>) target_semaphore(%run_scoped3A : memref<!tpu.dma_semaphore, #tpu.memory_space<semaphore_mem>>)
      tpu.wait_dma2 semaphore(%run_scoped3A : memref<!tpu.dma_semaphore, #tpu.memory_space<semaphore_mem>>) src(%arg4 : memref<10112xf32, #tpu.memory_space<hbm>>) dst(%arg10 : memref<10112xf32, #tpu.memory_space<vmem>>)
      tpu.yield
    }) : () -> ()
    "tpu.region"() ({
      %run_scoped3A = tpu.sem_alloc : memref<!tpu.dma_semaphore, #tpu.memory_space<semaphore_mem>>
      tpu.enqueue_dma source(%arg5 : memref<10112xf32, #tpu.memory_space<hbm>>) target(%arg11 : memref<10112xf32, #tpu.memory_space<vmem>>) target_semaphore(%run_scoped3A : memref<!tpu.dma_semaphore, #tpu.memory_space<semaphore_mem>>)
      tpu.wait_dma2 semaphore(%run_scoped3A : memref<!tpu.dma_semaphore, #tpu.memory_space<semaphore_mem>>) src(%arg5 : memref<10112xf32, #tpu.memory_space<hbm>>) dst(%arg11 : memref<10112xf32, #tpu.memory_space<vmem>>)
      tpu.yield
    }) : () -> ()
    %eq3A = arith.constant 0 : i32
    %eq3A_2 = arith.cmpi eq, %arg1, %eq3A : i32
    %convert_element_type3A = arith.extui %eq3A_2 : i1 to i32
    %cond3A = arith.constant 0 : i32
    %cond3A_3 = arith.cmpi ne, %convert_element_type3A, %cond3A : i32
    scf.if %cond3A_3 {
      "tpu.region"() ({
        %run_scoped3A = tpu.sem_alloc : memref<!tpu.dma_semaphore, #tpu.memory_space<semaphore_mem>>
        %dma_start3A = arith.constant 0 : i32
        %dma_start3A_45 = arith.constant 0 : i32
        %dma_start3A_46 = tpu.memref_slice %arg6[%dma_start3A, %dma_start3A_45] : memref<10112x128xf32, #tpu.memory_space<hbm>> -> memref<80x128xf32, #tpu.memory_space<hbm>>
        tpu.enqueue_dma source(%dma_start3A_46 : memref<80x128xf32, #tpu.memory_space<hbm>>) target(%arg9 : memref<80x128xf32, #tpu.memory_space<vmem_shared>>) target_semaphore(%run_scoped3A : memref<!tpu.dma_semaphore, #tpu.memory_space<semaphore_mem>>)
        %dma_wait3A = arith.constant 0 : i32
        %dma_wait3A_47 = arith.constant 0 : i32
        %dma_wait3A_48 = tpu.memref_slice %arg6[%dma_wait3A, %dma_wait3A_47] : memref<10112x128xf32, #tpu.memory_space<hbm>> -> memref<80x128xf32, #tpu.memory_space<hbm>>
        tpu.wait_dma2 semaphore(%run_scoped3A : memref<!tpu.dma_semaphore, #tpu.memory_space<semaphore_mem>>) src(%dma_wait3A_48 : memref<80x128xf32, #tpu.memory_space<hbm>>) dst(%arg9 : memref<80x128xf32, #tpu.memory_space<vmem_shared>>)
        tpu.yield
      }) : () -> ()
    } else {
    }
    %scan3A = arith.constant 0 : i32
    %scan3A_4 = arith.constant 0 : i32
    %scan3A_5 = arith.constant 80 : i32
    %scan3A_6 = arith.addi %scan3A_4, %scan3A_5 : i32
    %scan3A_7 = arith.constant 1 : i32
    scf.for %scan3A_45 = %scan3A_4 to %scan3A_6 step %scan3A_7  : i32 {
      %swap3A_46 = arith.index_cast %scan3A_45 : i32 to index
      %swap3A_47 = arith.constant 0 : index
      %swap3A_48 = tpu.vector_load %arg12[%swap3A_46, %swap3A_47] {strides = array<i32>} : memref<80x128xf32, #tpu.memory_space<vmem>>, vector<16xf32>,
      tpu.vector_store %arg12[%swap3A_46, %swap3A_47], %broadcast_in_dim3A_1 {strides = array<i32>} : memref<80x128xf32, #tpu.memory_space<vmem>>, vector<16xf32>,
      %swap3A_49 = arith.index_cast %scan3A_45 : i32 to index
      %swap3A_50 = arith.constant 16 : index
      %swap3A_51 = tpu.vector_load %arg12[%swap3A_49, %swap3A_50] {strides = array<i32>} : memref<80x128xf32, #tpu.memory_space<vmem>>, vector<16xf32>,
      tpu.vector_store %arg12[%swap3A_49, %swap3A_50], %broadcast_in_dim3A_1 {strides = array<i32>} : memref<80x128xf32, #tpu.memory_space<vmem>>, vector<16xf32>,
      %swap3A_52 = arith.index_cast %scan3A_45 : i32 to index
      %swap3A_53 = arith.constant 32 : index
      %swap3A_54 = tpu.vector_load %arg12[%swap3A_52, %swap3A_53] {strides = array<i32>} : memref<80x128xf32, #tpu.memory_space<vmem>>, vector<16xf32>,
      tpu.vector_store %arg12[%swap3A_52, %swap3A_53], %broadcast_in_dim3A_1 {strides = array<i32>} : memref<80x128xf32, #tpu.memory_space<vmem>>, vector<16xf32>,
      %swap3A_55 = arith.index_cast %scan3A_45 : i32 to index
      %swap3A_56 = arith.constant 48 : index
      %swap3A_57 = tpu.vector_load %arg12[%swap3A_55, %swap3A_56] {strides = array<i32>} : memref<80x128xf32, #tpu.memory_space<vmem>>, vector<16xf32>,
      tpu.vector_store %arg12[%swap3A_55, %swap3A_56], %broadcast_in_dim3A_1 {strides = array<i32>} : memref<80x128xf32, #tpu.memory_space<vmem>>, vector<16xf32>,
      %swap3A_58 = arith.index_cast %scan3A_45 : i32 to index
      %swap3A_59 = arith.constant 64 : index
      %swap3A_60 = tpu.vector_load %arg12[%swap3A_58, %swap3A_59] {strides = array<i32>} : memref<80x128xf32, #tpu.memory_space<vmem>>, vector<16xf32>,
      tpu.vector_store %arg12[%swap3A_58, %swap3A_59], %broadcast_in_dim3A_1 {strides = array<i32>} : memref<80x128xf32, #tpu.memory_space<vmem>>, vector<16xf32>,
      %swap3A_61 = arith.index_cast %scan3A_45 : i32 to index
      %swap3A_62 = arith.constant 80 : index
      %swap3A_63 = tpu.vector_load %arg12[%swap3A_61, %swap3A_62] {strides = array<i32>} : memref<80x128xf32, #tpu.memory_space<vmem>>, vector<16xf32>,
      tpu.vector_store %arg12[%swap3A_61, %swap3A_62], %broadcast_in_dim3A_1 {strides = array<i32>} : memref<80x128xf32, #tpu.memory_space<vmem>>, vector<16xf32>,
      %swap3A_64 = arith.index_cast %scan3A_45 : i32 to index
      %swap3A_65 = arith.constant 96 : index
      %swap3A_66 = tpu.vector_load %arg12[%swap3A_64, %swap3A_65] {strides = array<i32>} : memref<80x128xf32, #tpu.memory_space<vmem>>, vector<16xf32>,
      tpu.vector_store %arg12[%swap3A_64, %swap3A_65], %broadcast_in_dim3A_1 {strides = array<i32>} : memref<80x128xf32, #tpu.memory_space<vmem>>, vector<16xf32>,
      %swap3A_67 = arith.index_cast %scan3A_45 : i32 to index
      %swap3A_68 = arith.constant 112 : index
      %swap3A_69 = tpu.vector_load %arg12[%swap3A_67, %swap3A_68] {strides = array<i32>} : memref<80x128xf32, #tpu.memory_space<vmem>>, vector<16xf32>,
      tpu.vector_store %arg12[%swap3A_67, %swap3A_68], %broadcast_in_dim3A_1 {strides = array<i32>} : memref<80x128xf32, #tpu.memory_space<vmem>>, vector<16xf32>,
    }
    %scan3A_8 = arith.constant 80 : i32
    %add3A_9 = arith.constant 0 : i32
    %add3A_10 = vector.broadcast %add3A_9 : i32 to vector<16xi32>
    %add3A_11 = arith.addi %iota3A, %add3A_10 : vector<16xi32>
    %swap3A = arith.constant 0 : index
    %swap3A_12 = tpu.vector_load %arg16[%swap3A] {strides = array<i32>} : memref<80xi32, #tpu.memory_space<vmem>>, vector<16xi32>,
    tpu.vector_store %arg16[%swap3A], %add3A_11 {strides = array<i32>} : memref<80xi32, #tpu.memory_space<vmem>>, vector<16xi32>,
    %add3A_13 = arith.constant 16 : i32
    %add3A_14 = vector.broadcast %add3A_13 : i32 to vector<16xi32>
    %add3A_15 = arith.addi %iota3A, %add3A_14 : vector<16xi32>
    %swap3A_16 = arith.constant 16 : index
    %swap3A_17 = tpu.vector_load %arg16[%swap3A_16] {strides = array<i32>} : memref<80xi32, #tpu.memory_space<vmem>>, vector<16xi32>,
    tpu.vector_store %arg16[%swap3A_16], %add3A_15 {strides = array<i32>} : memref<80xi32, #tpu.memory_space<vmem>>, vector<16xi32>,
    %add3A_18 = arith.constant 32 : i32
    %add3A_19 = vector.broadcast %add3A_18 : i32 to vector<16xi32>
    %add3A_20 = arith.addi %iota3A, %add3A_19 : vector<16xi32>
    %swap3A_21 = arith.constant 32 : index
    %swap3A_22 = tpu.vector_load %arg16[%swap3A_21] {strides = array<i32>} : memref<80xi32, #tpu.memory_space<vmem>>, vector<16xi32>,
    tpu.vector_store %arg16[%swap3A_21], %add3A_20 {strides = array<i32>} : memref<80xi32, #tpu.memory_space<vmem>>, vector<16xi32>,
    %add3A_23 = arith.constant 48 : i32
    %add3A_24 = vector.broadcast %add3A_23 : i32 to vector<16xi32>
    %add3A_25 = arith.addi %iota3A, %add3A_24 : vector<16xi32>
    %swap3A_26 = arith.constant 48 : index
    %swap3A_27 = tpu.vector_load %arg16[%swap3A_26] {strides = array<i32>} : memref<80xi32, #tpu.memory_space<vmem>>, vector<16xi32>,
    tpu.vector_store %arg16[%swap3A_26], %add3A_25 {strides = array<i32>} : memref<80xi32, #tpu.memory_space<vmem>>, vector<16xi32>,
    %add3A_28 = arith.constant 64 : i32
    %add3A_29 = vector.broadcast %add3A_28 : i32 to vector<16xi32>
    %add3A_30 = arith.addi %iota3A, %add3A_29 : vector<16xi32>
    %swap3A_31 = arith.constant 64 : index
    %swap3A_32 = tpu.vector_load %arg16[%swap3A_31] {strides = array<i32>} : memref<80xi32, #tpu.memory_space<vmem>>, vector<16xi32>,
    tpu.vector_store %arg16[%swap3A_31], %add3A_30 {strides = array<i32>} : memref<80xi32, #tpu.memory_space<vmem>>, vector<16xi32>,
    %barrier3A = arith.constant 0 : index
    tpu.barrier barrier_id(%barrier3A)
    %scan3A_33 = arith.constant 0 : i32
    %scan3A_34 = arith.constant 0 : i32
    %scan3A_35 = arith.constant 79 : i32
    %scan3A_36 = arith.addi %scan3A_34, %scan3A_35 : i32
    %scan3A_37 = arith.constant 1 : i32
    scf.for %scan3A_45 = %scan3A_34 to %scan3A_36 step %scan3A_37  : i32 {
      %mul3A_46 = arith.constant 10112 : i32
      %mul3A_47 = arith.muli %add3A, %mul3A_46 : i32
      %mul3A_48 = arith.constant 128 : i32
      %mul3A_49 = arith.muli %scan3A_45, %mul3A_48 : i32
      %add3A_50 = arith.addi %mul3A_47, %mul3A_49 : i32
      "tpu.region"() ({
        %run_scoped3A_284 = tpu.sem_alloc : memref<!tpu.dma_semaphore, #tpu.memory_space<semaphore_mem>>
        %dma_start3A = tpu.memref_slice %arg2[%add3A_50] : memref<323584xi32, #tpu.memory_space<hbm>> -> memref<128xi32, #tpu.memory_space<hbm>>
        %dma_start3A_285 = tpu.memref_slice %arg2[%add3A_50] : memref<323584xi32, #tpu.memory_space<hbm>> -> memref<128xi32, #tpu.memory_space<hbm>>
        tpu.enqueue_dma source(%dma_start3A_285 : memref<128xi32, #tpu.memory_space<hbm>>) target(%arg13 : memref<128xi32, #tpu.memory_space<vmem>>) target_semaphore(%run_scoped3A_284 : memref<!tpu.dma_semaphore, #tpu.memory_space<semaphore_mem>>)
        %dma_wait3A = tpu.memref_slice %arg2[%add3A_50] : memref<323584xi32, #tpu.memory_space<hbm>> -> memref<128xi32, #tpu.memory_space<hbm>>
        %dma_wait3A_286 = tpu.memref_slice %arg2[%add3A_50] : memref<323584xi32, #tpu.memory_space<hbm>> -> memref<128xi32, #tpu.memory_space<hbm>>
        tpu.wait_dma2 semaphore(%run_scoped3A_284 : memref<!tpu.dma_semaphore, #tpu.memory_space<semaphore_mem>>) src(%dma_wait3A_286 : memref<128xi32, #tpu.memory_space<hbm>>) dst(%arg13 : memref<128xi32, #tpu.memory_space<vmem>>)
        tpu.yield
      }) : () -> ()
      "tpu.region"() ({
        %run_scoped3A_284 = tpu.sem_alloc : memref<!tpu.dma_semaphore, #tpu.memory_space<semaphore_mem>>
        %dma_start3A = tpu.memref_slice %arg3[%add3A_50] : memref<323584xi32, #tpu.memory_space<hbm>> -> memref<128xi32, #tpu.memory_space<hbm>>
        %dma_start3A_285 = tpu.memref_slice %arg3[%add3A_50] : memref<323584xi32, #tpu.memory_space<hbm>> -> memref<128xi32, #tpu.memory_space<hbm>>
        tpu.enqueue_dma source(%dma_start3A_285 : memref<128xi32, #tpu.memory_space<hbm>>) target(%arg14 : memref<128xi32, #tpu.memory_space<vmem>>) target_semaphore(%run_scoped3A_284 : memref<!tpu.dma_semaphore, #tpu.memory_space<semaphore_mem>>)
        %dma_wait3A = tpu.memref_slice %arg3[%add3A_50] : memref<323584xi32, #tpu.memory_space<hbm>> -> memref<128xi32, #tpu.memory_space<hbm>>
        %dma_wait3A_286 = tpu.memref_slice %arg3[%add3A_50] : memref<323584xi32, #tpu.memory_space<hbm>> -> memref<128xi32, #tpu.memory_space<hbm>>
        tpu.wait_dma2 semaphore(%run_scoped3A_284 : memref<!tpu.dma_semaphore, #tpu.memory_space<semaphore_mem>>) src(%dma_wait3A_286 : memref<128xi32, #tpu.memory_space<hbm>>) dst(%arg14 : memref<128xi32, #tpu.memory_space<vmem>>)
        tpu.yield
      }) : () -> ()
      %get3A = arith.constant 0 : index
      %get3A_51 = tpu.vector_load %arg13[%get3A] {strides = array<i32>} : memref<128xi32, #tpu.memory_space<vmem>>, vector<16xi32>,
      %get3A_52 = arith.constant 0 : index
      %get3A_53 = tpu.vector_load %arg14[%get3A_52] {strides = array<i32>} : memref<128xi32, #tpu.memory_space<vmem>>, vector<16xi32>,
      %mul3A_54 = arith.constant 1 : i32
      %mul3A_55 = vector.broadcast %mul3A_54 : i32 to vector<16xi32>
      %mul3A_56 = arith.muli %get3A_51, %mul3A_55 : vector<16xi32>
      %add3A_57 = arith.constant 0 : i32
      %add3A_58 = vector.broadcast %add3A_57 : i32 to vector<16xi32>
      %add3A_59 = arith.addi %mul3A_56, %add3A_58 : vector<16xi32>
      %gather3A = tpu.vector_load_idx %arg10[%add3A_59] : memref<10112xf32, #tpu.memory_space<vmem>>[vector<16xi32>], vector<16xf32>,
      %mul3A_60 = arith.constant 1 : i32
      %mul3A_61 = vector.broadcast %mul3A_60 : i32 to vector<16xi32>
      %mul3A_62 = arith.muli %get3A_53, %mul3A_61 : vector<16xi32>
      %add3A_63 = arith.constant 0 : i32
      %add3A_64 = vector.broadcast %add3A_63 : i32 to vector<16xi32>
      %add3A_65 = arith.addi %mul3A_62, %add3A_64 : vector<16xi32>
      %gather3A_66 = tpu.vector_load_idx %arg11[%add3A_65] : memref<10112xf32, #tpu.memory_space<vmem>>[vector<16xi32>], vector<16xf32>,
      %add3A_67 = arith.addf %gather3A, %gather3A_66 : vector<16xf32>
      %ge3A = arith.constant 0.000000e+00 : f32
      %ge3A_68 = vector.broadcast %ge3A : f32 to vector<16xf32>
      %ge3A_69 = arith.cmpf oge, %add3A_67, %ge3A_68 : vector<16xf32>
      %mul3A_70 = arith.constant 2.000000e-01 : f32
      %mul3A_71 = vector.broadcast %mul3A_70 : f32 to vector<16xf32>
      %mul3A_72 = arith.mulf %add3A_67, %mul3A_71 : vector<16xf32>
      %select_n3A = arith.select %ge3A_69, %add3A_67, %mul3A_72 : vector<16xi1>, vector<16xf32>
      %exp3A = math.exp %select_n3A : vector<16xf32>
      %swap3A_73 = arith.constant 0 : index
      %swap3A_74 = tpu.vector_load %arg15[%swap3A_73] {strides = array<i32>} : memref<128xf32, #tpu.memory_space<vmem>>, vector<16xf32>,
      tpu.vector_store %arg15[%swap3A_73], %exp3A {strides = array<i32>} : memref<128xf32, #tpu.memory_space<vmem>>, vector<16xf32>,
      %get3A_75 = arith.constant 16 : index
      %get3A_76 = tpu.vector_load %arg13[%get3A_75] {strides = array<i32>} : memref<128xi32, #tpu.memory_space<vmem>>, vector<16xi32>,
      %get3A_77 = arith.constant 16 : index
      %get3A_78 = tpu.vector_load %arg14[%get3A_77] {strides = array<i32>} : memref<128xi32, #tpu.memory_space<vmem>>, vector<16xi32>,
      %mul3A_79 = arith.constant 1 : i32
      %mul3A_80 = vector.broadcast %mul3A_79 : i32 to vector<16xi32>
      %mul3A_81 = arith.muli %get3A_76, %mul3A_80 : vector<16xi32>
      %add3A_82 = arith.constant 0 : i32
      %add3A_83 = vector.broadcast %add3A_82 : i32 to vector<16xi32>
      %add3A_84 = arith.addi %mul3A_81, %add3A_83 : vector<16xi32>
      %gather3A_85 = tpu.vector_load_idx %arg10[%add3A_84] : memref<10112xf32, #tpu.memory_space<vmem>>[vector<16xi32>], vector<16xf32>,
      %mul3A_86 = arith.constant 1 : i32
      %mul3A_87 = vector.broadcast %mul3A_86 : i32 to vector<16xi32>
      %mul3A_88 = arith.muli %get3A_78, %mul3A_87 : vector<16xi32>
      %add3A_89 = arith.constant 0 : i32
      %add3A_90 = vector.broadcast %add3A_89 : i32 to vector<16xi32>
      %add3A_91 = arith.addi %mul3A_88, %add3A_90 : vector<16xi32>
      %gather3A_92 = tpu.vector_load_idx %arg11[%add3A_91] : memref<10112xf32, #tpu.memory_space<vmem>>[vector<16xi32>], vector<16xf32>,
      %add3A_93 = arith.addf %gather3A_85, %gather3A_92 : vector<16xf32>
      %ge3A_94 = arith.constant 0.000000e+00 : f32
      %ge3A_95 = vector.broadcast %ge3A_94 : f32 to vector<16xf32>
      %ge3A_96 = arith.cmpf oge, %add3A_93, %ge3A_95 : vector<16xf32>
      %mul3A_97 = arith.constant 2.000000e-01 : f32
      %mul3A_98 = vector.broadcast %mul3A_97 : f32 to vector<16xf32>
      %mul3A_99 = arith.mulf %add3A_93, %mul3A_98 : vector<16xf32>
      %select_n3A_100 = arith.select %ge3A_96, %add3A_93, %mul3A_99 : vector<16xi1>, vector<16xf32>
      %exp3A_101 = math.exp %select_n3A_100 : vector<16xf32>
      %swap3A_102 = arith.constant 16 : index
      %swap3A_103 = tpu.vector_load %arg15[%swap3A_102] {strides = array<i32>} : memref<128xf32, #tpu.memory_space<vmem>>, vector<16xf32>,
      tpu.vector_store %arg15[%swap3A_102], %exp3A_101 {strides = array<i32>} : memref<128xf32, #tpu.memory_space<vmem>>, vector<16xf32>,
      %get3A_104 = arith.constant 32 : index
      %get3A_105 = tpu.vector_load %arg13[%get3A_104] {strides = array<i32>} : memref<128xi32, #tpu.memory_space<vmem>>, vector<16xi32>,
      %get3A_106 = arith.constant 32 : index
      %get3A_107 = tpu.vector_load %arg14[%get3A_106] {strides = array<i32>} : memref<128xi32, #tpu.memory_space<vmem>>, vector<16xi32>,
      %mul3A_108 = arith.constant 1 : i32
      %mul3A_109 = vector.broadcast %mul3A_108 : i32 to vector<16xi32>
      %mul3A_110 = arith.muli %get3A_105, %mul3A_109 : vector<16xi32>
      %add3A_111 = arith.constant 0 : i32
      %add3A_112 = vector.broadcast %add3A_111 : i32 to vector<16xi32>
      %add3A_113 = arith.addi %mul3A_110, %add3A_112 : vector<16xi32>
      %gather3A_114 = tpu.vector_load_idx %arg10[%add3A_113] : memref<10112xf32, #tpu.memory_space<vmem>>[vector<16xi32>], vector<16xf32>,
      %mul3A_115 = arith.constant 1 : i32
      %mul3A_116 = vector.broadcast %mul3A_115 : i32 to vector<16xi32>
      %mul3A_117 = arith.muli %get3A_107, %mul3A_116 : vector<16xi32>
      %add3A_118 = arith.constant 0 : i32
      %add3A_119 = vector.broadcast %add3A_118 : i32 to vector<16xi32>
      %add3A_120 = arith.addi %mul3A_117, %add3A_119 : vector<16xi32>
      %gather3A_121 = tpu.vector_load_idx %arg11[%add3A_120] : memref<10112xf32, #tpu.memory_space<vmem>>[vector<16xi32>], vector<16xf32>,
      %add3A_122 = arith.addf %gather3A_114, %gather3A_121 : vector<16xf32>
      %ge3A_123 = arith.constant 0.000000e+00 : f32
      %ge3A_124 = vector.broadcast %ge3A_123 : f32 to vector<16xf32>
      %ge3A_125 = arith.cmpf oge, %add3A_122, %ge3A_124 : vector<16xf32>
      %mul3A_126 = arith.constant 2.000000e-01 : f32
      %mul3A_127 = vector.broadcast %mul3A_126 : f32 to vector<16xf32>
      %mul3A_128 = arith.mulf %add3A_122, %mul3A_127 : vector<16xf32>
      %select_n3A_129 = arith.select %ge3A_125, %add3A_122, %mul3A_128 : vector<16xi1>, vector<16xf32>
      %exp3A_130 = math.exp %select_n3A_129 : vector<16xf32>
      %swap3A_131 = arith.constant 32 : index
      %swap3A_132 = tpu.vector_load %arg15[%swap3A_131] {strides = array<i32>} : memref<128xf32, #tpu.memory_space<vmem>>, vector<16xf32>,
      tpu.vector_store %arg15[%swap3A_131], %exp3A_130 {strides = array<i32>} : memref<128xf32, #tpu.memory_space<vmem>>, vector<16xf32>,
      %get3A_133 = arith.constant 48 : index
      %get3A_134 = tpu.vector_load %arg13[%get3A_133] {strides = array<i32>} : memref<128xi32, #tpu.memory_space<vmem>>, vector<16xi32>,
      %get3A_135 = arith.constant 48 : index
      %get3A_136 = tpu.vector_load %arg14[%get3A_135] {strides = array<i32>} : memref<128xi32, #tpu.memory_space<vmem>>, vector<16xi32>,
      %mul3A_137 = arith.constant 1 : i32
      %mul3A_138 = vector.broadcast %mul3A_137 : i32 to vector<16xi32>
      %mul3A_139 = arith.muli %get3A_134, %mul3A_138 : vector<16xi32>
      %add3A_140 = arith.constant 0 : i32
      %add3A_141 = vector.broadcast %add3A_140 : i32 to vector<16xi32>
      %add3A_142 = arith.addi %mul3A_139, %add3A_141 : vector<16xi32>
      %gather3A_143 = tpu.vector_load_idx %arg10[%add3A_142] : memref<10112xf32, #tpu.memory_space<vmem>>[vector<16xi32>], vector<16xf32>,
      %mul3A_144 = arith.constant 1 : i32
      %mul3A_145 = vector.broadcast %mul3A_144 : i32 to vector<16xi32>
      %mul3A_146 = arith.muli %get3A_136, %mul3A_145 : vector<16xi32>
      %add3A_147 = arith.constant 0 : i32
      %add3A_148 = vector.broadcast %add3A_147 : i32 to vector<16xi32>
      %add3A_149 = arith.addi %mul3A_146, %add3A_148 : vector<16xi32>
      %gather3A_150 = tpu.vector_load_idx %arg11[%add3A_149] : memref<10112xf32, #tpu.memory_space<vmem>>[vector<16xi32>], vector<16xf32>,
      %add3A_151 = arith.addf %gather3A_143, %gather3A_150 : vector<16xf32>
      %ge3A_152 = arith.constant 0.000000e+00 : f32
      %ge3A_153 = vector.broadcast %ge3A_152 : f32 to vector<16xf32>
      %ge3A_154 = arith.cmpf oge, %add3A_151, %ge3A_153 : vector<16xf32>
      %mul3A_155 = arith.constant 2.000000e-01 : f32
      %mul3A_156 = vector.broadcast %mul3A_155 : f32 to vector<16xf32>
      %mul3A_157 = arith.mulf %add3A_151, %mul3A_156 : vector<16xf32>
      %select_n3A_158 = arith.select %ge3A_154, %add3A_151, %mul3A_157 : vector<16xi1>, vector<16xf32>
      %exp3A_159 = math.exp %select_n3A_158 : vector<16xf32>
      %swap3A_160 = arith.constant 48 : index
      %swap3A_161 = tpu.vector_load %arg15[%swap3A_160] {strides = array<i32>} : memref<128xf32, #tpu.memory_space<vmem>>, vector<16xf32>,
      tpu.vector_store %arg15[%swap3A_160], %exp3A_159 {strides = array<i32>} : memref<128xf32, #tpu.memory_space<vmem>>, vector<16xf32>,
      %get3A_162 = arith.constant 64 : index
      %get3A_163 = tpu.vector_load %arg13[%get3A_162] {strides = array<i32>} : memref<128xi32, #tpu.memory_space<vmem>>, vector<16xi32>,
      %get3A_164 = arith.constant 64 : index
      %get3A_165 = tpu.vector_load %arg14[%get3A_164] {strides = array<i32>} : memref<128xi32, #tpu.memory_space<vmem>>, vector<16xi32>,
      %mul3A_166 = arith.constant 1 : i32
      %mul3A_167 = vector.broadcast %mul3A_166 : i32 to vector<16xi32>
      %mul3A_168 = arith.muli %get3A_163, %mul3A_167 : vector<16xi32>
      %add3A_169 = arith.constant 0 : i32
      %add3A_170 = vector.broadcast %add3A_169 : i32 to vector<16xi32>
      %add3A_171 = arith.addi %mul3A_168, %add3A_170 : vector<16xi32>
      %gather3A_172 = tpu.vector_load_idx %arg10[%add3A_171] : memref<10112xf32, #tpu.memory_space<vmem>>[vector<16xi32>], vector<16xf32>,
      %mul3A_173 = arith.constant 1 : i32
      %mul3A_174 = vector.broadcast %mul3A_173 : i32 to vector<16xi32>
      %mul3A_175 = arith.muli %get3A_165, %mul3A_174 : vector<16xi32>
      %add3A_176 = arith.constant 0 : i32
      %add3A_177 = vector.broadcast %add3A_176 : i32 to vector<16xi32>
      %add3A_178 = arith.addi %mul3A_175, %add3A_177 : vector<16xi32>
      %gather3A_179 = tpu.vector_load_idx %arg11[%add3A_178] : memref<10112xf32, #tpu.memory_space<vmem>>[vector<16xi32>], vector<16xf32>,
      %add3A_180 = arith.addf %gather3A_172, %gather3A_179 : vector<16xf32>
      %ge3A_181 = arith.constant 0.000000e+00 : f32
      %ge3A_182 = vector.broadcast %ge3A_181 : f32 to vector<16xf32>
      %ge3A_183 = arith.cmpf oge, %add3A_180, %ge3A_182 : vector<16xf32>
      %mul3A_184 = arith.constant 2.000000e-01 : f32
      %mul3A_185 = vector.broadcast %mul3A_184 : f32 to vector<16xf32>
      %mul3A_186 = arith.mulf %add3A_180, %mul3A_185 : vector<16xf32>
      %select_n3A_187 = arith.select %ge3A_183, %add3A_180, %mul3A_186 : vector<16xi1>, vector<16xf32>
      %exp3A_188 = math.exp %select_n3A_187 : vector<16xf32>
      %swap3A_189 = arith.constant 64 : index
      %swap3A_190 = tpu.vector_load %arg15[%swap3A_189] {strides = array<i32>} : memref<128xf32, #tpu.memory_space<vmem>>, vector<16xf32>,
      tpu.vector_store %arg15[%swap3A_189], %exp3A_188 {strides = array<i32>} : memref<128xf32, #tpu.memory_space<vmem>>, vector<16xf32>,
      %get3A_191 = arith.constant 80 : index
      %get3A_192 = tpu.vector_load %arg13[%get3A_191] {strides = array<i32>} : memref<128xi32, #tpu.memory_space<vmem>>, vector<16xi32>,
      %get3A_193 = arith.constant 80 : index
      %get3A_194 = tpu.vector_load %arg14[%get3A_193] {strides = array<i32>} : memref<128xi32, #tpu.memory_space<vmem>>, vector<16xi32>,
      %mul3A_195 = arith.constant 1 : i32
      %mul3A_196 = vector.broadcast %mul3A_195 : i32 to vector<16xi32>
      %mul3A_197 = arith.muli %get3A_192, %mul3A_196 : vector<16xi32>
      %add3A_198 = arith.constant 0 : i32
      %add3A_199 = vector.broadcast %add3A_198 : i32 to vector<16xi32>
      %add3A_200 = arith.addi %mul3A_197, %add3A_199 : vector<16xi32>
      %gather3A_201 = tpu.vector_load_idx %arg10[%add3A_200] : memref<10112xf32, #tpu.memory_space<vmem>>[vector<16xi32>], vector<16xf32>,
      %mul3A_202 = arith.constant 1 : i32
      %mul3A_203 = vector.broadcast %mul3A_202 : i32 to vector<16xi32>
      %mul3A_204 = arith.muli %get3A_194, %mul3A_203 : vector<16xi32>
      %add3A_205 = arith.constant 0 : i32
      %add3A_206 = vector.broadcast %add3A_205 : i32 to vector<16xi32>
      %add3A_207 = arith.addi %mul3A_204, %add3A_206 : vector<16xi32>
      %gather3A_208 = tpu.vector_load_idx %arg11[%add3A_207] : memref<10112xf32, #tpu.memory_space<vmem>>[vector<16xi32>], vector<16xf32>,
      %add3A_209 = arith.addf %gather3A_201, %gather3A_208 : vector<16xf32>
      %ge3A_210 = arith.constant 0.000000e+00 : f32
      %ge3A_211 = vector.broadcast %ge3A_210 : f32 to vector<16xf32>
      %ge3A_212 = arith.cmpf oge, %add3A_209, %ge3A_211 : vector<16xf32>
      %mul3A_213 = arith.constant 2.000000e-01 : f32
      %mul3A_214 = vector.broadcast %mul3A_213 : f32 to vector<16xf32>
      %mul3A_215 = arith.mulf %add3A_209, %mul3A_214 : vector<16xf32>
      %select_n3A_216 = arith.select %ge3A_212, %add3A_209, %mul3A_215 : vector<16xi1>, vector<16xf32>
      %exp3A_217 = math.exp %select_n3A_216 : vector<16xf32>
      %swap3A_218 = arith.constant 80 : index
      %swap3A_219 = tpu.vector_load %arg15[%swap3A_218] {strides = array<i32>} : memref<128xf32, #tpu.memory_space<vmem>>, vector<16xf32>,
      tpu.vector_store %arg15[%swap3A_218], %exp3A_217 {strides = array<i32>} : memref<128xf32, #tpu.memory_space<vmem>>, vector<16xf32>,
      %get3A_220 = arith.constant 96 : index
      %get3A_221 = tpu.vector_load %arg13[%get3A_220] {strides = array<i32>} : memref<128xi32, #tpu.memory_space<vmem>>, vector<16xi32>,
      %get3A_222 = arith.constant 96 : index
      %get3A_223 = tpu.vector_load %arg14[%get3A_222] {strides = array<i32>} : memref<128xi32, #tpu.memory_space<vmem>>, vector<16xi32>,
      %mul3A_224 = arith.constant 1 : i32
      %mul3A_225 = vector.broadcast %mul3A_224 : i32 to vector<16xi32>
      %mul3A_226 = arith.muli %get3A_221, %mul3A_225 : vector<16xi32>
      %add3A_227 = arith.constant 0 : i32
      %add3A_228 = vector.broadcast %add3A_227 : i32 to vector<16xi32>
      %add3A_229 = arith.addi %mul3A_226, %add3A_228 : vector<16xi32>
      %gather3A_230 = tpu.vector_load_idx %arg10[%add3A_229] : memref<10112xf32, #tpu.memory_space<vmem>>[vector<16xi32>], vector<16xf32>,
      %mul3A_231 = arith.constant 1 : i32
      %mul3A_232 = vector.broadcast %mul3A_231 : i32 to vector<16xi32>
      %mul3A_233 = arith.muli %get3A_223, %mul3A_232 : vector<16xi32>
      %add3A_234 = arith.constant 0 : i32
      %add3A_235 = vector.broadcast %add3A_234 : i32 to vector<16xi32>
      %add3A_236 = arith.addi %mul3A_233, %add3A_235 : vector<16xi32>
      %gather3A_237 = tpu.vector_load_idx %arg11[%add3A_236] : memref<10112xf32, #tpu.memory_space<vmem>>[vector<16xi32>], vector<16xf32>,
      %add3A_238 = arith.addf %gather3A_230, %gather3A_237 : vector<16xf32>
      %ge3A_239 = arith.constant 0.000000e+00 : f32
      %ge3A_240 = vector.broadcast %ge3A_239 : f32 to vector<16xf32>
      %ge3A_241 = arith.cmpf oge, %add3A_238, %ge3A_240 : vector<16xf32>
      %mul3A_242 = arith.constant 2.000000e-01 : f32
      %mul3A_243 = vector.broadcast %mul3A_242 : f32 to vector<16xf32>
      %mul3A_244 = arith.mulf %add3A_238, %mul3A_243 : vector<16xf32>
      %select_n3A_245 = arith.select %ge3A_241, %add3A_238, %mul3A_244 : vector<16xi1>, vector<16xf32>
      %exp3A_246 = math.exp %select_n3A_245 : vector<16xf32>
      %swap3A_247 = arith.constant 96 : index
      %swap3A_248 = tpu.vector_load %arg15[%swap3A_247] {strides = array<i32>} : memref<128xf32, #tpu.memory_space<vmem>>, vector<16xf32>,
      tpu.vector_store %arg15[%swap3A_247], %exp3A_246 {strides = array<i32>} : memref<128xf32, #tpu.memory_space<vmem>>, vector<16xf32>,
      %get3A_249 = arith.constant 112 : index
      %get3A_250 = tpu.vector_load %arg13[%get3A_249] {strides = array<i32>} : memref<128xi32, #tpu.memory_space<vmem>>, vector<16xi32>,
      %get3A_251 = arith.constant 112 : index
      %get3A_252 = tpu.vector_load %arg14[%get3A_251] {strides = array<i32>} : memref<128xi32, #tpu.memory_space<vmem>>, vector<16xi32>,
      %mul3A_253 = arith.constant 1 : i32
      %mul3A_254 = vector.broadcast %mul3A_253 : i32 to vector<16xi32>
      %mul3A_255 = arith.muli %get3A_250, %mul3A_254 : vector<16xi32>
      %add3A_256 = arith.constant 0 : i32
      %add3A_257 = vector.broadcast %add3A_256 : i32 to vector<16xi32>
      %add3A_258 = arith.addi %mul3A_255, %add3A_257 : vector<16xi32>
      %gather3A_259 = tpu.vector_load_idx %arg10[%add3A_258] : memref<10112xf32, #tpu.memory_space<vmem>>[vector<16xi32>], vector<16xf32>,
      %mul3A_260 = arith.constant 1 : i32
      %mul3A_261 = vector.broadcast %mul3A_260 : i32 to vector<16xi32>
      %mul3A_262 = arith.muli %get3A_252, %mul3A_261 : vector<16xi32>
      %add3A_263 = arith.constant 0 : i32
      %add3A_264 = vector.broadcast %add3A_263 : i32 to vector<16xi32>
      %add3A_265 = arith.addi %mul3A_262, %add3A_264 : vector<16xi32>
      %gather3A_266 = tpu.vector_load_idx %arg11[%add3A_265] : memref<10112xf32, #tpu.memory_space<vmem>>[vector<16xi32>], vector<16xf32>,
      %add3A_267 = arith.addf %gather3A_259, %gather3A_266 : vector<16xf32>
      %ge3A_268 = arith.constant 0.000000e+00 : f32
      %ge3A_269 = vector.broadcast %ge3A_268 : f32 to vector<16xf32>
      %ge3A_270 = arith.cmpf oge, %add3A_267, %ge3A_269 : vector<16xf32>
      %mul3A_271 = arith.constant 2.000000e-01 : f32
      %mul3A_272 = vector.broadcast %mul3A_271 : f32 to vector<16xf32>
      %mul3A_273 = arith.mulf %add3A_267, %mul3A_272 : vector<16xf32>
      %select_n3A_274 = arith.select %ge3A_270, %add3A_267, %mul3A_273 : vector<16xi1>, vector<16xf32>
      %exp3A_275 = math.exp %select_n3A_274 : vector<16xf32>
      %swap3A_276 = arith.constant 112 : index
      %swap3A_277 = tpu.vector_load %arg15[%swap3A_276] {strides = array<i32>} : memref<128xf32, #tpu.memory_space<vmem>>, vector<16xf32>,
      tpu.vector_store %arg15[%swap3A_276], %exp3A_275 {strides = array<i32>} : memref<128xf32, #tpu.memory_space<vmem>>, vector<16xf32>,
      %run_scoped3A = arith.constant 0 : i32
      "tpu.region"() ({
        %run_scoped3A_284 = tpu.sem_alloc : memref<!tpu.dma_semaphore, #tpu.memory_space<semaphore_mem>>
        %dma_start3A = tpu.memref_slice %arg7[%run_scoped3A, %add3A_50] : memref<1x323584xf32, #tpu.memory_space<hbm>> -> memref<1x128xf32, #tpu.memory_space<hbm>>
        %dma_start3A_285 = tpu.memref_squeeze %dma_start3A : memref<1x128xf32, #tpu.memory_space<hbm>> -> memref<128xf32, #tpu.memory_space<hbm>>
        %dma_start3A_286 = tpu.memref_slice %arg7[%run_scoped3A, %add3A_50] : memref<1x323584xf32, #tpu.memory_space<hbm>> -> memref<1x128xf32, #tpu.memory_space<hbm>>
        %dma_start3A_287 = tpu.memref_squeeze %dma_start3A_286 : memref<1x128xf32, #tpu.memory_space<hbm>> -> memref<128xf32, #tpu.memory_space<hbm>>
        tpu.enqueue_dma source(%arg15 : memref<128xf32, #tpu.memory_space<vmem>>) target(%dma_start3A_287 : memref<128xf32, #tpu.memory_space<hbm>>) target_semaphore(%run_scoped3A_284 : memref<!tpu.dma_semaphore, #tpu.memory_space<semaphore_mem>>)
        %dma_wait3A = tpu.memref_slice %arg7[%run_scoped3A, %add3A_50] : memref<1x323584xf32, #tpu.memory_space<hbm>> -> memref<1x128xf32, #tpu.memory_space<hbm>>
        %dma_wait3A_288 = tpu.memref_squeeze %dma_wait3A : memref<1x128xf32, #tpu.memory_space<hbm>> -> memref<128xf32, #tpu.memory_space<hbm>>
        %dma_wait3A_289 = tpu.memref_slice %arg7[%run_scoped3A, %add3A_50] : memref<1x323584xf32, #tpu.memory_space<hbm>> -> memref<1x128xf32, #tpu.memory_space<hbm>>
        %dma_wait3A_290 = tpu.memref_squeeze %dma_wait3A_289 : memref<1x128xf32, #tpu.memory_space<hbm>> -> memref<128xf32, #tpu.memory_space<hbm>>
        tpu.wait_dma2 semaphore(%run_scoped3A_284 : memref<!tpu.dma_semaphore, #tpu.memory_space<semaphore_mem>>) src(%arg15 : memref<128xf32, #tpu.memory_space<vmem>>) dst(%dma_wait3A_290 : memref<128xf32, #tpu.memory_space<hbm>>)
        tpu.yield
      }) : () -> ()
      %scan3A_278 = arith.constant 0 : i32
      %scan3A_279 = arith.constant 0 : i32
      %scan3A_280 = arith.constant 128 : i32
      %scan3A_281 = arith.addi %scan3A_279, %scan3A_280 : i32
      %scan3A_282 = arith.constant 1 : i32
      scf.for %scan3A_284 = %scan3A_279 to %scan3A_281 step %scan3A_282  : i32 {
        %broadcast_in_dim3A_285 = arith.constant 0 : i32
        %broadcast_in_dim3A_286 = vector.broadcast %broadcast_in_dim3A_285 : i32 to vector<16xi32>
        %add3A_287 = vector.broadcast %scan3A_284 : i32 to vector<16xi32>
        %add3A_288 = arith.addi %broadcast_in_dim3A_286, %add3A_287 : vector<16xi32>
        %gather3A_289 = tpu.vector_load_idx %arg15[%add3A_288] : memref<128xf32, #tpu.memory_space<vmem>>[vector<16xi32>], vector<16xf32>,
        %eq3A_290 = arith.constant 0 : i32
        %eq3A_291 = vector.broadcast %eq3A_290 : i32 to vector<16xi32>
        %eq3A_292 = arith.cmpi eq, %iota3A, %eq3A_291 : vector<16xi32>
        %select_n3A_293 = arith.select %eq3A_292, %gather3A_289, %broadcast_in_dim3A_1 : vector<16xi1>, vector<16xf32>
        %gather3A_294 = tpu.vector_load_idx %arg14[%add3A_288] : memref<128xi32, #tpu.memory_space<vmem>>[vector<16xi32>], vector<16xi32>,
        %mul3A_295 = arith.constant 1 : i32
        %mul3A_296 = vector.broadcast %mul3A_295 : i32 to vector<16xi32>
        %mul3A_297 = arith.muli %gather3A_294, %mul3A_296 : vector<16xi32>
        %lt3A = arith.constant 1 : i32
        %lt3A_298 = vector.broadcast %lt3A : i32 to vector<16xi32>
        %lt3A_299 = arith.cmpi slt, %iota3A, %lt3A_298 : vector<16xi32>
        %jit3A = arith.constant 0 : i32
        %broadcast_in_dim3A_300 = vector.broadcast %jit3A : i32 to vector<16xi32>
        %select_n3A_301 = arith.select %lt3A_299, %iota3A, %broadcast_in_dim3A_300 : vector<16xi1>, vector<16xi32>
        %add3A_302 = arith.addi %mul3A_297, %select_n3A_301 : vector<16xi32>
        %shift_right_arithmetic3A = arith.constant 7 : i32
        %shift_right_arithmetic3A_303 = vector.broadcast %shift_right_arithmetic3A : i32 to vector<16xi32>
        %shift_right_arithmetic3A_304 = arith.shrsi %add3A_302, %shift_right_arithmetic3A_303 : vector<16xi32>
        %and3A = arith.constant 127 : i32
        %and3A_305 = vector.broadcast %and3A : i32 to vector<16xi32>
        %and3A_306 = arith.andi %add3A_302, %and3A_305 : vector<16xi32>
        %gather3A_307 = tpu.vector_load_idx %arg12[%shift_right_arithmetic3A_304, %and3A_306] : memref<80x128xf32, #tpu.memory_space<vmem>>[vector<16xi32>, vector<16xi32>], vector<16xf32>,
        %add3A_308 = arith.addf %gather3A_307, %select_n3A_293 : vector<16xf32>
        %lt3A_309 = arith.constant 1 : i32
        %lt3A_310 = vector.broadcast %lt3A_309 : i32 to vector<16xi32>
        %lt3A_311 = arith.cmpi slt, %iota3A, %lt3A_310 : vector<16xi32>
        tpu.vector_store_idx %arg12[%shift_right_arithmetic3A_304, %and3A_306], %add3A_308 masked %lt3A_311 : memref<80x128xf32, #tpu.memory_space<vmem>>[vector<16xi32>, vector<16xi32>], vector<16xf32>, vector<16xi1>
      }
      %scan3A_283 = arith.constant 128 : i32
    }
    %scan3A_38 = arith.constant 79 : i32
    "tpu.region"() ({
      %run_scoped3A = tpu.sem_alloc : memref<!tpu.dma_semaphore, #tpu.memory_space<semaphore_mem>>
      %dma_start3A = arith.constant 0 : i32
      %dma_start3A_45 = arith.constant 0 : i32
      %dma_start3A_46 = tpu.memref_slice %arg12[%dma_start3A, %dma_start3A_45] : memref<80x128xf32, #tpu.memory_space<vmem>> -> memref<80x128xf32, #tpu.memory_space<vmem>>
      %dma_start3A_47 = arith.constant 0 : i32
      %dma_start3A_48 = arith.constant 0 : i32
      %dma_start3A_49 = tpu.memref_slice %arg9[%dma_start3A_47, %dma_start3A_48] : memref<80x128xf32, #tpu.memory_space<vmem_shared>> -> memref<80x128xf32, #tpu.memory_space<vmem_shared>>
      tpu.enqueue_indirect_dma source(%dma_start3A_46 : memref<80x128xf32, #tpu.memory_space<vmem>>) target(%dma_start3A_49 : memref<80x128xf32, #tpu.memory_space<vmem_shared>>) offsets(%arg16 : memref<80xi32, #tpu.memory_space<vmem>>) semaphore(%run_scoped3A : memref<!tpu.dma_semaphore, #tpu.memory_space<semaphore_mem>>) {add = true}
      %dma_wait3A = arith.constant 0 : i32
      %dma_wait3A_50 = arith.constant 0 : i32
      %dma_wait3A_51 = tpu.memref_slice %arg12[%dma_wait3A, %dma_wait3A_50] : memref<80x128xf32, #tpu.memory_space<vmem>> -> memref<80x128xf32, #tpu.memory_space<vmem>>
      %dma_wait3A_52 = arith.constant 0 : i32
      %dma_wait3A_53 = arith.constant 0 : i32
      %dma_wait3A_54 = tpu.memref_slice %arg9[%dma_wait3A_52, %dma_wait3A_53] : memref<80x128xf32, #tpu.memory_space<vmem_shared>> -> memref<80x128xf32, #tpu.memory_space<vmem_shared>>
      tpu.wait_indirect_dma semaphore(%run_scoped3A : memref<!tpu.dma_semaphore, #tpu.memory_space<semaphore_mem>>) src(%dma_wait3A_51 : memref<80x128xf32, #tpu.memory_space<vmem>>) dst(%dma_wait3A_54 : memref<80x128xf32, #tpu.memory_space<vmem_shared>>)
      tpu.yield
    }) : () -> ()
    %barrier3A_39 = arith.constant 0 : index
    tpu.barrier barrier_id(%barrier3A_39)
    %eq3A_40 = arith.constant 0 : i32
    %eq3A_41 = arith.cmpi eq, %arg1, %eq3A_40 : i32
    %convert_element_type3A_42 = arith.extui %eq3A_41 : i1 to i32
    %cond3A_43 = arith.constant 0 : i32
    %cond3A_44 = arith.cmpi ne, %convert_element_type3A_42, %cond3A_43 : i32
    scf.if %cond3A_44 {
      "tpu.region"() ({
        %run_scoped3A = tpu.sem_alloc : memref<!tpu.dma_semaphore, #tpu.memory_space<semaphore_mem>>
        %dma_start3A = arith.constant 0 : i32
        %dma_start3A_45 = arith.constant 0 : i32
        %dma_start3A_46 = tpu.memref_slice %arg8[%arg0, %dma_start3A, %dma_start3A_45] : memref<2x80x128xf32, #tpu.memory_space<hbm>> -> memref<1x80x128xf32, #tpu.memory_space<hbm>>
        %dma_start3A_47 = tpu.memref_squeeze %dma_start3A_46 : memref<1x80x128xf32, #tpu.memory_space<hbm>> -> memref<80x128xf32, #tpu.memory_space<hbm>>
        tpu.enqueue_dma source(%arg9 : memref<80x128xf32, #tpu.memory_space<vmem_shared>>) target(%dma_start3A_47 : memref<80x128xf32, #tpu.memory_space<hbm>>) target_semaphore(%run_scoped3A : memref<!tpu.dma_semaphore, #tpu.memory_space<semaphore_mem>>)
        %dma_wait3A = arith.constant 0 : i32
        %dma_wait3A_48 = arith.constant 0 : i32
        %dma_wait3A_49 = tpu.memref_slice %arg8[%arg0, %dma_wait3A, %dma_wait3A_48] : memref<2x80x128xf32, #tpu.memory_space<hbm>> -> memref<1x80x128xf32, #tpu.memory_space<hbm>>
        %dma_wait3A_50 = tpu.memref_squeeze %dma_wait3A_49 : memref<1x80x128xf32, #tpu.memory_space<hbm>> -> memref<80x128xf32, #tpu.memory_space<hbm>>
        tpu.wait_dma2 semaphore(%run_scoped3A : memref<!tpu.dma_semaphore, #tpu.memory_space<semaphore_mem>>) src(%arg9 : memref<80x128xf32, #tpu.memory_space<vmem_shared>>) dst(%dma_wait3A_50 : memref<80x128xf32, #tpu.memory_space<hbm>>)
        tpu.yield
      }) : () -> ()
    } else {
    }
    return
  }
}

module attributes {stable_mosaic.version = 14 : i64} {
  func.func @_tc_pre(%arg0: i32, %arg1: memref<128x128xf32, #tpu.memory_space<vmem>>, %arg2: memref<128x128xf32, #tpu.memory_space<vmem>>, %arg3: memref<128x2xf32, #tpu.memory_space<vmem>>, %arg4: memref<128x2xf32, #tpu.memory_space<vmem>>, %arg5: memref<128x128xf32, #tpu.memory_space<vmem>>, %arg6: memref<128x2xf32, #tpu.memory_space<vmem>>, %arg7: memref<128x2xf32, #tpu.memory_space<vmem>>) attributes {dimension_semantics = [#tpu.dimension_semantics<arbitrary>], iteration_bounds = array<i64: 79>, scalar_prefetch = 0 : i64, scratch_operands = 0 : i64, tpu.core_type = #tpu.core_type<tc>, window_params = [{transform_indices = @transform_0, window_bounds = array<i64: 128, 128>}, {pipeline_mode = #tpu.pipeline_mode<synchronous>, transform_indices = @transform_1, window_bounds = array<i64: 128, 128>}, {pipeline_mode = #tpu.pipeline_mode<synchronous>, transform_indices = @transform_2, window_bounds = array<i64: 128, 2>}, {pipeline_mode = #tpu.pipeline_mode<synchronous>, transform_indices = @transform_3, window_bounds = array<i64: 128, 2>}, {transform_indices = @transform_4, window_bounds = array<i64: 128, 128>}, {transform_indices = @transform_5, window_bounds = array<i64: 128, 2>}, {transform_indices = @transform_6, window_bounds = array<i64: 128, 2>}]} {
    %get3A = arith.constant 0 : index
    %get3A_0 = arith.constant 0 : index
    %get3A_1 = vector.load %arg1[%get3A, %get3A_0] : memref<128x128xf32, #tpu.memory_space<vmem>>, vector<128x128xf32>
    %get3A_2 = arith.constant 0 : index
    %get3A_3 = arith.constant 0 : index
    %get3A_4 = vector.load %arg2[%get3A_2, %get3A_3] : memref<128x128xf32, #tpu.memory_space<vmem>>, vector<128x128xf32>
    %dot_general3A = arith.constant dense<0.000000e+00> : vector<128x128xf32>
    %dot_general3A_5 = tpu.matmul %get3A_1, %get3A_4, %dot_general3A {dimension_numbers = #tpu.dot_dimension_numbers<[1], [0], [0], [1], [0, 0, 1, 1], [], []>, transpose_lhs_hint = false} : vector<128x128xf32>, vector<128x128xf32>, vector<128x128xf32> -> vector<128x128xf32>
    %swap3A = arith.constant 0 : index
    %swap3A_6 = arith.constant 0 : index
    %swap3A_7 = vector.load %arg5[%swap3A, %swap3A_6] : memref<128x128xf32, #tpu.memory_space<vmem>>, vector<128x128xf32>
    tpu.vector_store %arg5[%swap3A, %swap3A_6], %dot_general3A_5 {strides = array<i32>} : memref<128x128xf32, #tpu.memory_space<vmem>>, vector<128x128xf32>,
    %get3A_8 = arith.constant 0 : index
    %get3A_9 = arith.constant 0 : index
    %get3A_10 = vector.load %arg3[%get3A_8, %get3A_9] : memref<128x2xf32, #tpu.memory_space<vmem>>, vector<128x2xf32>
    %dot_general3A_11 = arith.constant dense<0.000000e+00> : vector<128x2xf32>
    %dot_general3A_12 = tpu.matmul %dot_general3A_5, %get3A_10, %dot_general3A_11 {dimension_numbers = #tpu.dot_dimension_numbers<[1], [0], [0], [1], [0, 0, 1, 1], [], []>, transpose_lhs_hint = false} : vector<128x128xf32>, vector<128x2xf32>, vector<128x2xf32> -> vector<128x2xf32>
    %swap3A_13 = arith.constant 0 : index
    %swap3A_14 = arith.constant 0 : index
    %swap3A_15 = vector.load %arg6[%swap3A_13, %swap3A_14] : memref<128x2xf32, #tpu.memory_space<vmem>>, vector<128x2xf32>
    tpu.vector_store %arg6[%swap3A_13, %swap3A_14], %dot_general3A_12 {strides = array<i32>} : memref<128x2xf32, #tpu.memory_space<vmem>>, vector<128x2xf32>,
    %get3A_16 = arith.constant 0 : index
    %get3A_17 = arith.constant 0 : index
    %get3A_18 = vector.load %arg4[%get3A_16, %get3A_17] : memref<128x2xf32, #tpu.memory_space<vmem>>, vector<128x2xf32>
    %dot_general3A_19 = arith.constant dense<0.000000e+00> : vector<128x2xf32>
    %dot_general3A_20 = tpu.matmul %dot_general3A_5, %get3A_18, %dot_general3A_19 {dimension_numbers = #tpu.dot_dimension_numbers<[1], [0], [0], [1], [0, 0, 1, 1], [], []>, transpose_lhs_hint = false} : vector<128x128xf32>, vector<128x2xf32>, vector<128x2xf32> -> vector<128x2xf32>
    %swap3A_21 = arith.constant 0 : index
    %swap3A_22 = arith.constant 0 : index
    %swap3A_23 = vector.load %arg7[%swap3A_21, %swap3A_22] : memref<128x2xf32, #tpu.memory_space<vmem>>, vector<128x2xf32>
    tpu.vector_store %arg7[%swap3A_21, %swap3A_22], %dot_general3A_20 {strides = array<i32>} : memref<128x2xf32, #tpu.memory_space<vmem>>, vector<128x2xf32>,
    return
  }
  func.func @transform_0(%arg0: i32) -> (i32, i32) {
    %c0_i32 = arith.constant 0 : i32
    %c0_i32_0 = arith.constant 0 : i32
    return %arg0, %c0_i32 : i32, i32
  }
  func.func @transform_1(%arg0: i32) -> (i32, i32) {
    %c0_i32 = arith.constant 0 : i32
    %c0_i32_0 = arith.constant 0 : i32
    %c0_i32_1 = arith.constant 0 : i32
    return %c0_i32, %c0_i32_0 : i32, i32
  }
  func.func @transform_2(%arg0: i32) -> (i32, i32) {
    %c0_i32 = arith.constant 0 : i32
    %c0_i32_0 = arith.constant 0 : i32
    %c0_i32_1 = arith.constant 0 : i32
    return %c0_i32, %c0_i32_0 : i32, i32
  }
  func.func @transform_3(%arg0: i32) -> (i32, i32) {
    %c0_i32 = arith.constant 0 : i32
    %c0_i32_0 = arith.constant 0 : i32
    %c0_i32_1 = arith.constant 0 : i32
    return %c0_i32, %c0_i32_0 : i32, i32
  }
  func.func @transform_4(%arg0: i32) -> (i32, i32) {
    %c0_i32 = arith.constant 0 : i32
    %c0_i32_0 = arith.constant 0 : i32
    return %arg0, %c0_i32 : i32, i32
  }
  func.func @transform_5(%arg0: i32) -> (i32, i32) {
    %c0_i32 = arith.constant 0 : i32
    %c0_i32_0 = arith.constant 0 : i32
    return %arg0, %c0_i32 : i32, i32
  }
  func.func @transform_6(%arg0: i32) -> (i32, i32) {
    %c0_i32 = arith.constant 0 : i32
    %c0_i32_0 = arith.constant 0 : i32
    return %arg0, %c0_i32 : i32, i32
  }
}

module attributes {stable_mosaic.version = 14 : i64} {
  func.func @_tc_finalize(%arg0: i32, %arg1: memref<2x128x128xf32, #tpu.memory_space<vmem>>, %arg2: memref<128x2xf32, #tpu.memory_space<vmem>>, %arg3: memref<128x2xf32, #tpu.memory_space<vmem>>, %arg4: memref<128x128xf32, #tpu.memory_space<vmem>>, %arg5: memref<128x2xf32, #tpu.memory_space<vmem>>, %arg6: memref<128x2xf32, #tpu.memory_space<vmem>>, %arg7: memref<1x128xf32, #tpu.memory_space<vmem>>, %arg8: memref<128x128xf32, #tpu.memory_space<vmem>>, %arg9: memref<128x1xf32, #tpu.memory_space<vmem>>, %arg10: memref<128x1xf32, #tpu.memory_space<vmem>>, %arg11: memref<128x128xf32, #tpu.memory_space<vmem>>, %arg12: memref<128x1xf32, #tpu.memory_space<vmem>>, %arg13: memref<128x1xf32, #tpu.memory_space<vmem>>) attributes {dimension_semantics = [#tpu.dimension_semantics<arbitrary>], iteration_bounds = array<i64: 79>, scalar_prefetch = 0 : i64, scratch_operands = 0 : i64, tpu.core_type = #tpu.core_type<tc>, window_params = [{transform_indices = @transform_0, window_bounds = array<i64: 2, 128, 128>}, {transform_indices = @transform_1, window_bounds = array<i64: 128, 2>}, {transform_indices = @transform_2, window_bounds = array<i64: 128, 2>}, {transform_indices = @transform_3, window_bounds = array<i64: 128, 128>}, {transform_indices = @transform_4, window_bounds = array<i64: 128, 2>}, {transform_indices = @transform_5, window_bounds = array<i64: 128, 2>}, {pipeline_mode = #tpu.pipeline_mode<synchronous>, transform_indices = @transform_6, window_bounds = array<i64: 1, 128>}, {pipeline_mode = #tpu.pipeline_mode<synchronous>, transform_indices = @transform_7, window_bounds = array<i64: 128, 128>}, {pipeline_mode = #tpu.pipeline_mode<synchronous>, transform_indices = @transform_8, window_bounds = array<i64: 128, 1>}, {pipeline_mode = #tpu.pipeline_mode<synchronous>, transform_indices = @transform_9, window_bounds = array<i64: 128, 1>}, {transform_indices = @transform_10, window_bounds = array<i64: 128, 128>}, {transform_indices = @transform_11, window_bounds = array<i64: 128, 1>}, {transform_indices = @transform_12, window_bounds = array<i64: 128, 1>}]} {
    %get3A = arith.constant 0 : index
    %get3A_0 = arith.constant 0 : index
    %get3A_1 = arith.constant 0 : index
    %get3A_2 = vector.load %arg1[%get3A, %get3A_0, %get3A_1] : memref<2x128x128xf32, #tpu.memory_space<vmem>>, vector<1x128x128xf32>
    %get3A_3 = vector.shape_cast %get3A_2 : vector<1x128x128xf32> to vector<128x128xf32>
    %get3A_4 = arith.constant 1 : index
    %get3A_5 = arith.constant 0 : index
    %get3A_6 = arith.constant 0 : index
    %get3A_7 = vector.load %arg1[%get3A_4, %get3A_5, %get3A_6] : memref<2x128x128xf32, #tpu.memory_space<vmem>>, vector<1x128x128xf32>
    %get3A_8 = vector.shape_cast %get3A_7 : vector<1x128x128xf32> to vector<128x128xf32>
    %add3A = arith.addf %get3A_3, %get3A_8 : vector<128x128xf32>
    %get3A_9 = arith.constant 0 : index
    %get3A_10 = arith.constant 0 : index
    %get3A_11 = vector.load %arg5[%get3A_9, %get3A_10] : memref<128x2xf32, #tpu.memory_space<vmem>>, vector<128x2xf32>
    %get3A_12 = arith.constant 0 : index
    %get3A_13 = arith.constant 0 : index
    %get3A_14 = vector.load %arg6[%get3A_12, %get3A_13] : memref<128x2xf32, #tpu.memory_space<vmem>>, vector<128x2xf32>
    %add3A_15 = arith.addf %get3A_11, %get3A_14 : vector<128x2xf32>
    %ge3A = arith.constant 0.000000e+00 : f32
    %ge3A_16 = vector.broadcast %ge3A : f32 to vector<128x2xf32>
    %ge3A_17 = arith.cmpf oge, %add3A_15, %ge3A_16 : vector<128x2xf32>
    %mul3A = arith.constant 2.000000e-01 : f32
    %mul3A_18 = vector.broadcast %mul3A : f32 to vector<128x2xf32>
    %mul3A_19 = arith.mulf %add3A_15, %mul3A_18 : vector<128x2xf32>
    %select_n3A = arith.select %ge3A_17, %add3A_15, %mul3A_19 : vector<128x2xi1>, vector<128x2xf32>
    %exp3A = math.exp %select_n3A : vector<128x2xf32>
    %get3A_20 = arith.constant 0 : index
    %get3A_21 = arith.constant 0 : index
    %get3A_22 = vector.load %arg4[%get3A_20, %get3A_21] : memref<128x128xf32, #tpu.memory_space<vmem>>, vector<128x128xf32>
    %slice3A = vector.extract_strided_slice %exp3A {offsets = [0, 0], sizes = [128, 1], strides = [1, 1]} : vector<128x2xf32> to vector<128x1xf32>
    %broadcast_in_dim3A = vector.shape_cast %slice3A : vector<128x1xf32> to vector<128x1xf32>
    %broadcast_in_dim3A_23 = vector.broadcast %broadcast_in_dim3A : vector<128x1xf32> to vector<128x64xf32>
    %slice3A_24 = vector.extract_strided_slice %exp3A {offsets = [0, 1], sizes = [128, 1], strides = [1, 1]} : vector<128x2xf32> to vector<128x1xf32>
    %broadcast_in_dim3A_25 = vector.shape_cast %slice3A_24 : vector<128x1xf32> to vector<128x1xf32>
    %broadcast_in_dim3A_26 = vector.broadcast %broadcast_in_dim3A_25 : vector<128x1xf32> to vector<128x64xf32>
    %concatenate3A = tpu.concatenate %broadcast_in_dim3A_23, %broadcast_in_dim3A_26 in 1 : vector<128x64xf32>, vector<128x64xf32> -> vector<128x128xf32>
    %mul3A_27 = arith.mulf %get3A_22, %concatenate3A : vector<128x128xf32>
    %add3A_28 = arith.addf %add3A, %mul3A_27 : vector<128x128xf32>
    %get3A_29 = arith.constant 0 : index
    %get3A_30 = arith.constant 0 : index
    %get3A_31 = vector.load %arg2[%get3A_29, %get3A_30] : memref<128x2xf32, #tpu.memory_space<vmem>>, vector<128x2xf32>
    %get3A_32 = arith.constant 0 : index
    %get3A_33 = arith.constant 0 : index
    %get3A_34 = vector.load %arg3[%get3A_32, %get3A_33] : memref<128x2xf32, #tpu.memory_space<vmem>>, vector<128x2xf32>
    %add3A_35 = arith.addf %get3A_31, %get3A_34 : vector<128x2xf32>
    %add3A_36 = arith.addf %add3A_35, %exp3A : vector<128x2xf32>
    %slice3A_37 = vector.extract_strided_slice %add3A_36 {offsets = [0, 0], sizes = [128, 1], strides = [1, 1]} : vector<128x2xf32> to vector<128x1xf32>
    %broadcast_in_dim3A_38 = vector.shape_cast %slice3A_37 : vector<128x1xf32> to vector<128x1xf32>
    %broadcast_in_dim3A_39 = vector.broadcast %broadcast_in_dim3A_38 : vector<128x1xf32> to vector<128x64xf32>
    %slice3A_40 = vector.extract_strided_slice %add3A_36 {offsets = [0, 1], sizes = [128, 1], strides = [1, 1]} : vector<128x2xf32> to vector<128x1xf32>
    %broadcast_in_dim3A_41 = vector.shape_cast %slice3A_40 : vector<128x1xf32> to vector<128x1xf32>
    %broadcast_in_dim3A_42 = vector.broadcast %broadcast_in_dim3A_41 : vector<128x1xf32> to vector<128x64xf32>
    %concatenate3A_43 = tpu.concatenate %broadcast_in_dim3A_39, %broadcast_in_dim3A_42 in 1 : vector<128x64xf32>, vector<128x64xf32> -> vector<128x128xf32>
    %add3A_44 = arith.constant 1.000000e-16 : f32
    %add3A_45 = vector.broadcast %add3A_44 : f32 to vector<128x128xf32>
    %add3A_46 = arith.addf %concatenate3A_43, %add3A_45 : vector<128x128xf32>
    %div3A = arith.divf %add3A_28, %add3A_46 : vector<128x128xf32>
    %get3A_47 = arith.constant 0 : index
    %get3A_48 = arith.constant 0 : index
    %get3A_49 = vector.load %arg7[%get3A_47, %get3A_48] : memref<1x128xf32, #tpu.memory_space<vmem>>, vector<1x128xf32>
    %add3A_50 = vector.broadcast %get3A_49 : vector<1x128xf32> to vector<128x128xf32>
    %add3A_51 = arith.addf %div3A, %add3A_50 : vector<128x128xf32>
    %iota3A = tpu.iota {dimensions = array<i32: 0>} : vector<128x128xi32>
    %mul3A_52 = arith.constant 128 : i32
    %mul3A_53 = arith.muli %arg0, %mul3A_52 : i32
    %add3A_54 = vector.broadcast %mul3A_53 : i32 to vector<128x128xi32>
    %add3A_55 = arith.addi %iota3A, %add3A_54 : vector<128x128xi32>
    %lt3A = arith.constant 10000 : i32
    %lt3A_56 = vector.broadcast %lt3A : i32 to vector<128x128xi32>
    %lt3A_57 = arith.cmpi slt, %add3A_55, %lt3A_56 : vector<128x128xi32>
    %jit3A = arith.constant 0.000000e+00 : f32
    %broadcast_in_dim3A_58 = vector.broadcast %jit3A : f32 to vector<128x128xf32>
    %select_n3A_59 = arith.select %lt3A_57, %add3A_51, %broadcast_in_dim3A_58 : vector<128x128xi1>, vector<128x128xf32>
    %gt3A = arith.constant 0.000000e+00 : f32
    %gt3A_60 = vector.broadcast %gt3A : f32 to vector<128x128xf32>
    %gt3A_61 = arith.cmpf ogt, %select_n3A_59, %gt3A_60 : vector<128x128xf32>
    %min3A = arith.constant 0.000000e+00 : f32
    %min3A_62 = vector.broadcast %min3A : f32 to vector<128x128xf32>
    %min3A_63 = arith.minimumf %select_n3A_59, %min3A_62 : vector<128x128xf32>
    %exp3A_64 = math.exp %min3A_63 : vector<128x128xf32>
    %sub3A = arith.constant 1.000000e+00 : f32
    %sub3A_65 = vector.broadcast %sub3A : f32 to vector<128x128xf32>
    %sub3A_66 = arith.subf %exp3A_64, %sub3A_65 : vector<128x128xf32>
    %select_n3A_67 = arith.select %gt3A_61, %select_n3A_59, %sub3A_66 : vector<128x128xi1>, vector<128x128xf32>
    %get3A_68 = arith.constant 0 : index
    %get3A_69 = arith.constant 0 : index
    %get3A_70 = vector.load %arg8[%get3A_68, %get3A_69] : memref<128x128xf32, #tpu.memory_space<vmem>>, vector<128x128xf32>
    %dot_general3A = arith.constant dense<0.000000e+00> : vector<128x128xf32>
    %dot_general3A_71 = tpu.matmul %select_n3A_67, %get3A_70, %dot_general3A {dimension_numbers = #tpu.dot_dimension_numbers<[1], [0], [0], [1], [0, 0, 1, 1], [], []>, transpose_lhs_hint = false} : vector<128x128xf32>, vector<128x128xf32>, vector<128x128xf32> -> vector<128x128xf32>
    %lt3A_72 = arith.constant 10000 : i32
    %lt3A_73 = vector.broadcast %lt3A_72 : i32 to vector<128x128xi32>
    %lt3A_74 = arith.cmpi slt, %add3A_55, %lt3A_73 : vector<128x128xi32>
    %jit3A_75 = arith.constant 0.000000e+00 : f32
    %broadcast_in_dim3A_76 = vector.broadcast %jit3A_75 : f32 to vector<128x128xf32>
    %select_n3A_77 = arith.select %lt3A_74, %dot_general3A_71, %broadcast_in_dim3A_76 : vector<128x128xi1>, vector<128x128xf32>
    %swap3A = arith.constant 0 : index
    %swap3A_78 = arith.constant 0 : index
    %swap3A_79 = vector.load %arg11[%swap3A, %swap3A_78] : memref<128x128xf32, #tpu.memory_space<vmem>>, vector<128x128xf32>
    tpu.vector_store %arg11[%swap3A, %swap3A_78], %select_n3A_77 {strides = array<i32>} : memref<128x128xf32, #tpu.memory_space<vmem>>, vector<128x128xf32>,
    %get3A_80 = arith.constant 0 : index
    %get3A_81 = arith.constant 0 : index
    %get3A_82 = vector.load %arg9[%get3A_80, %get3A_81] : memref<128x1xf32, #tpu.memory_space<vmem>>, vector<128x1xf32>
    %dot_general3A_83 = arith.constant dense<0.000000e+00> : vector<128x1xf32>
    %dot_general3A_84 = tpu.matmul %select_n3A_77, %get3A_82, %dot_general3A_83 {dimension_numbers = #tpu.dot_dimension_numbers<[1], [0], [0], [1], [0, 0, 1, 1], [], []>, transpose_lhs_hint = false} : vector<128x128xf32>, vector<128x1xf32>, vector<128x1xf32> -> vector<128x1xf32>
    %swap3A_85 = arith.constant 0 : index
    %swap3A_86 = arith.constant 0 : index
    %swap3A_87 = vector.load %arg12[%swap3A_85, %swap3A_86] : memref<128x1xf32, #tpu.memory_space<vmem>>, vector<128x1xf32>
    tpu.vector_store %arg12[%swap3A_85, %swap3A_86], %dot_general3A_84 {strides = array<i32>} : memref<128x1xf32, #tpu.memory_space<vmem>>, vector<128x1xf32>,
    %get3A_88 = arith.constant 0 : index
    %get3A_89 = arith.constant 0 : index
    %get3A_90 = vector.load %arg10[%get3A_88, %get3A_89] : memref<128x1xf32, #tpu.memory_space<vmem>>, vector<128x1xf32>
    %dot_general3A_91 = arith.constant dense<0.000000e+00> : vector<128x1xf32>
    %dot_general3A_92 = tpu.matmul %select_n3A_77, %get3A_90, %dot_general3A_91 {dimension_numbers = #tpu.dot_dimension_numbers<[1], [0], [0], [1], [0, 0, 1, 1], [], []>, transpose_lhs_hint = false} : vector<128x128xf32>, vector<128x1xf32>, vector<128x1xf32> -> vector<128x1xf32>
    %swap3A_93 = arith.constant 0 : index
    %swap3A_94 = arith.constant 0 : index
    %swap3A_95 = vector.load %arg13[%swap3A_93, %swap3A_94] : memref<128x1xf32, #tpu.memory_space<vmem>>, vector<128x1xf32>
    tpu.vector_store %arg13[%swap3A_93, %swap3A_94], %dot_general3A_92 {strides = array<i32>} : memref<128x1xf32, #tpu.memory_space<vmem>>, vector<128x1xf32>,
    return
  }
  func.func @transform_0(%arg0: i32) -> (i32, i32, i32) {
    %c0_i32 = arith.constant 0 : i32
    %c0_i32_0 = arith.constant 0 : i32
    %c0_i32_1 = arith.constant 0 : i32
    return %c0_i32, %arg0, %c0_i32_0 : i32, i32, i32
  }
  func.func @transform_1(%arg0: i32) -> (i32, i32) {
    %c0_i32 = arith.constant 0 : i32
    %c0_i32_0 = arith.constant 0 : i32
    return %arg0, %c0_i32 : i32, i32
  }
  func.func @transform_2(%arg0: i32) -> (i32, i32) {
    %c0_i32 = arith.constant 0 : i32
    %c0_i32_0 = arith.constant 0 : i32
    return %arg0, %c0_i32 : i32, i32
  }
  func.func @transform_3(%arg0: i32) -> (i32, i32) {
    %c0_i32 = arith.constant 0 : i32
    %c0_i32_0 = arith.constant 0 : i32
    return %arg0, %c0_i32 : i32, i32
  }
  func.func @transform_4(%arg0: i32) -> (i32, i32) {
    %c0_i32 = arith.constant 0 : i32
    %c0_i32_0 = arith.constant 0 : i32
    return %arg0, %c0_i32 : i32, i32
  }
  func.func @transform_5(%arg0: i32) -> (i32, i32) {
    %c0_i32 = arith.constant 0 : i32
    %c0_i32_0 = arith.constant 0 : i32
    return %arg0, %c0_i32 : i32, i32
  }
  func.func @transform_6(%arg0: i32) -> (i32, i32) {
    %c0_i32 = arith.constant 0 : i32
    %c0_i32_0 = arith.constant 0 : i32
    %c0_i32_1 = arith.constant 0 : i32
    return %c0_i32, %c0_i32_0 : i32, i32
  }
  func.func @transform_7(%arg0: i32) -> (i32, i32) {
    %c0_i32 = arith.constant 0 : i32
    %c0_i32_0 = arith.constant 0 : i32
    %c0_i32_1 = arith.constant 0 : i32
    return %c0_i32, %c0_i32_0 : i32, i32
  }
  func.func @transform_8(%arg0: i32) -> (i32, i32) {
    %c0_i32 = arith.constant 0 : i32
    %c0_i32_0 = arith.constant 0 : i32
    %c0_i32_1 = arith.constant 0 : i32
    return %c0_i32, %c0_i32_0 : i32, i32
  }
  func.func @transform_9(%arg0: i32) -> (i32, i32) {
    %c0_i32 = arith.constant 0 : i32
    %c0_i32_0 = arith.constant 0 : i32
    %c0_i32_1 = arith.constant 0 : i32
    return %c0_i32, %c0_i32_0 : i32, i32
  }
  func.func @transform_10(%arg0: i32) -> (i32, i32) {
    %c0_i32 = arith.constant 0 : i32
    %c0_i32_0 = arith.constant 0 : i32
    return %arg0, %c0_i32 : i32, i32
  }
  func.func @transform_11(%arg0: i32) -> (i32, i32) {
    %c0_i32 = arith.constant 0 : i32
    %c0_i32_0 = arith.constant 0 : i32
    return %arg0, %c0_i32 : i32, i32
  }
  func.func @transform_12(%arg0: i32) -> (i32, i32) {
    %c0_i32 = arith.constant 0 : i32
    %c0_i32_0 = arith.constant 0 : i32
    return %arg0, %c0_i32 : i32, i32
  }
}

module attributes {stable_mosaic.version = 14 : i64} {
  func.func @_tc_finalize(%arg0: i32, %arg1: memref<2x128x128xf32, #tpu.memory_space<vmem>>, %arg2: memref<128x1xf32, #tpu.memory_space<vmem>>, %arg3: memref<128x1xf32, #tpu.memory_space<vmem>>, %arg4: memref<128x128xf32, #tpu.memory_space<vmem>>, %arg5: memref<128x1xf32, #tpu.memory_space<vmem>>, %arg6: memref<128x1xf32, #tpu.memory_space<vmem>>, %arg7: memref<1x128xf32, #tpu.memory_space<vmem>>, %arg8: memref<128x128xf32, #tpu.memory_space<vmem>>) attributes {dimension_semantics = [#tpu.dimension_semantics<arbitrary>], iteration_bounds = array<i64: 79>, scalar_prefetch = 0 : i64, scratch_operands = 0 : i64, tpu.core_type = #tpu.core_type<tc>, window_params = [{transform_indices = @transform_0, window_bounds = array<i64: 2, 128, 128>}, {transform_indices = @transform_1, window_bounds = array<i64: 128, 1>}, {transform_indices = @transform_2, window_bounds = array<i64: 128, 1>}, {transform_indices = @transform_3, window_bounds = array<i64: 128, 128>}, {transform_indices = @transform_4, window_bounds = array<i64: 128, 1>}, {transform_indices = @transform_5, window_bounds = array<i64: 128, 1>}, {pipeline_mode = #tpu.pipeline_mode<synchronous>, transform_indices = @transform_6, window_bounds = array<i64: 1, 128>}, {transform_indices = @transform_7, window_bounds = array<i64: 128, 128>}]} {
    %get3A = arith.constant 0 : index
    %get3A_0 = arith.constant 0 : index
    %get3A_1 = arith.constant 0 : index
    %get3A_2 = vector.load %arg1[%get3A, %get3A_0, %get3A_1] : memref<2x128x128xf32, #tpu.memory_space<vmem>>, vector<1x128x128xf32>
    %get3A_3 = vector.shape_cast %get3A_2 : vector<1x128x128xf32> to vector<128x128xf32>
    %get3A_4 = arith.constant 1 : index
    %get3A_5 = arith.constant 0 : index
    %get3A_6 = arith.constant 0 : index
    %get3A_7 = vector.load %arg1[%get3A_4, %get3A_5, %get3A_6] : memref<2x128x128xf32, #tpu.memory_space<vmem>>, vector<1x128x128xf32>
    %get3A_8 = vector.shape_cast %get3A_7 : vector<1x128x128xf32> to vector<128x128xf32>
    %add3A = arith.addf %get3A_3, %get3A_8 : vector<128x128xf32>
    %get3A_9 = arith.constant 0 : index
    %get3A_10 = arith.constant 0 : index
    %get3A_11 = vector.load %arg5[%get3A_9, %get3A_10] : memref<128x1xf32, #tpu.memory_space<vmem>>, vector<128x1xf32>
    %get3A_12 = arith.constant 0 : index
    %get3A_13 = arith.constant 0 : index
    %get3A_14 = vector.load %arg6[%get3A_12, %get3A_13] : memref<128x1xf32, #tpu.memory_space<vmem>>, vector<128x1xf32>
    %add3A_15 = arith.addf %get3A_11, %get3A_14 : vector<128x1xf32>
    %ge3A = arith.constant 0.000000e+00 : f32
    %ge3A_16 = vector.broadcast %ge3A : f32 to vector<128x1xf32>
    %ge3A_17 = arith.cmpf oge, %add3A_15, %ge3A_16 : vector<128x1xf32>
    %mul3A = arith.constant 2.000000e-01 : f32
    %mul3A_18 = vector.broadcast %mul3A : f32 to vector<128x1xf32>
    %mul3A_19 = arith.mulf %add3A_15, %mul3A_18 : vector<128x1xf32>
    %select_n3A = arith.select %ge3A_17, %add3A_15, %mul3A_19 : vector<128x1xi1>, vector<128x1xf32>
    %exp3A = math.exp %select_n3A : vector<128x1xf32>
    %get3A_20 = arith.constant 0 : index
    %get3A_21 = arith.constant 0 : index
    %get3A_22 = vector.load %arg4[%get3A_20, %get3A_21] : memref<128x128xf32, #tpu.memory_space<vmem>>, vector<128x128xf32>
    %broadcast_in_dim3A = vector.shape_cast %exp3A : vector<128x1xf32> to vector<128x1xf32>
    %broadcast_in_dim3A_23 = vector.broadcast %broadcast_in_dim3A : vector<128x1xf32> to vector<128x128xf32>
    %mul3A_24 = arith.mulf %get3A_22, %broadcast_in_dim3A_23 : vector<128x128xf32>
    %add3A_25 = arith.addf %add3A, %mul3A_24 : vector<128x128xf32>
    %get3A_26 = arith.constant 0 : index
    %get3A_27 = arith.constant 0 : index
    %get3A_28 = vector.load %arg2[%get3A_26, %get3A_27] : memref<128x1xf32, #tpu.memory_space<vmem>>, vector<128x1xf32>
    %get3A_29 = arith.constant 0 : index
    %get3A_30 = arith.constant 0 : index
    %get3A_31 = vector.load %arg3[%get3A_29, %get3A_30] : memref<128x1xf32, #tpu.memory_space<vmem>>, vector<128x1xf32>
    %add3A_32 = arith.addf %get3A_28, %get3A_31 : vector<128x1xf32>
    %add3A_33 = arith.addf %add3A_32, %exp3A : vector<128x1xf32>
    %broadcast_in_dim3A_34 = vector.shape_cast %add3A_33 : vector<128x1xf32> to vector<128x1xf32>
    %broadcast_in_dim3A_35 = vector.broadcast %broadcast_in_dim3A_34 : vector<128x1xf32> to vector<128x128xf32>
    %add3A_36 = arith.constant 1.000000e-16 : f32
    %add3A_37 = vector.broadcast %add3A_36 : f32 to vector<128x128xf32>
    %add3A_38 = arith.addf %broadcast_in_dim3A_35, %add3A_37 : vector<128x128xf32>
    %div3A = arith.divf %add3A_25, %add3A_38 : vector<128x128xf32>
    %get3A_39 = arith.constant 0 : index
    %get3A_40 = arith.constant 0 : index
    %get3A_41 = vector.load %arg7[%get3A_39, %get3A_40] : memref<1x128xf32, #tpu.memory_space<vmem>>, vector<1x128xf32>
    %add3A_42 = vector.broadcast %get3A_41 : vector<1x128xf32> to vector<128x128xf32>
    %add3A_43 = arith.addf %div3A, %add3A_42 : vector<128x128xf32>
    %iota3A = tpu.iota {dimensions = array<i32: 0>} : vector<128x128xi32>
    %mul3A_44 = arith.constant 128 : i32
    %mul3A_45 = arith.muli %arg0, %mul3A_44 : i32
    %add3A_46 = vector.broadcast %mul3A_45 : i32 to vector<128x128xi32>
    %add3A_47 = arith.addi %iota3A, %add3A_46 : vector<128x128xi32>
    %lt3A = arith.constant 10000 : i32
    %lt3A_48 = vector.broadcast %lt3A : i32 to vector<128x128xi32>
    %lt3A_49 = arith.cmpi slt, %add3A_47, %lt3A_48 : vector<128x128xi32>
    %jit3A = arith.constant 0.000000e+00 : f32
    %broadcast_in_dim3A_50 = vector.broadcast %jit3A : f32 to vector<128x128xf32>
    %select_n3A_51 = arith.select %lt3A_49, %add3A_43, %broadcast_in_dim3A_50 : vector<128x128xi1>, vector<128x128xf32>
    %swap3A = arith.constant 0 : index
    %swap3A_52 = arith.constant 0 : index
    %swap3A_53 = vector.load %arg8[%swap3A, %swap3A_52] : memref<128x128xf32, #tpu.memory_space<vmem>>, vector<128x128xf32>
    tpu.vector_store %arg8[%swap3A, %swap3A_52], %select_n3A_51 {strides = array<i32>} : memref<128x128xf32, #tpu.memory_space<vmem>>, vector<128x128xf32>,
    return
  }
  func.func @transform_0(%arg0: i32) -> (i32, i32, i32) {
    %c0_i32 = arith.constant 0 : i32
    %c0_i32_0 = arith.constant 0 : i32
    %c0_i32_1 = arith.constant 0 : i32
    return %c0_i32, %arg0, %c0_i32_0 : i32, i32, i32
  }
  func.func @transform_1(%arg0: i32) -> (i32, i32) {
    %c0_i32 = arith.constant 0 : i32
    %c0_i32_0 = arith.constant 0 : i32
    return %arg0, %c0_i32 : i32, i32
  }
  func.func @transform_2(%arg0: i32) -> (i32, i32) {
    %c0_i32 = arith.constant 0 : i32
    %c0_i32_0 = arith.constant 0 : i32
    return %arg0, %c0_i32 : i32, i32
  }
  func.func @transform_3(%arg0: i32) -> (i32, i32) {
    %c0_i32 = arith.constant 0 : i32
    %c0_i32_0 = arith.constant 0 : i32
    return %arg0, %c0_i32 : i32, i32
  }
  func.func @transform_4(%arg0: i32) -> (i32, i32) {
    %c0_i32 = arith.constant 0 : i32
    %c0_i32_0 = arith.constant 0 : i32
    return %arg0, %c0_i32 : i32, i32
  }
  func.func @transform_5(%arg0: i32) -> (i32, i32) {
    %c0_i32 = arith.constant 0 : i32
    %c0_i32_0 = arith.constant 0 : i32
    return %arg0, %c0_i32 : i32, i32
  }
  func.func @transform_6(%arg0: i32) -> (i32, i32) {
    %c0_i32 = arith.constant 0 : i32
    %c0_i32_0 = arith.constant 0 : i32
    %c0_i32_1 = arith.constant 0 : i32
    return %c0_i32, %c0_i32_0 : i32, i32
  }
  func.func @transform_7(%arg0: i32) -> (i32, i32) {
    %c0_i32 = arith.constant 0 : i32
    %c0_i32_0 = arith.constant 0 : i32
    return %arg0, %c0_i32 : i32, i32
  }
}

</mosaic_0001>

<sc_bundles>
// kernel: kernel.12.cloned.1.call-start
scs
__scs_entry_jumppad:
0x0: {  	(pc) =	sbr.rel $0x88, $3  }
0x1: {  	(tag) =	ssettag $0x0;
	lr =	simm.s32 $0x1  }
0x2: {  	[smem:$0x3F97] =	sst lr;
	_ =	strace $0xD0000000  }
0x3: {  	_ = 	snop  }
0x4: {  	_ = 	snop  }
0x5: {  	_ = 	snop  }
0x6: {  	_ = 	snop  }
0x7: {  	_ = 	snop  }
__scs_overlays_trampoline_lowered:
0x8: {  	[smem:$0x3FA6] =	sst s0  }
0x9: {  	[smem:$0x3FA7] =	sst s1  }
0xa: {  	[smem:$0x3FA8] =	sst s2  }
0xb: {  	[smem:$0x3FA9] =	sst s3  }
0xc: {  	[smem:$0x3FAA] =	sst s4  }
0xd: {  	[smem:$0x3FAB] =	sst s5  }
0xe: {  	[smem:$0x3FAC] =	sst s6  }
0xf: {  	[smem:$0x3FAD] =	sst s7  }
0x10: {  	[smem:$0x3FAE] =	sst s8  }
0x11: {  	[smem:$0x3FAF] =	sst s9;
	s0 =	simm.s32 @!p0 $0x0  }
0x12: {  	s1 =	sld [smem:$0x3F95];
	s0 =	simm.s32 @p0 $0x1  }
0x13: {  	[smem:$0x3FB0] =	sst s0;
	s0 =	simm.s32 @!p1 $0x0  }
0x14: {  	s2 =	sld [smem:$0x3F94];
	s0 =	simm.s32 @p1 $0x1  }
0x15: {  	[smem:$0x3FB1] =	sst s0;
	s0 =	simm.s32 @!p2 $0x0  }
0x16: {  	s3 =	sld [smem:$0x3FDB];
	s0 =	simm.s32 @p2 $0x1  }
0x17: {  	s4 =	simm.s32 $0x1BF5;
	[smem:$0x3FB3] =	sst s0  }
0x18: {  	s0 =	sld [smem:$0x3F96];
	_ =	swait.ge [sflag:s4], $0x0  }
0x19: {  	s7 =	sld [smem:$0x3F97]  }
0x1a: {  	s8 =	sadd.s32 $0xFFFFE003, lr  }
0x1b: {  	s9 =	sadd.s32 $0xFFFFFEF7, lr;
	s5 =	simm.s32 $0xFFFFFFFF;
	p2 =	slt.u32 s8, $0xFFFFF086  }
0x1c: {  	p1 =	slt.u32 s9, $0xF7A;
	s5 =	simm.s32 @!p2 $0x0  }
0x1d: {  	s5 =	simm.s32 @p1 $0x1;
	p0 =	seq.s32 s7, s2  }
0x1e: {  	s7 =	smul.u32 @!p0 $0xF7A, s2;
	p2 =	seq.s32 @!p0 s5, $0x0  }
0x1f: {  	s9 =	smul.u32 $0xF7A, s1;
	s8 =	simm.s32 @!p0 $0x1BF5;
	p2 =	por !p2, p0  }
0x20: {  	[sflag:s8] =	ssyncset.s32 @!p0 $0xFFFFF086;
	s6 =	sadd.s32 @!p0 s3, s7;
	s7 =	simm.s32 @!p0 $0x108  }
0x21: {  	s3 =	sadd.s32 s3, s9;
	s6 =	sadd.s32 @!p0 $0x88, s6;
	s7 =	simm.s32 @p2 $0x1082  }
0x22: {  	[simem:s7], [sflag:s8] =	dma.local @!p0 [hbm:s6], $0xF7A  }
0x23: {  	s9 =	sor.u32 $0xD0000000, s2;
	s6 =	simm.s32 $0x108;
	_ =	swait.ge @!p0 [sflag:s8], $0x0  }
0x24: {  	s3 =	sadd.s32 $0x88, s3;
	s6 =	simm.s32 @!p1 $0x1082;
	[sflag:s4] =	ssyncset.s32 $0xFFFFF086  }
0x25: {  	[simem:s6], [sflag:s4] =	dma.local [hbm:s3], $0xF7A  }
0x26: {  	[smem:$0x3F97] =	sst s1;
	(tag) =	ssettag s2;
	_ =	strace s9  }
0x27: {  	s1 =	sld [smem:$0x3FA7]  }
0x28: {  	s2 =	sld [smem:$0x3FA8]  }
0x29: {  	s4 =	sld [smem:$0x3FAA]  }
0x2a: {  	p0 =	seq.s32 s5, $0x0;
	s5 =	sld [smem:$0x3FAB]  }
0x2b: {  	s6 =	sld [smem:$0x3FAC]  }
0x2c: {  	s7 =	sld [smem:$0x3FAD]  }
0x2d: {  	s3 =	simm.s32 $0x108;
	s8 =	sld [smem:$0x3FAE]  }
0x2e: {  	s3 =	simm.s32 @!p0 $0x1082;
	s9 =	sld [smem:$0x3FAF]  }
0x2f: {  	lr =	sadd.s32 s0, s3;
	s0 =	sld [smem:$0x3FA6]  }
0x30: {  	s3 =	sld [smem:$0x3FA9]  }
0x31: {  	[smem:$0x3FB2] =	sst s10  }
0x32: {  	s10 =	sld [smem:$0x3FB0];
	_ =	sdelay $0x3  }
0x33: {  	p0 =	seq.s32 s10, $0x1;
	s10 =	sld [smem:$0x3FB2];
	_ =	sdelay $0x3  }
0x34: {  	[smem:$0x3FB2] =	sst s10  }
0x35: {  	s10 =	sld [smem:$0x3FB1];
	_ =	sdelay $0x3  }
0x36: {  	p1 =	seq.s32 s10, $0x1;
	s10 =	sld [smem:$0x3FB2];
	_ =	sdelay $0x3  }
0x37: {  	[smem:$0x3FB2] =	sst s10  }
0x38: {  	s10 =	sld [smem:$0x3FB3]  }
0x39: {  	_ = 	snop;
	(pc) =	sbr.ind lr, $3  }
0x3a: {  	_ = 	snop  }
0x3b: {  	_ = 	snop  }
0x3c: {  	p2 =	seq.s32 s10, $0x1;
	s10 =	sld [smem:$0x3FB2]  }
0x3d: {  	_ =	shalt  }
0x3e: {  	_ =	shalt  }
0x3f: {  	_ =	shalt  }
0x40: {  	_ =	shalt  }
0x41: {  	_ =	shalt  }
0x42: {  	_ =	shalt  }
0x43: {  	_ =	shalt  }
0x44: {  	_ =	shalt  }
0x45: {  	_ =	shalt  }
0x46: {  	_ =	shalt  }
0x47: {  	_ =	shalt  }
0x48: {  	_ =	shalt  }
0x49: {  	_ =	shalt  }
0x4a: {  	_ =	shalt  }
0x4b: {  	_ =	shalt  }
0x4c: {  	_ =	shalt  }
0x4d: {  	_ =	shalt  }
0x4e: {  	_ =	shalt  }
0x4f: {  	_ =	shalt  }
0x50: {  	_ =	shalt  }
0x51: {  	_ =	shalt  }
0x52: {  	_ =	shalt  }
0x53: {  	_ =	shalt  }
0x54: {  	_ =	shalt  }
0x55: {  	_ =	shalt  }
0x56: {  	_ =	shalt  }
0x57: {  	_ =	shalt  }
0x58: {  	_ =	shalt  }
0x59: {  	_ =	shalt  }
0x5a: {  	_ =	shalt  }
0x5b: {  	_ =	shalt  }
0x5c: {  	_ =	shalt  }
0x5d: {  	_ =	shalt  }
0x5e: {  	_ =	shalt  }
0x5f: {  	_ =	shalt  }
0x60: {  	_ =	shalt  }
0x61: {  	_ =	shalt  }
0x62: {  	_ =	shalt  }
0x63: {  	_ =	shalt  }
0x64: {  	_ =	shalt  }
0x65: {  	_ =	shalt  }
0x66: {  	_ =	shalt  }
0x67: {  	_ =	shalt  }
0x68: {  	_ =	shalt  }
0x69: {  	_ =	shalt  }
0x6a: {  	_ =	shalt  }
0x6b: {  	_ =	shalt  }
0x6c: {  	_ =	shalt  }
0x6d: {  	_ =	shalt  }
0x6e: {  	_ =	shalt  }
0x6f: {  	_ =	shalt  }
0x70: {  	_ =	shalt  }
0x71: {  	_ =	shalt  }
0x72: {  	_ =	shalt  }
0x73: {  	_ =	shalt  }
0x74: {  	_ =	shalt  }
0x75: {  	_ =	shalt  }
0x76: {  	_ =	shalt  }
0x77: {  	_ =	shalt  }
0x78: {  	_ =	shalt  }
0x79: {  	_ =	shalt  }
0x7a: {  	_ =	shalt  }
0x7b: {  	_ =	shalt  }
0x7c: {  	_ =	shalt  }
0x7d: {  	_ =	shalt  }
0x7e: {  	_ =	shalt  }
0x7f: {  	_ =	shalt  }
0x80: {  	_ =	shalt  }
0x81: {  	_ =	shalt  }
0x82: {  	_ =	shalt  }
0x83: {  	_ =	shalt  }
0x84: {  	_ =	shalt  }
0x85: {  	_ =	shalt  }
0x86: {  	_ =	shalt  }
0x87: {  	_ =	shalt  }
.Lfunc_end0:
.L_simem_size_0:
called_computation.1_lowered:
.L_overlay_start_0:
0x88: {  	s2 =	sld [smem:$0x3FD9]  }
0x89: {  	s3 =	sld [smem:$0x3FFE];
	_ =	sdelay $0x1  }
0x8a: {  	s1 =	srdreg.scid  }
0x8b: {  	s0 =	sand.u32 $0x1, s1  }
0x8c: {  	s17 =	sshll.u32 s0, $0xA;
	s2 =	sadd.s32 s3, s2  }
0x8d: {  	s2 =	sadd.s32 s2, s17  }
0x8e: {  	[smem:$0x3FBE] =	sst s2  }
0x8f: {  	_ = 	snop  }
0x90: {  	s2 =	sld [smem:$0x3FD0];
	(tm) =	ssettm $0x1  }
0x91: {  	s18 =	sld [smem:$0x3FFB];
	_ =	sdelay $0x3  }
0x92: {  	_ =	strace s18  }
0x93: {  	s3 =	sld [smem:$0x3FFC];
	_ =	sdelay $0x3  }
0x94: {  	_ =	strace s3  }
0x95: {  	s3 =	sld [smem:$0x3FFD];
	_ =	sdelay $0x3  }
0x96: {  	_ =	strace s3  }
0x97: {  	_ =	strace $0x8FFFFFFF  }
0x98: {  	s19 =	sld [smem:$0x3FDB];
	_ =	sdelay $0x1  }
0x99: {  	s4 =	simm.s32 $_scs_section_size  }
0x9a: {  	s5 =	simm.s32 $_size__tile_overlayer_lowered;
	s6 =	simm.s32 $_tile_overlayer_lowered  }
0x9b: {  	s22 =	simm.s32 $0x1BFF;
	s21 =	sshll.u32 s6, $0x1;
	s3 =	sadd.s32 s4, s19  }
0x9c: {  	s7 =	simm.s32 $0x0;
	s20 =	sshll.u32 s5, $0x1;
	s5 =	sadd.s32 s21, s3  }
0x9d: {  	[timem:s7], [sflag:s22] =	dma.local [hbm:s5], s20  }
0x9e: {  	_ =	swait.ge [sflag:s22], s20  }
0x9f: {  	s4 =	ssub.s32 $0x0, s20;
	[sflag:s22] =	ssyncset.done $0x0  }
0xa0: {  	[sflag:s22] =	ssyncadd.s32 s4;
	_ =	sdelay $0x1  }
0xa1: {  	s23 =	simm.s32 $0x1B8B  }
0xa2: {  	_ =	swait.ge [sflag:s23], $0x1  }
0xa3: {  	[sflag:s23] =	ssyncset.done $0x0  }
0xa4: {  	s25 =	simm.s32 $0x1B8E;
	s24 =	sld [smem:$0x3FFE];
	[sflag:s23] =	ssyncadd.s32 $0xFFFFFFFF  }
0xa5: {  	s26 =	simm.s32 $execute0_lowered;
	[smem:$0x3FD2] =	sst s25  }
0xa6: {  	s5 =	sshll.u32 s26, $0x1;
	_ =	strace $0x80000049;
	[dreg:$0x1] =	wrdreg $0xFFFFFFFF  }
0xa7: {  	s28 =	simm.s32 $_size_execute0_lowered;
	s3 =	sadd.s32 s3, s5;
	[dreg:$0x0] =	wrdreg $0x0  }
0xa8: {  	s5 =	sshll.u32 s28, $0x1;
	[dreg:$0x2] =	wrdreg s3  }
0xa9: {  	[dreg:$0x3] =	wrdreg s5  }
0xaa: {  	[dreg:$0x4] =	wrdreg $0xC0  }
0xab: {  	_ =	task [dreg:s7], $0x5FFFF  }
0xac: {  	[dreg:$0x1] =	wrdreg $0xFFFFFFFF  }
0xad: {  	[dreg:$0x0] =	wrdreg $0x60  }
0xae: {  	[dreg:$0x2] =	wrdreg s24  }
0xaf: {  	[dreg:$0x3] =	wrdreg s2  }
0xb0: {  	[dreg:$0x4] =	wrdreg $0x0  }
0xb1: {  	[dreg:$0x5] =	wrdreg $0x9  }
0xb2: {  	_ =	task.clear_ibuf [dreg:s7], $0x6FFFF;
	_ =	strace $0x90000049  }
0xb3: {  	s29 =	simm.s32 $0x9;
	_ =	strace $0x8000004B  }
0xb4: {  	_ =	swait.ge [sflag:s29], $0x1  }
0xb5: {  	[sflag:s29] =	ssyncadd.s32 $0xFFFFFFFF  }
0xb6: {  	_ =	strace $0x9000004B  }
0xb7: {  	_ =	sfence  }
0xb8: {  	s30 =	sld [smem:$0x0];
	_ =	sdelay $0x2  }
0xb9: {  	s31 =	sshll.u32 s1, $0xD;
	s1 =	sshrl.u32 s1, $0x2  }
0xba: {  	s3 =	sand.u32 $0x4000, s31;
	s1 =	sadd.s32 s1, s30  }
0xbb: {  	s0 =	sor.u32 s3, s0;
	s1 =	sshll.u32 s1, $0x11  }
0xbc: {  	s0 =	sor.u32 s1, s0  }
0xbd: {  	s0 =	sadd.s32 $0x8F2B, s0  }
0xbe: {  	[sflag:s0] =	ssyncadd.remote.s32 $0x1  }
0xbf: {  	_ =	sfence.sel $0xFFFF  }
0xc0: {  	[dreg:$0x0] =	wrdreg $0xFFFFFFFF;
	(pc) =	sbr.abs _section_cstart, $3  }
0xc1: {  	[dreg:$0x1] =	wrdreg $0xFFFFFFFF  }
0xc2: {  	_ =	task.clear_ibuf [dreg:s7], $0x2FFFF;
	_ =	strace $0x9FFFFFFF  }
0xc3: {  	(tm) =	ssettm $0x7FFFFFFF  }
tec
execute0_lowered:
.L_overlay_start_1:
0x0: {  	(tag) =	ssettag $0x1  }
0x1: {  	s8 =	rddreg [dreg:$0x0]  }
0x2: {  	s1 =	rddreg [dreg:$0x1]  }
0x3: {  	s2 =	rddreg [dreg:$0x2]  }
0x4: {  	s3 =	srdreg.scid;
	s0 =	rddreg [dreg:$0x3]  }
0x5: {  	s20 =	stileid.u32;
	s14 =	simm.s32 $0x2;
	s15 =	simm.s32 $0x13C80  }
0x6: {  	s16 =	simm.s32 $0x17D00;
	s17 =	simm.s32 $0x17D80;
	s18 =	simm.s32 $0x80  }
0x7: {  	s19 =	simm.s32 $0x13D00;
	s9 =	sand.u32 $0x1, s3;
	s3 =	simm.s32 $0x0  }
0x8: {  	s11 =	smul.u32 $0x13C00, s20;
	s4 =	sadd.s32 $0xD400, s8;
	s5 =	sadd.s32 $0x3600, s8  }
0x9: {  	s6 =	sadd.s32 $0x17200, s8;
	s7 =	sadd.s32 $0x8EE00, s8;
	s13 =	smul.u32 $0x4F000, s20  }
0xa: {  	p0 =	sne.s32 s20, $0x0;
	s21 =	sshll.u32 s20, $0x6;
	s10 =	smul.u32 $0x13C000, s9  }
0xb: {  	[smem:$0x7FF] =	sst s3;
	s30 =	ssub.s32 $0x2, s9;
	s9 =	sshll.u32 s9, $0x4  }
0xc: {  	s21 =	sor.u32 $0x1C02, s21;
	_ =	strace $0x8000004A;
	s12 =	sshrl.u32 s30, $0x1  }
0xd: {  	s9 =	sor.u32 s20, s9;
	s31 =	sshrl.u32 s13, $0x2;
	s13 =	simm.s32 $0x13C00  }
0xe: {  	s20 =	simm.s32 $0x1;
	s10 =	sadd.s32 s11, s10;
	s11 =	ssub.s32 s30, s12  }
0xf: {  	s22 =	sadd.s32 s31, s2;
	s12 =	sshrl.u32 @!p0 s2, $0x3;
	s10 =	sshrl.u32 s10, $0x3  }
0x10: {  	s11 =	smax.u32 s11, $0x1;
	s22 =	sshrl.u32 s22, $0x3;
	s10 =	sadd.s32 s10, s8  }
0x11: {  	s8 =	smul.u32 $0x4F, s9;
	s9 =	sadd.s32 $0x10, s1;
	s10 =	sadd.s32 $0xB7A00, s10  }
.LBB2_1:
0x12: {  	s23 =	simm.s32 @!p0 $0x1C02  }
0x13: {  	[spmem:s12], [sflag:s23] =	dma.local @!p0 [hbm:s7], $0x27800  }
0x14: {  	s23 =	simm.s32 @!p0 $0x2  }
0x15: {  	_ =	swait.ge @!p0 [sflag:s23], $0x27800  }
0x16: {  	[sflag:s23] =	ssyncset.done @!p0 $0x0  }
0x17: {  	[sflag:s23] =	ssyncadd.s32 @!p0 $0xFFFD8800  }
0x18: {  	s23 =	simm.s32 $0x0;
	[bflag:$0x0] =	sbarrier.arrive $0xFFFF  }
.LBB2_2:
0x19: {  	s24 =	sadd.s32 s8, s23  }
0x1a: {  	s25 =	sshll.u32 s24, $0x4  }
0x1b: {  	s28 =	simm.s32 $0x0;
	s26 =	sadd.s32 s4, s25  }
0x1c: {  	[tilespmem:s13], [sflag:$0x2] =	stream.linear.gather [hbm4b:s26+s28], $0x80, $0x38;
	[tilespmem:$0x17E00] =	vst v63  }
0x1d: {  	_ =	swait.ge [sflag:s14], $0x80  }
0x1e: {  	[sflag:s14] =	ssyncset.done $0x0  }
0x1f: {  	s25 =	sadd.s32 s5, s25;
	[sflag:s14] =	ssyncadd.s32 $0xFFFFFF80  }
0x20: {  	[tilespmem:s15], [sflag:$0x2] =	stream.linear.gather [hbm4b:s25+s28], $0x80, $0x38;
	[tilespmem:$0x17E00] =	vst v63  }
0x21: {  	_ =	swait.ge [sflag:s14], $0x80  }
0x22: {  	s24 =	sshll.u32 s24, $0x5;
	[sflag:s14] =	ssyncset.done $0x0  }
0x23: {  	s31 =	sadd.s32 s1, s24;
	[sflag:s14] =	ssyncadd.s32 $0xFFFFFF80  }
0x24: {  	[tilespmem:s16], [sflag:$0x2] =	stream.linear.gather [hbm4b:s31+s28], $0x80, $0x38;
	[tilespmem:$0x17E00] =	vst v63  }
0x25: {  	_ =	swait.ge [sflag:s14], $0x80  }
0x26: {  	[sflag:s14] =	ssyncset.done $0x0  }
0x27: {  	s24 =	sadd.s32 s24, s9;
	[sflag:s14] =	ssyncadd.s32 $0xFFFFFF80  }
0x28: {  	[tilespmem:s17], [sflag:$0x2] =	stream.linear.gather [hbm4b:s24+s28], $0x80, $0x38;
	[tilespmem:$0x17E00] =	vst v63  }
0x29: {  	_ =	swait.ge [sflag:s14], $0x80  }
0x2a: {  	[sflag:s14] =	ssyncset.done $0x0  }
0x2b: {  	[sflag:s14] =	ssyncadd.s32 $0xFFFFFF80  }
0x2c: {  	v1 =	vmov s28;
	[tilespmem:s19], [sflag:$0x1] =	stream.indirect.gather [hbm4b:s6+s18], $0x80, s13, s18, $0xb8;
	[tilespmem:$0x17E00] =	vst v63  }
0x2d: {  	_ =	swait.ge [sflag:s20], $0x4000  }
0x2e: {  	[sflag:s20] =	ssyncset.done $0x0  }
0x2f: {  	s24 =	simm.s32 $0x13D40;
	[sflag:s20] =	ssyncadd.s32 $0xFFFFC000  }
0x30: {  	v0 =	vld [tilespmem:s24+$0xFFFFFFF0]  }
0x31: {  	v2 =	vld.idx.msk [tilespmem:v1+s16+$0x0], $0xffff  }
0x32: {  	v3 =	vld [tilespmem:s24+$0xFFFFFFC0]  }
0x33: {  	v4 =	vld [tilespmem:s24+$0xFFFFFFD0]  }
0x34: {  	v5 =	vld [tilespmem:s24+$0xFFFFFFE0];
	_ =	sdelay $0x1  }
0x35: {  	v0 =	vmul.f32 v0, v2  }
0x36: {  	v3 =	vmul.f32 v3, v2  }
0x37: {  	v4 =	vmul.f32 v4, v2;
	[tilespmem:s24+$0xFFFFFFF0] =	vst v0  }
0x38: {  	[tilespmem:s24+$0xFFFFFFC0] =	vst v3;
	v0 =	vmul.f32 v5, v2;
	v2 =	vld [tilespmem:s24+$0x0]  }
0x39: {  	[tilespmem:s24+$0xFFFFFFD0] =	vst v4;
	v4 =	vld [tilespmem:s24+$0x10]  }
0x3a: {  	v3 =	vld [tilespmem:s24+$0x20];
	[tilespmem:s24+$0xFFFFFFE0] =	vst v0  }
0x3b: {  	v1 =	vld.idx.msk [tilespmem:v1+s17+$0x0], $0xffff  }
0x3c: {  	s26 =	simm.s32 $0x1;
	s25 =	simm.s32 $0x13D40;
	v0 =	vld [tilespmem:s24+$0x30]  }
.LBB2_3:
0x3d: {  	_ = 	snop  }
0x3e: {  	p1 =	sne.s32 s26, $0x7F  }
0x3f: {  	s24 =	sadd.s32 $0x80, s24;
	s28 =	smov.u32 s26;
	s26 =	sadd.s32 $0x1, s26  }
0x40: {  	v2 =	vmul.f32 v2, v1;
	v4 =	vmul.f32 v4, v1  }
0x41: {  	v5 =	vmov s28;
	v0 =	vmul.f32 v0, v1;
	v3 =	vmul.f32 v3, v1  }
0x42: {  	[tilespmem:s25+$0x0] =	vst v2  }
0x43: {  	[tilespmem:s25+$0x10] =	vst v4  }
0x44: {  	v1 =	vld [tilespmem:s24+$0xFFFFFFE0];
	[tilespmem:s25+$0x30] =	vst v0  }
0x45: {  	v0 =	vld [tilespmem:s24+$0xFFFFFFF0];
	[tilespmem:s25+$0x20] =	vst v3;
	s25 =	smov.u32 s24  }
0x46: {  	v2 =	vld.idx.msk [tilespmem:v5+s16+$0x0], $0xffff  }
0x47: {  	v3 =	vld [tilespmem:s24+$0xFFFFFFC0]  }
0x48: {  	v4 =	vld [tilespmem:s24+$0xFFFFFFD0];
	_ =	sdelay $0x3  }
0x49: {  	v0 =	vmul.f32 v0, v2;
	v3 =	vmul.f32 v3, v2  }
0x4a: {  	v1 =	vmul.f32 v1, v2;
	v4 =	vmul.f32 v4, v2  }
0x4b: {  	[tilespmem:s24+$0xFFFFFFF0] =	vst v0  }
0x4c: {  	[tilespmem:s24+$0xFFFFFFC0] =	vst v3  }
.Ltmp0:
0x4d: {  	[tilespmem:s24+$0xFFFFFFD0] =	vst v4;
	v2 =	vld [tilespmem:s24+$0x0];
	(pc) =	sbr.rel @p1 .LBB2_3-.Ltmp0, $4  }
0x4e: {  	[tilespmem:s24+$0xFFFFFFE0] =	vst v1;
	v0 =	vld [tilespmem:s24+$0x30]  }
0x4f: {  	v1 =	vld.idx.msk [tilespmem:v5+s17+$0x0], $0xffff  }
0x50: {  	v4 =	vld [tilespmem:s24+$0x10]  }
0x51: {  	v3 =	vld [tilespmem:s24+$0x20]  }
0x52: {  	_ =	sdelay $0x1  }
0x53: {  	v2 =	vmul.f32 v2, v1  }
0x54: {  	v0 =	vmul.f32 v0, v1  }
0x55: {  	v4 =	vmul.f32 v4, v1;
	[tilespmem:s25+$0x0] =	vst v2  }
0x56: {  	s23 =	sadd.s32 $0x1, s23;
	v63 =	vmul.f32 v3, v1;
	[tilespmem:s25+$0x30] =	vst v0  }
0x57: {  	p1 =	sne.s32 s23, $0x4F;
	[tilespmem:s25+$0x10] =	vst v4  }
.Ltmp1:
0x58: {  	[tilespmem:s25+$0x20] =	vst v63;
	(pc) =	sbr.rel @p1 .LBB2_2-.Ltmp1, $4  }
0x59: {  	[spmem:s2] =	stream.indirect.scatter.add.f32 [tilespmem:s19], [sflag:$0x2], $0x80, s15, s18, $0xb8;
	[tilespmem:$0x17E00] =	vst v63  }
0x5a: {  	_ =	swait.ge [sflag:s14], $0x4000  }
0x5b: {  	[sflag:s14] =	ssyncset.done $0x0  }
0x5c: {  	[sflag:s14] =	ssyncadd.s32 $0xFFFFC000  }
0x5d: {  	s3 =	sadd.s32 $0x1, s3  }
0x5e: {  	p1 =	sne.s32 s3, s11  }
.Ltmp2:
0x5f: {  	[bflag:$0x0] =	sbarrier.arrive $0xFFFF;
	(pc) =	sbr.rel @p1 .LBB2_1-.Ltmp2, $4  }
0x60: {  	[hbm:s10], [sflag:s21] =	dma.local [spmem:s22], $0x2780  }
0x61: {  	_ =	swait.ge [sflag:s14], $0x2780  }
0x62: {  	[sflag:s14] =	ssyncset.done $0x0  }
0x63: {  	[sflag:s14] =	ssyncadd.s32 $0xFFFFD880  }
0x64: {  	_ =	sfence.sel $0x180000  }
0x65: {  	[bflag:$0x0] =	sbarrier.arrive $0xFFFF  }
0x66: {  	_ =	strace $0x9000004A  }
0x67: {  	s0 =	sadd.s32 @!p0 $0x100000, s0;
	[bflag:$0x2] =	sbarrier.arrive $0xFFFF  }
0x68: {  	[sflag:s0] =	ssyncadd.tile.s32 @!p0 $0x1;
	_ =	shalt  }
.Lfunc_end2:
_tile_overlayer_lowered:
.L_overlay_start_2:
0x69: {  	(tag) =	ssettag $0x2  }
0x6a: {  	s0 =	rddreg [dreg:$0x0];
	s2 =	stileid.u32  }
0x6b: {  	s1 =	rddreg [dreg:$0x1];
	p0 =	sne.s32 s2, $0x0  }
0x6c: {  	s3 =	rddreg [dreg:$0x2];
	[bflag:$0x3] =	sbarrier.arrive $0xFFFF;
	s2 =	simm.s32 @!p0 $0x1C02  }
0x6d: {  	[timem:s3], [sflag:s2] =	dma.local @!p0 [hbm:s0], s1  }
0x6e: {  	s0 =	simm.s32 @!p0 $0x2  }
0x6f: {  	_ =	swait.ge @!p0 [sflag:s0], s1  }
0x70: {  	s1 =	ssub.s32 @!p0 $0x0, s1;
	[sflag:s0] =	ssyncset.done @!p0 $0x0  }
0x71: {  	[sflag:s0] =	ssyncadd.s32 @!p0 s1  }
0x72: {  	[bflag:$0x3] =	sbarrier.arrive $0xFFFF  }
0x73: {  	_ =	shalt  }

// kernel: kernel.15.cloned.1.call-start
scs
__scs_entry_jumppad:
0x0: {  	(pc) =	sbr.rel $0x88, $3  }
0x1: {  	(tag) =	ssettag $0x0;
	lr =	simm.s32 $0x1  }
0x2: {  	[smem:$0x3F97] =	sst lr;
	_ =	strace $0xD0000000  }
0x3: {  	_ = 	snop  }
0x4: {  	_ = 	snop  }
0x5: {  	_ = 	snop  }
0x6: {  	_ = 	snop  }
0x7: {  	_ = 	snop  }
__scs_overlays_trampoline_lowered:
0x8: {  	[smem:$0x3FA6] =	sst s0  }
0x9: {  	[smem:$0x3FA7] =	sst s1  }
0xa: {  	[smem:$0x3FA8] =	sst s2  }
0xb: {  	[smem:$0x3FA9] =	sst s3  }
0xc: {  	[smem:$0x3FAA] =	sst s4  }
0xd: {  	[smem:$0x3FAB] =	sst s5  }
0xe: {  	[smem:$0x3FAC] =	sst s6  }
0xf: {  	[smem:$0x3FAD] =	sst s7  }
0x10: {  	[smem:$0x3FAE] =	sst s8  }
0x11: {  	[smem:$0x3FAF] =	sst s9;
	s0 =	simm.s32 @!p0 $0x0  }
0x12: {  	s1 =	sld [smem:$0x3F95];
	s0 =	simm.s32 @p0 $0x1  }
0x13: {  	[smem:$0x3FB0] =	sst s0;
	s0 =	simm.s32 @!p1 $0x0  }
0x14: {  	s2 =	sld [smem:$0x3F94];
	s0 =	simm.s32 @p1 $0x1  }
0x15: {  	[smem:$0x3FB1] =	sst s0;
	s0 =	simm.s32 @!p2 $0x0  }
0x16: {  	s3 =	sld [smem:$0x3FDB];
	s0 =	simm.s32 @p2 $0x1  }
0x17: {  	s4 =	simm.s32 $0x1BF5;
	[smem:$0x3FB3] =	sst s0  }
0x18: {  	s0 =	sld [smem:$0x3F96];
	_ =	swait.ge [sflag:s4], $0x0  }
0x19: {  	s7 =	sld [smem:$0x3F97]  }
0x1a: {  	s8 =	sadd.s32 $0xFFFFE003, lr  }
0x1b: {  	s9 =	sadd.s32 $0xFFFFFEF7, lr;
	s5 =	simm.s32 $0xFFFFFFFF;
	p2 =	slt.u32 s8, $0xFFFFF086  }
0x1c: {  	p1 =	slt.u32 s9, $0xF7A;
	s5 =	simm.s32 @!p2 $0x0  }
0x1d: {  	s5 =	simm.s32 @p1 $0x1;
	p0 =	seq.s32 s7, s2  }
0x1e: {  	s7 =	smul.u32 @!p0 $0xF7A, s2;
	p2 =	seq.s32 @!p0 s5, $0x0  }
0x1f: {  	s9 =	smul.u32 $0xF7A, s1;
	s8 =	simm.s32 @!p0 $0x1BF5;
	p2 =	por !p2, p0  }
0x20: {  	[sflag:s8] =	ssyncset.s32 @!p0 $0xFFFFF086;
	s6 =	sadd.s32 @!p0 s3, s7;
	s7 =	simm.s32 @!p0 $0x108  }
0x21: {  	s3 =	sadd.s32 s3, s9;
	s6 =	sadd.s32 @!p0 $0x88, s6;
	s7 =	simm.s32 @p2 $0x1082  }
0x22: {  	[simem:s7], [sflag:s8] =	dma.local @!p0 [hbm:s6], $0xF7A  }
0x23: {  	s9 =	sor.u32 $0xD0000000, s2;
	s6 =	simm.s32 $0x108;
	_ =	swait.ge @!p0 [sflag:s8], $0x0  }
0x24: {  	s3 =	sadd.s32 $0x88, s3;
	s6 =	simm.s32 @!p1 $0x1082;
	[sflag:s4] =	ssyncset.s32 $0xFFFFF086  }
0x25: {  	[simem:s6], [sflag:s4] =	dma.local [hbm:s3], $0xF7A  }
0x26: {  	[smem:$0x3F97] =	sst s1;
	(tag) =	ssettag s2;
	_ =	strace s9  }
0x27: {  	s1 =	sld [smem:$0x3FA7]  }
0x28: {  	s2 =	sld [smem:$0x3FA8]  }
0x29: {  	s4 =	sld [smem:$0x3FAA]  }
0x2a: {  	p0 =	seq.s32 s5, $0x0;
	s5 =	sld [smem:$0x3FAB]  }
0x2b: {  	s6 =	sld [smem:$0x3FAC]  }
0x2c: {  	s7 =	sld [smem:$0x3FAD]  }
0x2d: {  	s3 =	simm.s32 $0x108;
	s8 =	sld [smem:$0x3FAE]  }
0x2e: {  	s3 =	simm.s32 @!p0 $0x1082;
	s9 =	sld [smem:$0x3FAF]  }
0x2f: {  	lr =	sadd.s32 s0, s3;
	s0 =	sld [smem:$0x3FA6]  }
0x30: {  	s3 =	sld [smem:$0x3FA9]  }
0x31: {  	[smem:$0x3FB2] =	sst s10  }
0x32: {  	s10 =	sld [smem:$0x3FB0];
	_ =	sdelay $0x3  }
0x33: {  	p0 =	seq.s32 s10, $0x1;
	s10 =	sld [smem:$0x3FB2];
	_ =	sdelay $0x3  }
0x34: {  	[smem:$0x3FB2] =	sst s10  }
0x35: {  	s10 =	sld [smem:$0x3FB1];
	_ =	sdelay $0x3  }
0x36: {  	p1 =	seq.s32 s10, $0x1;
	s10 =	sld [smem:$0x3FB2];
	_ =	sdelay $0x3  }
0x37: {  	[smem:$0x3FB2] =	sst s10  }
0x38: {  	s10 =	sld [smem:$0x3FB3]  }
0x39: {  	_ = 	snop;
	(pc) =	sbr.ind lr, $3  }
0x3a: {  	_ = 	snop  }
0x3b: {  	_ = 	snop  }
0x3c: {  	p2 =	seq.s32 s10, $0x1;
	s10 =	sld [smem:$0x3FB2]  }
0x3d: {  	_ =	shalt  }
0x3e: {  	_ =	shalt  }
0x3f: {  	_ =	shalt  }
0x40: {  	_ =	shalt  }
0x41: {  	_ =	shalt  }
0x42: {  	_ =	shalt  }
0x43: {  	_ =	shalt  }
0x44: {  	_ =	shalt  }
0x45: {  	_ =	shalt  }
0x46: {  	_ =	shalt  }
0x47: {  	_ =	shalt  }
0x48: {  	_ =	shalt  }
0x49: {  	_ =	shalt  }
0x4a: {  	_ =	shalt  }
0x4b: {  	_ =	shalt  }
0x4c: {  	_ =	shalt  }
0x4d: {  	_ =	shalt  }
0x4e: {  	_ =	shalt  }
0x4f: {  	_ =	shalt  }
0x50: {  	_ =	shalt  }
0x51: {  	_ =	shalt  }
0x52: {  	_ =	shalt  }
0x53: {  	_ =	shalt  }
0x54: {  	_ =	shalt  }
0x55: {  	_ =	shalt  }
0x56: {  	_ =	shalt  }
0x57: {  	_ =	shalt  }
0x58: {  	_ =	shalt  }
0x59: {  	_ =	shalt  }
0x5a: {  	_ =	shalt  }
0x5b: {  	_ =	shalt  }
0x5c: {  	_ =	shalt  }
0x5d: {  	_ =	shalt  }
0x5e: {  	_ =	shalt  }
0x5f: {  	_ =	shalt  }
0x60: {  	_ =	shalt  }
0x61: {  	_ =	shalt  }
0x62: {  	_ =	shalt  }
0x63: {  	_ =	shalt  }
0x64: {  	_ =	shalt  }
0x65: {  	_ =	shalt  }
0x66: {  	_ =	shalt  }
0x67: {  	_ =	shalt  }
0x68: {  	_ =	shalt  }
0x69: {  	_ =	shalt  }
0x6a: {  	_ =	shalt  }
0x6b: {  	_ =	shalt  }
0x6c: {  	_ =	shalt  }
0x6d: {  	_ =	shalt  }
0x6e: {  	_ =	shalt  }
0x6f: {  	_ =	shalt  }
0x70: {  	_ =	shalt  }
0x71: {  	_ =	shalt  }
0x72: {  	_ =	shalt  }
0x73: {  	_ =	shalt  }
0x74: {  	_ =	shalt  }
0x75: {  	_ =	shalt  }
0x76: {  	_ =	shalt  }
0x77: {  	_ =	shalt  }
0x78: {  	_ =	shalt  }
0x79: {  	_ =	shalt  }
0x7a: {  	_ =	shalt  }
0x7b: {  	_ =	shalt  }
0x7c: {  	_ =	shalt  }
0x7d: {  	_ =	shalt  }
0x7e: {  	_ =	shalt  }
0x7f: {  	_ =	shalt  }
0x80: {  	_ =	shalt  }
0x81: {  	_ =	shalt  }
0x82: {  	_ =	shalt  }
0x83: {  	_ =	shalt  }
0x84: {  	_ =	shalt  }
0x85: {  	_ =	shalt  }
0x86: {  	_ =	shalt  }
0x87: {  	_ =	shalt  }
.Lfunc_end0:
.L_simem_size_0:
called_computation.2_lowered:
.L_overlay_start_0:
0x88: {  	s2 =	sld [smem:$0x3FD9]  }
0x89: {  	s3 =	sld [smem:$0x3FFE];
	_ =	sdelay $0x1  }
0x8a: {  	s1 =	srdreg.scid  }
0x8b: {  	s0 =	sand.u32 $0x1, s1  }
0x8c: {  	s17 =	sshll.u32 s0, $0xA;
	s2 =	sadd.s32 s3, s2  }
0x8d: {  	s2 =	sadd.s32 s2, s17  }
0x8e: {  	[smem:$0x3FBE] =	sst s2  }
0x8f: {  	_ = 	snop  }
0x90: {  	s2 =	sld [smem:$0x3FD0];
	(tm) =	ssettm $0x1  }
0x91: {  	s18 =	sld [smem:$0x3FFB];
	_ =	sdelay $0x3  }
0x92: {  	_ =	strace s18  }
0x93: {  	s3 =	sld [smem:$0x3FFC];
	_ =	sdelay $0x3  }
0x94: {  	_ =	strace s3  }
0x95: {  	s3 =	sld [smem:$0x3FFD];
	_ =	sdelay $0x3  }
0x96: {  	_ =	strace s3  }
0x97: {  	_ =	strace $0x8FFFFFFF  }
0x98: {  	s19 =	sld [smem:$0x3FDB];
	_ =	sdelay $0x1  }
0x99: {  	s4 =	simm.s32 $_scs_section_size  }
0x9a: {  	s5 =	simm.s32 $_size__tile_overlayer_lowered;
	s6 =	simm.s32 $_tile_overlayer_lowered  }
0x9b: {  	s22 =	simm.s32 $0x1BFF;
	s21 =	sshll.u32 s6, $0x1;
	s3 =	sadd.s32 s4, s19  }
0x9c: {  	s7 =	simm.s32 $0x0;
	s20 =	sshll.u32 s5, $0x1;
	s5 =	sadd.s32 s21, s3  }
0x9d: {  	[timem:s7], [sflag:s22] =	dma.local [hbm:s5], s20  }
0x9e: {  	_ =	swait.ge [sflag:s22], s20  }
0x9f: {  	s4 =	ssub.s32 $0x0, s20;
	[sflag:s22] =	ssyncset.done $0x0  }
0xa0: {  	[sflag:s22] =	ssyncadd.s32 s4;
	_ =	sdelay $0x1  }
0xa1: {  	s23 =	simm.s32 $0x1B8B  }
0xa2: {  	_ =	swait.ge [sflag:s23], $0x1  }
0xa3: {  	[sflag:s23] =	ssyncset.done $0x0  }
0xa4: {  	s25 =	simm.s32 $0x1B8E;
	s24 =	sld [smem:$0x3FFE];
	[sflag:s23] =	ssyncadd.s32 $0xFFFFFFFF  }
0xa5: {  	s26 =	simm.s32 $execute0_lowered;
	[smem:$0x3FD2] =	sst s25  }
0xa6: {  	s5 =	sshll.u32 s26, $0x1;
	_ =	strace $0x8000004C;
	[dreg:$0x1] =	wrdreg $0xFFFFFFFF  }
0xa7: {  	s28 =	simm.s32 $_size_execute0_lowered;
	s3 =	sadd.s32 s3, s5;
	[dreg:$0x0] =	wrdreg $0x0  }
0xa8: {  	s5 =	sshll.u32 s28, $0x1;
	[dreg:$0x2] =	wrdreg s3  }
0xa9: {  	[dreg:$0x3] =	wrdreg s5  }
0xaa: {  	[dreg:$0x4] =	wrdreg $0xC0  }
0xab: {  	_ =	task [dreg:s7], $0x5FFFF  }
0xac: {  	[dreg:$0x1] =	wrdreg $0xFFFFFFFF  }
0xad: {  	[dreg:$0x0] =	wrdreg $0x60  }
0xae: {  	[dreg:$0x2] =	wrdreg s24  }
0xaf: {  	[dreg:$0x3] =	wrdreg s2  }
0xb0: {  	[dreg:$0x4] =	wrdreg $0x0  }
0xb1: {  	[dreg:$0x5] =	wrdreg $0x9  }
0xb2: {  	_ =	task.clear_ibuf [dreg:s7], $0x6FFFF;
	_ =	strace $0x9000004C  }
0xb3: {  	s29 =	simm.s32 $0x9;
	_ =	strace $0x8000004E  }
0xb4: {  	_ =	swait.ge [sflag:s29], $0x1  }
0xb5: {  	[sflag:s29] =	ssyncadd.s32 $0xFFFFFFFF  }
0xb6: {  	_ =	strace $0x9000004E  }
0xb7: {  	_ =	sfence  }
0xb8: {  	s30 =	sld [smem:$0x0];
	_ =	sdelay $0x2  }
0xb9: {  	s31 =	sshll.u32 s1, $0xD;
	s1 =	sshrl.u32 s1, $0x2  }
0xba: {  	s3 =	sand.u32 $0x4000, s31;
	s1 =	sadd.s32 s1, s30  }
0xbb: {  	s0 =	sor.u32 s3, s0;
	s1 =	sshll.u32 s1, $0x11  }
0xbc: {  	s0 =	sor.u32 s1, s0  }
0xbd: {  	s0 =	sadd.s32 $0x8F2B, s0  }
0xbe: {  	[sflag:s0] =	ssyncadd.remote.s32 $0x1  }
0xbf: {  	_ =	sfence.sel $0xFFFF  }
0xc0: {  	[dreg:$0x0] =	wrdreg $0xFFFFFFFF;
	(pc) =	sbr.abs _section_cstart, $3  }
0xc1: {  	[dreg:$0x1] =	wrdreg $0xFFFFFFFF  }
0xc2: {  	_ =	task.clear_ibuf [dreg:s7], $0x2FFFF;
	_ =	strace $0x9FFFFFFF  }
0xc3: {  	(tm) =	ssettm $0x7FFFFFFF  }
tec
execute0_lowered:
.L_overlay_start_1:
0x0: {  	(tag) =	ssettag $0x1  }
0x1: {  	s9 =	rddreg [dreg:$0x0]  }
0x2: {  	s1 =	rddreg [dreg:$0x1]  }
0x3: {  	s2 =	rddreg [dreg:$0x2]  }
0x4: {  	s0 =	rddreg [dreg:$0x3]  }
0x5: {  	s3 =	simm.s32 $0x0;
	s8 =	srdreg.scid;
	s13 =	stileid.u32  }
0x6: {  	s16 =	simm.s32 $0x7980;
	s17 =	simm.s32 $0x7A00;
	s18 =	simm.s32 $0x7A80  }
0x7: {  	s19 =	simm.s32 $0x5180;
	s20 =	simm.s32 $0x50;
	s21 =	simm.s32 $0x7B00  }
0x8: {  	s22 =	simm.s32 $0x0;
	[smem:$0x7FF] =	sst s3;
	s4 =	sadd.s32 $0xD400, s9  }
0x9: {  	s5 =	sadd.s32 $0x3600, s9;
	s6 =	sadd.s32 $0x8DA00, s9;
	s7 =	sadd.s32 $0x8E000, s9  }
0xa: {  	s10 =	sand.u32 $0x1, s8;
	s8 =	sadd.s32 $0x8EE00, s9;
	p0 =	sne.s32 s13, $0x0  }
0xb: {  	_ =	strace $0x8000004D;
	s11 =	smul.u32 $0x500, s10;
	s12 =	ssub.s32 $0x2, s10  }
0xc: {  	s10 =	sshll.u32 s10, $0x4;
	s15 =	sshrl.u32 @!p0 s2, $0x3;
	s14 =	sshrl.u32 s12, $0x1  }
0xd: {  	v0 =	vlaneseq.u32;
	s31 =	sor.u32 s13, s10;
	s13 =	simm.s32 $0x1;
	s11 =	sadd.s32 s11, s9  }
0xe: {  	v1 =	vimm.f32 $0.0e+00;
	vm0 =	vmmov $0x1;
	v2 =	vor.u32 $0x10, v0;
	s12 =	ssub.s32 s12, s14;
	s9 =	smul.u32 $0x4F, s31;
	s14 =	simm.s32 $0x2A00  }
0xf: {  	v3 =	vor.u32 $0x20, v0;
	v4 =	vor.u32 $0x30, v0;
	v5 =	vor.u32 $0x40, v0;
	s10 =	sadd.s32 $0xB6600, s11;
	s11 =	smax.u32 s12, $0x1;
	s12 =	simm.s32 $0x280  }
.LBB2_1:
0x10: {  	[tilespmem:s12], [sflag:$0x1] =	stream.linear.gather [hbm4b:s6+s3], $0x2780, $0x38;
	[tilespmem:$0x7B80] =	vst v63  }
0x11: {  	_ =	swait.ge [sflag:s13], $0x2780  }
0x12: {  	[sflag:s13] =	ssyncset.done $0x0  }
0x13: {  	[sflag:s13] =	ssyncadd.s32 $0xFFFFD880  }
0x14: {  	[tilespmem:s14], [sflag:$0x1] =	stream.linear.gather [hbm4b:s7+s3], $0x2780, $0x38;
	[tilespmem:$0x7B80] =	vst v63  }
0x15: {  	_ =	swait.ge [sflag:s13], $0x2780  }
0x16: {  	[sflag:s13] =	ssyncset.done $0x0  }
0x17: {  	s23 =	simm.s32 @!p0 $0x1C01;
	[sflag:s13] =	ssyncadd.s32 $0xFFFFD880  }
0x18: {  	[spmem:s15], [sflag:s23] =	dma.local @!p0 [hbm:s8], $0x500  }
0x19: {  	s23 =	simm.s32 @!p0 $0x1  }
0x1a: {  	_ =	swait.ge @!p0 [sflag:s23], $0x500  }
0x1b: {  	[sflag:s23] =	ssyncset.done @!p0 $0x0  }
0x1c: {  	s24 =	simm.s32 $0x200;
	[sflag:s23] =	ssyncadd.s32 @!p0 $0xFFFFFB00;
	s23 =	simm.s32 $0x0  }
.LBB2_2:
0x1d: {  	p1 =	sne.s32 s24, $0x9E00;
	[tilespmem:s23+$0x51F0] =	vst v1  }
0x1e: {  	[tilespmem:s23+$0x5180] =	vst v1  }
0x1f: {  	[tilespmem:s23+$0x5190] =	vst v1  }
.Ltmp0:
0x20: {  	[tilespmem:s23+$0x51A0] =	vst v1;
	(pc) =	sbr.rel @p1 .LBB2_2-.Ltmp0, $4  }
0x21: {  	[tilespmem:s23+$0x51B0] =	vst v1  }
0x22: {  	[tilespmem:s23+$0x51C0] =	vst v1  }
0x23: {  	[tilespmem:s23+$0x51D0] =	vst v1  }
0x24: {  	[tilespmem:s23+$0x51E0] =	vst v1;
	s23 =	sshra.s32 s24, $0x2;
	s24 =	sadd.s32 $0x200, s24  }
0x25: {  	[tilespmem:s23+$0x51F0] =	vst v1  }
0x26: {  	[tilespmem:s23+$0x5180] =	vst v1  }
0x27: {  	[tilespmem:s23+$0x5190] =	vst v1  }
0x28: {  	[tilespmem:s23+$0x51A0] =	vst v1  }
0x29: {  	[tilespmem:s23+$0x51B0] =	vst v1  }
0x2a: {  	[tilespmem:s23+$0x51C0] =	vst v1  }
0x2b: {  	[tilespmem:s23+$0x51D0] =	vst v1  }
0x2c: {  	[tilespmem:s23+$0x51E0] =	vst v1  }
0x2d: {  	[tilespmem:$0x7B00] =	vst v0  }
0x2e: {  	[tilespmem:$0x7B10] =	vst v2  }
0x2f: {  	[tilespmem:$0x7B20] =	vst v3  }
0x30: {  	[tilespmem:$0x7B30] =	vst v4  }
0x31: {  	[tilespmem:$0x7B40] =	vst v5  }
0x32: {  	s23 =	simm.s32 $0x0;
	s24 =	simm.s32 $0x0;
	[bflag:$0x0] =	sbarrier.arrive $0xFFFF  }
.LBB2_4:
0x33: {  	s25 =	sadd.s32 s9, s24  }
0x34: {  	s25 =	sshll.u32 s25, $0x4  }
0x35: {  	s26 =	sadd.s32 s4, s25  }
0x36: {  	[tilespmem:s16], [sflag:$0x1] =	stream.linear.gather [hbm4b:s26+s23], $0x80, $0x38;
	[tilespmem:$0x7B80] =	vst v63  }
0x37: {  	_ =	swait.ge [sflag:s13], $0x80  }
0x38: {  	[sflag:s13] =	ssyncset.done $0x0  }
0x39: {  	s30 =	sadd.s32 s5, s25;
	[sflag:s13] =	ssyncadd.s32 $0xFFFFFF80  }
0x3a: {  	[tilespmem:s17], [sflag:$0x1] =	stream.linear.gather [hbm4b:s30+s23], $0x80, $0x38;
	[tilespmem:$0x7B80] =	vst v63  }
0x3b: {  	_ =	swait.ge [sflag:s13], $0x80  }
0x3c: {  	[sflag:s13] =	ssyncset.done $0x0  }
0x3d: {  	[sflag:s13] =	ssyncadd.s32 $0xFFFFFF80  }
0x3e: {  	v6 =	vld [tilespmem:$0x7980]  }
0x3f: {  	v7 =	vld [tilespmem:$0x7A00];
	_ =	sdelay $0x6  }
0x40: {  	v6 =	vld.idx.msk [tilespmem:v6+s12+$0x0], $0xffff  }
0x41: {  	v7 =	vld.idx.msk [tilespmem:v7+s14+$0x0], $0xffff;
	_ =	sdelay $0x4  }
0x42: {  	v6 =	vadd.f32 v7, v6;
	_ =	sdelay $0x1  }
0x43: {  	v7 =	vmul.f32 $2.000000030e-01, v6  }
0x44: {  	vm1 =	vge.f32 v6, $0.0e+00  }
0x45: {  	v6 =	vsel vm1, v6, v7  }
0x46: {  	v6 =	vmul.f32 $1.442695020e+00, v6;
	_ =	sdelay $0x1  }
0x47: {  	(erf) = vpow2.f32 v6;
	_ =	sdelay $0x2  }
0x48: {  	v6 =	vld [tilespmem:$0x7990]  }
0x49: {  	v7 =	vld [tilespmem:$0x7A10];
	_ =	sdelay $0x4  }
0x4a: {  	v8 =	vpop (erf)  }
0x4b: {  	[tilespmem:$0x7A80] =	vst v8  }
0x4c: {  	v6 =	vld.idx.msk [tilespmem:v6+s12+$0x0], $0xffff  }
0x4d: {  	v7 =	vld.idx.msk [tilespmem:v7+s14+$0x0], $0xffff;
	_ =	sdelay $0x4  }
0x4e: {  	v6 =	vadd.f32 v7, v6;
	_ =	sdelay $0x1  }
0x4f: {  	v7 =	vmul.f32 $2.000000030e-01, v6  }
0x50: {  	vm1 =	vge.f32 v6, $0.0e+00  }
0x51: {  	v6 =	vsel vm1, v6, v7  }
0x52: {  	v6 =	vmul.f32 $1.442695020e+00, v6;
	_ =	sdelay $0x1  }
0x53: {  	(erf) = vpow2.f32 v6;
	_ =	sdelay $0x2  }
0x54: {  	v6 =	vld [tilespmem:$0x79A0]  }
0x55: {  	v7 =	vld [tilespmem:$0x7A20];
	_ =	sdelay $0x4  }
0x56: {  	v8 =	vpop (erf)  }
0x57: {  	[tilespmem:$0x7A90] =	vst v8  }
0x58: {  	v6 =	vld.idx.msk [tilespmem:v6+s12+$0x0], $0xffff  }
0x59: {  	v7 =	vld.idx.msk [tilespmem:v7+s14+$0x0], $0xffff;
	_ =	sdelay $0x4  }
0x5a: {  	v6 =	vadd.f32 v7, v6;
	_ =	sdelay $0x1  }
0x5b: {  	v7 =	vmul.f32 $2.000000030e-01, v6  }
0x5c: {  	vm1 =	vge.f32 v6, $0.0e+00  }
0x5d: {  	v6 =	vsel vm1, v6, v7  }
0x5e: {  	v6 =	vmul.f32 $1.442695020e+00, v6;
	_ =	sdelay $0x1  }
0x5f: {  	(erf) = vpow2.f32 v6;
	_ =	sdelay $0x2  }
0x60: {  	v6 =	vld [tilespmem:$0x79B0]  }
0x61: {  	v7 =	vld [tilespmem:$0x7A30];
	_ =	sdelay $0x4  }
0x62: {  	v8 =	vpop (erf)  }
0x63: {  	[tilespmem:$0x7AA0] =	vst v8  }
0x64: {  	v6 =	vld.idx.msk [tilespmem:v6+s12+$0x0], $0xffff  }
0x65: {  	v7 =	vld.idx.msk [tilespmem:v7+s14+$0x0], $0xffff;
	_ =	sdelay $0x4  }
0x66: {  	v6 =	vadd.f32 v7, v6;
	_ =	sdelay $0x1  }
0x67: {  	v7 =	vmul.f32 $2.000000030e-01, v6  }
0x68: {  	vm1 =	vge.f32 v6, $0.0e+00  }
0x69: {  	v6 =	vsel vm1, v6, v7  }
0x6a: {  	v6 =	vmul.f32 $1.442695020e+00, v6;
	_ =	sdelay $0x1  }
0x6b: {  	(erf) = vpow2.f32 v6;
	_ =	sdelay $0x2  }
0x6c: {  	v6 =	vld [tilespmem:$0x79C0]  }
0x6d: {  	v7 =	vld [tilespmem:$0x7A40];
	_ =	sdelay $0x4  }
0x6e: {  	v8 =	vpop (erf)  }
0x6f: {  	[tilespmem:$0x7AB0] =	vst v8  }
0x70: {  	v6 =	vld.idx.msk [tilespmem:v6+s12+$0x0], $0xffff  }
0x71: {  	v7 =	vld.idx.msk [tilespmem:v7+s14+$0x0], $0xffff;
	_ =	sdelay $0x4  }
0x72: {  	v6 =	vadd.f32 v7, v6;
	_ =	sdelay $0x1  }
0x73: {  	v7 =	vmul.f32 $2.000000030e-01, v6  }
0x74: {  	vm1 =	vge.f32 v6, $0.0e+00  }
0x75: {  	v6 =	vsel vm1, v6, v7  }
0x76: {  	v6 =	vmul.f32 $1.442695020e+00, v6;
	_ =	sdelay $0x1  }
0x77: {  	(erf) = vpow2.f32 v6;
	_ =	sdelay $0x2  }
0x78: {  	v6 =	vld [tilespmem:$0x79D0]  }
0x79: {  	v7 =	vld [tilespmem:$0x7A50];
	_ =	sdelay $0x4  }
0x7a: {  	v8 =	vpop (erf)  }
0x7b: {  	[tilespmem:$0x7AC0] =	vst v8  }
0x7c: {  	v6 =	vld.idx.msk [tilespmem:v6+s12+$0x0], $0xffff  }
0x7d: {  	v7 =	vld.idx.msk [tilespmem:v7+s14+$0x0], $0xffff;
	_ =	sdelay $0x4  }
0x7e: {  	v6 =	vadd.f32 v7, v6;
	_ =	sdelay $0x1  }
0x7f: {  	v7 =	vmul.f32 $2.000000030e-01, v6  }
0x80: {  	vm1 =	vge.f32 v6, $0.0e+00  }
0x81: {  	v6 =	vsel vm1, v6, v7  }
0x82: {  	v6 =	vmul.f32 $1.442695020e+00, v6;
	_ =	sdelay $0x1  }
0x83: {  	(erf) = vpow2.f32 v6;
	_ =	sdelay $0x2  }
0x84: {  	v6 =	vld [tilespmem:$0x79E0]  }
0x85: {  	v7 =	vld [tilespmem:$0x7A60];
	_ =	sdelay $0x4  }
0x86: {  	v8 =	vpop (erf)  }
0x87: {  	[tilespmem:$0x7AD0] =	vst v8  }
0x88: {  	v6 =	vld.idx.msk [tilespmem:v6+s12+$0x0], $0xffff  }
0x89: {  	v7 =	vld.idx.msk [tilespmem:v7+s14+$0x0], $0xffff;
	_ =	sdelay $0x4  }
0x8a: {  	v6 =	vadd.f32 v7, v6;
	_ =	sdelay $0x1  }
0x8b: {  	v7 =	vmul.f32 $2.000000030e-01, v6  }
0x8c: {  	vm1 =	vge.f32 v6, $0.0e+00  }
0x8d: {  	v6 =	vsel vm1, v6, v7  }
0x8e: {  	v6 =	vmul.f32 $1.442695020e+00, v6;
	_ =	sdelay $0x1  }
0x8f: {  	(erf) = vpow2.f32 v6;
	_ =	sdelay $0x2  }
0x90: {  	v6 =	vld [tilespmem:$0x79F0]  }
0x91: {  	v7 =	vld [tilespmem:$0x7A70];
	_ =	sdelay $0x4  }
0x92: {  	v8 =	vpop (erf)  }
0x93: {  	[tilespmem:$0x7AE0] =	vst v8  }
0x94: {  	v6 =	vld.idx.msk [tilespmem:v6+s12+$0x0], $0xffff  }
0x95: {  	v7 =	vld.idx.msk [tilespmem:v7+s14+$0x0], $0xffff;
	_ =	sdelay $0x4  }
0x96: {  	v6 =	vadd.f32 v7, v6;
	_ =	sdelay $0x1  }
0x97: {  	v7 =	vmul.f32 $2.000000030e-01, v6  }
0x98: {  	vm1 =	vge.f32 v6, $0.0e+00  }
0x99: {  	v6 =	vsel vm1, v6, v7  }
0x9a: {  	v6 =	vmul.f32 $1.442695020e+00, v6;
	_ =	sdelay $0x1  }
0x9b: {  	(erf) = vpow2.f32 v6;
	_ =	sdelay $0x8  }
0x9c: {  	v6 =	vpop (erf)  }
0x9d: {  	s25 =	sadd.s32 s1, s25;
	v7 =	vmov s23;
	[tilespmem:$0x7AF0] =	vst v6  }
0x9e: {  	[hbm4b:s25+s23] =	stream.linear.scatter [tilespmem:s18], [sflag:$0x1], $0x80, $0x38;
	[tilespmem:$0x7B80] =	vst v63  }
0x9f: {  	_ =	swait.ge [sflag:s13], $0x80  }
0xa0: {  	[sflag:s13] =	ssyncset.done $0x0  }
0xa1: {  	[sflag:s13] =	ssyncadd.s32 $0xFFFFFF80  }
0xa2: {  	v6 =	vld.idx.msk [tilespmem:v7+s17+$0x0], $0xffff;
	_ =	sdelay $0x6  }
0xa3: {  	v8 =	vld.idx.msk [tilespmem:v7+s18+$0x0], $0xffff  }
0xa4: {  	v9 =	vld.idx.msk [tilespmem:v6+s19+$0x0], $0xffff;
	_ =	sdelay $0x1  }
0xa5: {  	s31 =	simm.s32 $0x1  }
0xa6: {  	s25 =	simm.s32 $0x2;
	v7 =	vmov s31  }
.LBB2_5:
0xa7: {  	p1 =	sne.s32 s25, $0x7F;
	v8 =	vnsel vm0, $0x0, v8  }
0xa8: {  	v8 =	vadd.f32 v9, v8;
	_ =	sdelay $0x1  }
0xa9: {  	[tilespmem:v6+s19+$0x0] =	vst.idx.msk $0x1, v8  }
0xaa: {  	v6 =	vld.idx.msk [tilespmem:v7+s17+$0x0], $0xffff;
	_ =	sdelay $0x6  }
0xab: {  	v8 =	vld.idx.msk [tilespmem:v7+s18+$0x0], $0xffff  }
.Ltmp1:
0xac: {  	v9 =	vld.idx.msk [tilespmem:v6+s19+$0x0], $0xffff;
	(pc) =	sbr.rel @p1 .LBB2_5-.Ltmp1, $2  }
0xad: {  	_ =	sdelay $0x2  }
0xae: {  	v7 =	vmov s25;
	s25 =	sadd.s32 $0x1, s25  }
0xaf: {  	_ = 	snop  }
0xb0: {  	v8 =	vnsel vm0, $0x0, v8  }
0xb1: {  	v8 =	vadd.f32 v9, v8;
	_ =	sdelay $0x1  }
0xb2: {  	[tilespmem:v6+s19+$0x0] =	vst.idx.msk $0x1, v8  }
0xb3: {  	v6 =	vld.idx.msk [tilespmem:v7+s17+$0x0], $0xffff;
	_ =	sdelay $0x6  }
0xb4: {  	v7 =	vld.idx.msk [tilespmem:v7+s18+$0x0], $0xffff  }
0xb5: {  	v8 =	vld.idx.msk [tilespmem:v6+s19+$0x0], $0xffff  }
0xb6: {  	s24 =	sadd.s32 $0x1, s24  }
0xb7: {  	p1 =	sne.s32 s24, $0x4F  }
.Ltmp2:
0xb8: {  	_ = 	snop;
	(pc) =	sbr.rel @p1 .LBB2_4-.Ltmp2, $3  }
0xb9: {  	v7 =	vnsel vm0, $0x0, v7  }
0xba: {  	v7 =	vadd.f32 v8, v7;
	_ =	sdelay $0x1  }
0xbb: {  	[tilespmem:v6+s19+$0x0] =	vst.idx.msk $0x1, v7  }
0xbc: {  	[spmem:s2] =	stream.indirect.scatter.add.f32 [tilespmem:s19], [sflag:$0x1], $0x80, s21, s20, $0xb8;
	[tilespmem:$0x7B80] =	vst v63  }
0xbd: {  	_ =	swait.ge [sflag:s13], $0x2800  }
0xbe: {  	[sflag:s13] =	ssyncset.done $0x0  }
0xbf: {  	s22 =	sadd.s32 $0x1, s22;
	[sflag:s13] =	ssyncadd.s32 $0xFFFFD800  }
0xc0: {  	s23 =	simm.s32 @!p0 $0x1C01;
	p1 =	sne.s32 s22, s11;
	[bflag:$0x0] =	sbarrier.arrive $0xFFFF  }
0xc1: {  	[hbm:s10], [sflag:s23] =	dma.local @!p0 [spmem:s15], $0x500  }
.Ltmp3:
0xc2: {  	_ = 	snop;
	(pc) =	sbr.rel @p1 .LBB2_1-.Ltmp3, $4  }
0xc3: {  	s23 =	simm.s32 @!p0 $0x1  }
0xc4: {  	_ =	swait.ge @!p0 [sflag:s23], $0x500  }
0xc5: {  	[sflag:s23] =	ssyncset.done @!p0 $0x0  }
0xc6: {  	[sflag:s23] =	ssyncadd.s32 @!p0 $0xFFFFFB00  }
0xc7: {  	_ =	sfence.sel $0x180000  }
0xc8: {  	[bflag:$0x0] =	sbarrier.arrive $0xFFFF  }
0xc9: {  	_ =	strace $0x9000004D  }
0xca: {  	s0 =	sadd.s32 @!p0 $0x100000, s0;
	[bflag:$0x2] =	sbarrier.arrive $0xFFFF  }
0xcb: {  	[sflag:s0] =	ssyncadd.tile.s32 @!p0 $0x1;
	_ =	shalt  }
.Lfunc_end2:
_tile_overlayer_lowered:
.L_overlay_start_2:
0xcc: {  	(tag) =	ssettag $0x2  }
0xcd: {  	s0 =	rddreg [dreg:$0x0];
	s2 =	stileid.u32  }
0xce: {  	s1 =	rddreg [dreg:$0x1];
	p0 =	sne.s32 s2, $0x0  }
0xcf: {  	s3 =	rddreg [dreg:$0x2];
	[bflag:$0x3] =	sbarrier.arrive $0xFFFF;
	s2 =	simm.s32 @!p0 $0x1C01  }
0xd0: {  	[timem:s3], [sflag:s2] =	dma.local @!p0 [hbm:s0], s1  }
0xd1: {  	s0 =	simm.s32 @!p0 $0x1  }
0xd2: {  	_ =	swait.ge @!p0 [sflag:s0], s1  }
0xd3: {  	s1 =	ssub.s32 @!p0 $0x0, s1;
	[sflag:s0] =	ssyncset.done @!p0 $0x0  }
0xd4: {  	[sflag:s0] =	ssyncadd.s32 @!p0 s1  }
0xd5: {  	[bflag:$0x3] =	sbarrier.arrive $0xFFFF  }
0xd6: {  	_ =	shalt  }

// kernel: kernel.18.cloned.1.call-start
scs
__scs_entry_jumppad:
0x0: {  	(pc) =	sbr.rel $0x88, $3  }
0x1: {  	(tag) =	ssettag $0x0;
	lr =	simm.s32 $0x1  }
0x2: {  	[smem:$0x3F97] =	sst lr;
	_ =	strace $0xD0000000  }
0x3: {  	_ = 	snop  }
0x4: {  	_ = 	snop  }
0x5: {  	_ = 	snop  }
0x6: {  	_ = 	snop  }
0x7: {  	_ = 	snop  }
__scs_overlays_trampoline_lowered:
0x8: {  	[smem:$0x3FA6] =	sst s0  }
0x9: {  	[smem:$0x3FA7] =	sst s1  }
0xa: {  	[smem:$0x3FA8] =	sst s2  }
0xb: {  	[smem:$0x3FA9] =	sst s3  }
0xc: {  	[smem:$0x3FAA] =	sst s4  }
0xd: {  	[smem:$0x3FAB] =	sst s5  }
0xe: {  	[smem:$0x3FAC] =	sst s6  }
0xf: {  	[smem:$0x3FAD] =	sst s7  }
0x10: {  	[smem:$0x3FAE] =	sst s8  }
0x11: {  	[smem:$0x3FAF] =	sst s9;
	s0 =	simm.s32 @!p0 $0x0  }
0x12: {  	s1 =	sld [smem:$0x3F95];
	s0 =	simm.s32 @p0 $0x1  }
0x13: {  	[smem:$0x3FB0] =	sst s0;
	s0 =	simm.s32 @!p1 $0x0  }
0x14: {  	s2 =	sld [smem:$0x3F94];
	s0 =	simm.s32 @p1 $0x1  }
0x15: {  	[smem:$0x3FB1] =	sst s0;
	s0 =	simm.s32 @!p2 $0x0  }
0x16: {  	s3 =	sld [smem:$0x3FDB];
	s0 =	simm.s32 @p2 $0x1  }
0x17: {  	s4 =	simm.s32 $0x1BF5;
	[smem:$0x3FB3] =	sst s0  }
0x18: {  	s0 =	sld [smem:$0x3F96];
	_ =	swait.ge [sflag:s4], $0x0  }
0x19: {  	s7 =	sld [smem:$0x3F97]  }
0x1a: {  	s8 =	sadd.s32 $0xFFFFE003, lr  }
0x1b: {  	s9 =	sadd.s32 $0xFFFFFEF7, lr;
	s5 =	simm.s32 $0xFFFFFFFF;
	p2 =	slt.u32 s8, $0xFFFFF086  }
0x1c: {  	p1 =	slt.u32 s9, $0xF7A;
	s5 =	simm.s32 @!p2 $0x0  }
0x1d: {  	s5 =	simm.s32 @p1 $0x1;
	p0 =	seq.s32 s7, s2  }
0x1e: {  	s7 =	smul.u32 @!p0 $0xF7A, s2;
	p2 =	seq.s32 @!p0 s5, $0x0  }
0x1f: {  	s9 =	smul.u32 $0xF7A, s1;
	s8 =	simm.s32 @!p0 $0x1BF5;
	p2 =	por !p2, p0  }
0x20: {  	[sflag:s8] =	ssyncset.s32 @!p0 $0xFFFFF086;
	s6 =	sadd.s32 @!p0 s3, s7;
	s7 =	simm.s32 @!p0 $0x108  }
0x21: {  	s3 =	sadd.s32 s3, s9;
	s6 =	sadd.s32 @!p0 $0x88, s6;
	s7 =	simm.s32 @p2 $0x1082  }
0x22: {  	[simem:s7], [sflag:s8] =	dma.local @!p0 [hbm:s6], $0xF7A  }
0x23: {  	s9 =	sor.u32 $0xD0000000, s2;
	s6 =	simm.s32 $0x108;
	_ =	swait.ge @!p0 [sflag:s8], $0x0  }
0x24: {  	s3 =	sadd.s32 $0x88, s3;
	s6 =	simm.s32 @!p1 $0x1082;
	[sflag:s4] =	ssyncset.s32 $0xFFFFF086  }
0x25: {  	[simem:s6], [sflag:s4] =	dma.local [hbm:s3], $0xF7A  }
0x26: {  	[smem:$0x3F97] =	sst s1;
	(tag) =	ssettag s2;
	_ =	strace s9  }
0x27: {  	s1 =	sld [smem:$0x3FA7]  }
0x28: {  	s2 =	sld [smem:$0x3FA8]  }
0x29: {  	s4 =	sld [smem:$0x3FAA]  }
0x2a: {  	p0 =	seq.s32 s5, $0x0;
	s5 =	sld [smem:$0x3FAB]  }
0x2b: {  	s6 =	sld [smem:$0x3FAC]  }
0x2c: {  	s7 =	sld [smem:$0x3FAD]  }
0x2d: {  	s3 =	simm.s32 $0x108;
	s8 =	sld [smem:$0x3FAE]  }
0x2e: {  	s3 =	simm.s32 @!p0 $0x1082;
	s9 =	sld [smem:$0x3FAF]  }
0x2f: {  	lr =	sadd.s32 s0, s3;
	s0 =	sld [smem:$0x3FA6]  }
0x30: {  	s3 =	sld [smem:$0x3FA9]  }
0x31: {  	[smem:$0x3FB2] =	sst s10  }
0x32: {  	s10 =	sld [smem:$0x3FB0];
	_ =	sdelay $0x3  }
0x33: {  	p0 =	seq.s32 s10, $0x1;
	s10 =	sld [smem:$0x3FB2];
	_ =	sdelay $0x3  }
0x34: {  	[smem:$0x3FB2] =	sst s10  }
0x35: {  	s10 =	sld [smem:$0x3FB1];
	_ =	sdelay $0x3  }
0x36: {  	p1 =	seq.s32 s10, $0x1;
	s10 =	sld [smem:$0x3FB2];
	_ =	sdelay $0x3  }
0x37: {  	[smem:$0x3FB2] =	sst s10  }
0x38: {  	s10 =	sld [smem:$0x3FB3]  }
0x39: {  	_ = 	snop;
	(pc) =	sbr.ind lr, $3  }
0x3a: {  	_ = 	snop  }
0x3b: {  	_ = 	snop  }
0x3c: {  	p2 =	seq.s32 s10, $0x1;
	s10 =	sld [smem:$0x3FB2]  }
0x3d: {  	_ =	shalt  }
0x3e: {  	_ =	shalt  }
0x3f: {  	_ =	shalt  }
0x40: {  	_ =	shalt  }
0x41: {  	_ =	shalt  }
0x42: {  	_ =	shalt  }
0x43: {  	_ =	shalt  }
0x44: {  	_ =	shalt  }
0x45: {  	_ =	shalt  }
0x46: {  	_ =	shalt  }
0x47: {  	_ =	shalt  }
0x48: {  	_ =	shalt  }
0x49: {  	_ =	shalt  }
0x4a: {  	_ =	shalt  }
0x4b: {  	_ =	shalt  }
0x4c: {  	_ =	shalt  }
0x4d: {  	_ =	shalt  }
0x4e: {  	_ =	shalt  }
0x4f: {  	_ =	shalt  }
0x50: {  	_ =	shalt  }
0x51: {  	_ =	shalt  }
0x52: {  	_ =	shalt  }
0x53: {  	_ =	shalt  }
0x54: {  	_ =	shalt  }
0x55: {  	_ =	shalt  }
0x56: {  	_ =	shalt  }
0x57: {  	_ =	shalt  }
0x58: {  	_ =	shalt  }
0x59: {  	_ =	shalt  }
0x5a: {  	_ =	shalt  }
0x5b: {  	_ =	shalt  }
0x5c: {  	_ =	shalt  }
0x5d: {  	_ =	shalt  }
0x5e: {  	_ =	shalt  }
0x5f: {  	_ =	shalt  }
0x60: {  	_ =	shalt  }
0x61: {  	_ =	shalt  }
0x62: {  	_ =	shalt  }
0x63: {  	_ =	shalt  }
0x64: {  	_ =	shalt  }
0x65: {  	_ =	shalt  }
0x66: {  	_ =	shalt  }
0x67: {  	_ =	shalt  }
0x68: {  	_ =	shalt  }
0x69: {  	_ =	shalt  }
0x6a: {  	_ =	shalt  }
0x6b: {  	_ =	shalt  }
0x6c: {  	_ =	shalt  }
0x6d: {  	_ =	shalt  }
0x6e: {  	_ =	shalt  }
0x6f: {  	_ =	shalt  }
0x70: {  	_ =	shalt  }
0x71: {  	_ =	shalt  }
0x72: {  	_ =	shalt  }
0x73: {  	_ =	shalt  }
0x74: {  	_ =	shalt  }
0x75: {  	_ =	shalt  }
0x76: {  	_ =	shalt  }
0x77: {  	_ =	shalt  }
0x78: {  	_ =	shalt  }
0x79: {  	_ =	shalt  }
0x7a: {  	_ =	shalt  }
0x7b: {  	_ =	shalt  }
0x7c: {  	_ =	shalt  }
0x7d: {  	_ =	shalt  }
0x7e: {  	_ =	shalt  }
0x7f: {  	_ =	shalt  }
0x80: {  	_ =	shalt  }
0x81: {  	_ =	shalt  }
0x82: {  	_ =	shalt  }
0x83: {  	_ =	shalt  }
0x84: {  	_ =	shalt  }
0x85: {  	_ =	shalt  }
0x86: {  	_ =	shalt  }
0x87: {  	_ =	shalt  }
.Lfunc_end0:
.L_simem_size_0:
called_computation.3_lowered:
.L_overlay_start_0:
0x88: {  	s2 =	sld [smem:$0x3FD9]  }
0x89: {  	s3 =	sld [smem:$0x3FFE];
	_ =	sdelay $0x1  }
0x8a: {  	s1 =	srdreg.scid  }
0x8b: {  	s0 =	sand.u32 $0x1, s1  }
0x8c: {  	s17 =	sshll.u32 s0, $0xA;
	s2 =	sadd.s32 s3, s2  }
0x8d: {  	s2 =	sadd.s32 s2, s17  }
0x8e: {  	[smem:$0x3FBE] =	sst s2  }
0x8f: {  	_ = 	snop  }
0x90: {  	s2 =	sld [smem:$0x3FD0];
	(tm) =	ssettm $0x1  }
0x91: {  	s18 =	sld [smem:$0x3FFB];
	_ =	sdelay $0x3  }
0x92: {  	_ =	strace s18  }
0x93: {  	s3 =	sld [smem:$0x3FFC];
	_ =	sdelay $0x3  }
0x94: {  	_ =	strace s3  }
0x95: {  	s3 =	sld [smem:$0x3FFD];
	_ =	sdelay $0x3  }
0x96: {  	_ =	strace s3  }
0x97: {  	_ =	strace $0x8FFFFFFF  }
0x98: {  	s19 =	sld [smem:$0x3FDB];
	_ =	sdelay $0x1  }
0x99: {  	s4 =	simm.s32 $_scs_section_size  }
0x9a: {  	s5 =	simm.s32 $_size__tile_overlayer_lowered;
	s6 =	simm.s32 $_tile_overlayer_lowered  }
0x9b: {  	s22 =	simm.s32 $0x1BFF;
	s21 =	sshll.u32 s6, $0x1;
	s3 =	sadd.s32 s4, s19  }
0x9c: {  	s7 =	simm.s32 $0x0;
	s20 =	sshll.u32 s5, $0x1;
	s5 =	sadd.s32 s21, s3  }
0x9d: {  	[timem:s7], [sflag:s22] =	dma.local [hbm:s5], s20  }
0x9e: {  	_ =	swait.ge [sflag:s22], s20  }
0x9f: {  	s4 =	ssub.s32 $0x0, s20;
	[sflag:s22] =	ssyncset.done $0x0  }
0xa0: {  	[sflag:s22] =	ssyncadd.s32 s4;
	_ =	sdelay $0x1  }
0xa1: {  	s23 =	simm.s32 $0x1B8B  }
0xa2: {  	_ =	swait.ge [sflag:s23], $0x1  }
0xa3: {  	[sflag:s23] =	ssyncset.done $0x0  }
0xa4: {  	s25 =	simm.s32 $0x1B8E;
	s24 =	sld [smem:$0x3FFE];
	[sflag:s23] =	ssyncadd.s32 $0xFFFFFFFF  }
0xa5: {  	s26 =	simm.s32 $execute0_lowered;
	[smem:$0x3FD2] =	sst s25  }
0xa6: {  	s5 =	sshll.u32 s26, $0x1;
	_ =	strace $0x8000004F;
	[dreg:$0x1] =	wrdreg $0xFFFFFFFF  }
0xa7: {  	s28 =	simm.s32 $_size_execute0_lowered;
	s3 =	sadd.s32 s3, s5;
	[dreg:$0x0] =	wrdreg $0x0  }
0xa8: {  	s5 =	sshll.u32 s28, $0x1;
	[dreg:$0x2] =	wrdreg s3  }
0xa9: {  	[dreg:$0x3] =	wrdreg s5  }
0xaa: {  	[dreg:$0x4] =	wrdreg $0xC0  }
0xab: {  	_ =	task [dreg:s7], $0x5FFFF  }
0xac: {  	[dreg:$0x1] =	wrdreg $0xFFFFFFFF  }
0xad: {  	[dreg:$0x0] =	wrdreg $0x60  }
0xae: {  	[dreg:$0x2] =	wrdreg s24  }
0xaf: {  	[dreg:$0x3] =	wrdreg s2  }
0xb0: {  	[dreg:$0x4] =	wrdreg $0x0  }
0xb1: {  	[dreg:$0x5] =	wrdreg $0x9  }
0xb2: {  	_ =	task.clear_ibuf [dreg:s7], $0x6FFFF;
	_ =	strace $0x9000004F  }
0xb3: {  	s29 =	simm.s32 $0x9;
	_ =	strace $0x80000051  }
0xb4: {  	_ =	swait.ge [sflag:s29], $0x1  }
0xb5: {  	[sflag:s29] =	ssyncadd.s32 $0xFFFFFFFF  }
0xb6: {  	_ =	strace $0x90000051  }
0xb7: {  	_ =	sfence  }
0xb8: {  	s30 =	sld [smem:$0x0];
	_ =	sdelay $0x2  }
0xb9: {  	s31 =	sshll.u32 s1, $0xD;
	s1 =	sshrl.u32 s1, $0x2  }
0xba: {  	s3 =	sand.u32 $0x4000, s31;
	s1 =	sadd.s32 s1, s30  }
0xbb: {  	s0 =	sor.u32 s3, s0;
	s1 =	sshll.u32 s1, $0x11  }
0xbc: {  	s0 =	sor.u32 s1, s0  }
0xbd: {  	s0 =	sadd.s32 $0x8F2B, s0  }
0xbe: {  	[sflag:s0] =	ssyncadd.remote.s32 $0x1  }
0xbf: {  	_ =	sfence.sel $0xFFFF  }
0xc0: {  	[dreg:$0x0] =	wrdreg $0xFFFFFFFF;
	(pc) =	sbr.abs _section_cstart, $3  }
0xc1: {  	[dreg:$0x1] =	wrdreg $0xFFFFFFFF  }
0xc2: {  	_ =	task.clear_ibuf [dreg:s7], $0x2FFFF;
	_ =	strace $0x9FFFFFFF  }
0xc3: {  	(tm) =	ssettm $0x7FFFFFFF  }
tec
execute0_lowered:
.L_overlay_start_1:
0x0: {  	(tag) =	ssettag $0x1  }
0x1: {  	s8 =	rddreg [dreg:$0x0]  }
0x2: {  	s1 =	rddreg [dreg:$0x1]  }
0x3: {  	s2 =	rddreg [dreg:$0x2];
	s3 =	srdreg.scid  }
0x4: {  	s0 =	rddreg [dreg:$0x3];
	s18 =	stileid.u32  }
0x5: {  	s13 =	simm.s32 $0x2;
	s14 =	simm.s32 $0x13C80;
	s15 =	simm.s32 $0x17D00  }
0x6: {  	s16 =	simm.s32 $0x80;
	s17 =	simm.s32 $0x13D00;
	s9 =	sand.u32 $0x1, s3  }
0x7: {  	s3 =	simm.s32 $0x0;
	s7 =	smul.u32 $0x13C00, s18;
	s4 =	sadd.s32 $0xD400, s8  }
0x8: {  	s5 =	sadd.s32 $0x3600, s8;
	s12 =	smul.u32 $0x4F000, s18;
	p0 =	sne.s32 s18, $0x0  }
0x9: {  	s19 =	sshll.u32 s18, $0x6;
	s6 =	smul.u32 $0x13C000, s9;
	[smem:$0x7FF] =	sst s3  }
0xa: {  	s11 =	ssub.s32 $0x2, s9;
	s9 =	sshll.u32 s9, $0x4;
	s19 =	sor.u32 $0x1C02, s19  }
0xb: {  	_ =	strace $0x80000050;
	s31 =	sshrl.u32 s11, $0x1;
	s9 =	sor.u32 s18, s9  }
0xc: {  	s12 =	sshrl.u32 s12, $0x2;
	s18 =	simm.s32 $0x1;
	s10 =	sadd.s32 s7, s6  }
0xd: {  	s6 =	sadd.s32 $0x17200, s8;
	s7 =	sadd.s32 $0x8EE00, s8;
	s11 =	ssub.s32 s11, s31  }
0xe: {  	s20 =	sadd.s32 s12, s2;
	s12 =	simm.s32 $0x13C00;
	s10 =	sshrl.u32 s10, $0x3  }
0xf: {  	s20 =	sshrl.u32 s20, $0x3;
	s10 =	sadd.s32 s10, s8;
	s8 =	smul.u32 $0x4F, s9  }
0x10: {  	s9 =	sadd.s32 $0xB7000, s10;
	s10 =	smax.u32 s11, $0x1;
	s11 =	sshrl.u32 @!p0 s2, $0x3  }
.LBB2_1:
0x11: {  	s21 =	simm.s32 @!p0 $0x1C02  }
0x12: {  	[spmem:s11], [sflag:s21] =	dma.local @!p0 [hbm:s7], $0x27800  }
0x13: {  	s21 =	simm.s32 @!p0 $0x2  }
0x14: {  	_ =	swait.ge @!p0 [sflag:s21], $0x27800  }
0x15: {  	[sflag:s21] =	ssyncset.done @!p0 $0x0  }
0x16: {  	[sflag:s21] =	ssyncadd.s32 @!p0 $0xFFFD8800  }
0x17: {  	s21 =	simm.s32 $0x0;
	[bflag:$0x0] =	sbarrier.arrive $0xFFFF  }
.LBB2_2:
0x18: {  	s22 =	sadd.s32 s8, s21  }
0x19: {  	s22 =	sshll.u32 s22, $0x4  }
0x1a: {  	s24 =	simm.s32 $0x0;
	s23 =	sadd.s32 s4, s22  }
0x1b: {  	[tilespmem:s12], [sflag:$0x2] =	stream.linear.gather [hbm4b:s23+s24], $0x80, $0x38;
	[tilespmem:$0x17D80] =	vst v63  }
0x1c: {  	_ =	swait.ge [sflag:s13], $0x80  }
0x1d: {  	[sflag:s13] =	ssyncset.done $0x0  }
0x1e: {  	s31 =	sadd.s32 s5, s22;
	[sflag:s13] =	ssyncadd.s32 $0xFFFFFF80  }
0x1f: {  	[tilespmem:s14], [sflag:$0x2] =	stream.linear.gather [hbm4b:s31+s24], $0x80, $0x38;
	[tilespmem:$0x17D80] =	vst v63  }
0x20: {  	_ =	swait.ge [sflag:s13], $0x80  }
0x21: {  	[sflag:s13] =	ssyncset.done $0x0  }
0x22: {  	s22 =	sadd.s32 s1, s22;
	[sflag:s13] =	ssyncadd.s32 $0xFFFFFF80  }
0x23: {  	[tilespmem:s15], [sflag:$0x2] =	stream.linear.gather [hbm4b:s22+s24], $0x80, $0x38;
	[tilespmem:$0x17D80] =	vst v63  }
0x24: {  	_ =	swait.ge [sflag:s13], $0x80  }
0x25: {  	[sflag:s13] =	ssyncset.done $0x0  }
0x26: {  	[sflag:s13] =	ssyncadd.s32 $0xFFFFFF80  }
0x27: {  	[tilespmem:s17], [sflag:$0x1] =	stream.indirect.gather [hbm4b:s6+s16], $0x80, s12, s16, $0xb8;
	[tilespmem:$0x17D80] =	vst v63  }
0x28: {  	_ =	swait.ge [sflag:s18], $0x4000  }
0x29: {  	v0 =	vmov s24;
	[sflag:s18] =	ssyncset.done $0x0  }
0x2a: {  	s22 =	simm.s32 $0x13D40;
	[sflag:s18] =	ssyncadd.s32 $0xFFFFC000  }
0x2b: {  	v4 =	vld [tilespmem:s22+$0x30]  }
0x2c: {  	v7 =	vld [tilespmem:s22+$0x10]  }
0x2d: {  	v5 =	vld [tilespmem:s22+$0xFFFFFFC0]  }
0x2e: {  	v1 =	vld.idx.msk [tilespmem:v0+s15+$0x0], $0xffff  }
0x2f: {  	v9 =	vld [tilespmem:s22+$0xFFFFFFE0]  }
0x30: {  	v0 =	vld [tilespmem:s22+$0xFFFFFFF0]  }
0x31: {  	v2 =	vld [tilespmem:s22+$0x20]  }
0x32: {  	v3 =	vld [tilespmem:s22+$0xFFFFFFD0]  }
0x33: {  	v8 =	vmul.f32 v4, v1;
	v4 =	vld [tilespmem:s22+$0x0]  }
0x34: {  	v6 =	vmul.f32 v5, v1  }
0x35: {  	s23 =	simm.s32 $0x1;
	s24 =	simm.s32 $0x13D40;
	v5 =	vmul.f32 v9, v1;
	v7 =	vmul.f32 v7, v1  }
.LBB2_3:
0x36: {  	p1 =	sne.s32 s23, $0x7F  }
0x37: {  	v3 =	vmul.f32 v3, v1;
	v2 =	vmul.f32 v2, v1;
	[tilespmem:s22+$0x30] =	vst v8;
	s24 =	sadd.s32 $0x80, s24;
	s25 =	smov.u32 s23;
	s23 =	sadd.s32 $0x1, s23  }
0x38: {  	[tilespmem:s22+$0xFFFFFFC0] =	vst v6;
	v6 =	vmul.f32 v0, v1;
	v1 =	vmul.f32 v4, v1  }
0x39: {  	[tilespmem:s22+$0x10] =	vst v7  }
0x3a: {  	v4 =	vmov s25;
	[tilespmem:s22+$0xFFFFFFE0] =	vst v5  }
0x3b: {  	v0 =	vld [tilespmem:s24+$0xFFFFFFF0];
	[tilespmem:s22+$0xFFFFFFF0] =	vst v6  }
0x3c: {  	v5 =	vld [tilespmem:s24+$0x30];
	[tilespmem:s22+$0x0] =	vst v1  }
0x3d: {  	v7 =	vld [tilespmem:s24+$0x10];
	[tilespmem:s22+$0x20] =	vst v2  }
0x3e: {  	v6 =	vld [tilespmem:s24+$0xFFFFFFC0];
	[tilespmem:s22+$0xFFFFFFD0] =	vst v3;
	s22 =	smov.u32 s24  }
0x3f: {  	v1 =	vld.idx.msk [tilespmem:v4+s15+$0x0], $0xffff  }
0x40: {  	v9 =	vld [tilespmem:s24+$0xFFFFFFE0]  }
0x41: {  	v2 =	vld [tilespmem:s24+$0x20]  }
.Ltmp0:
0x42: {  	v3 =	vld [tilespmem:s24+$0xFFFFFFD0];
	(pc) =	sbr.rel @p1 .LBB2_3-.Ltmp0, $3  }
0x43: {  	v4 =	vld [tilespmem:s24+$0x0];
	_ =	sdelay $0x1  }
0x44: {  	v6 =	vmul.f32 v6, v1;
	v8 =	vmul.f32 v5, v1  }
0x45: {  	v7 =	vmul.f32 v7, v1;
	v5 =	vmul.f32 v9, v1  }
0x46: {  	[tilespmem:s22+$0x30] =	vst v8  }
0x47: {  	[tilespmem:s22+$0xFFFFFFC0] =	vst v6  }
0x48: {  	v0 =	vmul.f32 v0, v1;
	[tilespmem:s22+$0x10] =	vst v7  }
0x49: {  	v2 =	vmul.f32 v2, v1;
	[tilespmem:s22+$0xFFFFFFE0] =	vst v5  }
0x4a: {  	v63 =	vmul.f32 v3, v1;
	[tilespmem:s22+$0xFFFFFFF0] =	vst v0  }
0x4b: {  	s21 =	sadd.s32 $0x1, s21;
	v4 =	vmul.f32 v4, v1;
	[tilespmem:s22+$0x20] =	vst v2  }
0x4c: {  	p1 =	sne.s32 s21, $0x4F;
	[tilespmem:s22+$0xFFFFFFD0] =	vst v63  }
.Ltmp1:
0x4d: {  	[tilespmem:s22+$0x0] =	vst v4;
	(pc) =	sbr.rel @p1 .LBB2_2-.Ltmp1, $4  }
0x4e: {  	[spmem:s2] =	stream.indirect.scatter.add.f32 [tilespmem:s17], [sflag:$0x2], $0x80, s14, s16, $0xb8;
	[tilespmem:$0x17D80] =	vst v63  }
0x4f: {  	_ =	swait.ge [sflag:s13], $0x4000  }
0x50: {  	[sflag:s13] =	ssyncset.done $0x0  }
0x51: {  	[sflag:s13] =	ssyncadd.s32 $0xFFFFC000  }
0x52: {  	s3 =	sadd.s32 $0x1, s3  }
0x53: {  	p1 =	sne.s32 s3, s10  }
.Ltmp2:
0x54: {  	[bflag:$0x0] =	sbarrier.arrive $0xFFFF;
	(pc) =	sbr.rel @p1 .LBB2_1-.Ltmp2, $4  }
0x55: {  	[hbm:s9], [sflag:s19] =	dma.local [spmem:s20], $0x2780  }
0x56: {  	_ =	swait.ge [sflag:s13], $0x2780  }
0x57: {  	[sflag:s13] =	ssyncset.done $0x0  }
0x58: {  	[sflag:s13] =	ssyncadd.s32 $0xFFFFD880  }
0x59: {  	_ =	sfence.sel $0x180000  }
0x5a: {  	[bflag:$0x0] =	sbarrier.arrive $0xFFFF  }
0x5b: {  	_ =	strace $0x90000050  }
0x5c: {  	s0 =	sadd.s32 @!p0 $0x100000, s0;
	[bflag:$0x2] =	sbarrier.arrive $0xFFFF  }
0x5d: {  	[sflag:s0] =	ssyncadd.tile.s32 @!p0 $0x1;
	_ =	shalt  }
.Lfunc_end2:
_tile_overlayer_lowered:
.L_overlay_start_2:
0x5e: {  	(tag) =	ssettag $0x2  }
0x5f: {  	s0 =	rddreg [dreg:$0x0];
	s2 =	stileid.u32  }
0x60: {  	s1 =	rddreg [dreg:$0x1];
	p0 =	sne.s32 s2, $0x0  }
0x61: {  	s3 =	rddreg [dreg:$0x2];
	[bflag:$0x3] =	sbarrier.arrive $0xFFFF;
	s2 =	simm.s32 @!p0 $0x1C02  }
0x62: {  	[timem:s3], [sflag:s2] =	dma.local @!p0 [hbm:s0], s1  }
0x63: {  	s0 =	simm.s32 @!p0 $0x2  }
0x64: {  	_ =	swait.ge @!p0 [sflag:s0], s1  }
0x65: {  	s1 =	ssub.s32 @!p0 $0x0, s1;
	[sflag:s0] =	ssyncset.done @!p0 $0x0  }
0x66: {  	[sflag:s0] =	ssyncadd.s32 @!p0 s1  }
0x67: {  	[bflag:$0x3] =	sbarrier.arrive $0xFFFF  }
0x68: {  	_ =	shalt  }

// kernel: kernel.9.cloned.1.call-start
scs
__scs_entry_jumppad:
0x0: {  	(pc) =	sbr.rel $0x88, $3  }
0x1: {  	(tag) =	ssettag $0x0;
	lr =	simm.s32 $0x1  }
0x2: {  	[smem:$0x3F97] =	sst lr;
	_ =	strace $0xD0000000  }
0x3: {  	_ = 	snop  }
0x4: {  	_ = 	snop  }
0x5: {  	_ = 	snop  }
0x6: {  	_ = 	snop  }
0x7: {  	_ = 	snop  }
__scs_overlays_trampoline_lowered:
0x8: {  	[smem:$0x3FA6] =	sst s0  }
0x9: {  	[smem:$0x3FA7] =	sst s1  }
0xa: {  	[smem:$0x3FA8] =	sst s2  }
0xb: {  	[smem:$0x3FA9] =	sst s3  }
0xc: {  	[smem:$0x3FAA] =	sst s4  }
0xd: {  	[smem:$0x3FAB] =	sst s5  }
0xe: {  	[smem:$0x3FAC] =	sst s6  }
0xf: {  	[smem:$0x3FAD] =	sst s7  }
0x10: {  	[smem:$0x3FAE] =	sst s8  }
0x11: {  	[smem:$0x3FAF] =	sst s9;
	s0 =	simm.s32 @!p0 $0x0  }
0x12: {  	s1 =	sld [smem:$0x3F95];
	s0 =	simm.s32 @p0 $0x1  }
0x13: {  	[smem:$0x3FB0] =	sst s0;
	s0 =	simm.s32 @!p1 $0x0  }
0x14: {  	s2 =	sld [smem:$0x3F94];
	s0 =	simm.s32 @p1 $0x1  }
0x15: {  	[smem:$0x3FB1] =	sst s0;
	s0 =	simm.s32 @!p2 $0x0  }
0x16: {  	s3 =	sld [smem:$0x3FDB];
	s0 =	simm.s32 @p2 $0x1  }
0x17: {  	s4 =	simm.s32 $0x1BF5;
	[smem:$0x3FB3] =	sst s0  }
0x18: {  	s0 =	sld [smem:$0x3F96];
	_ =	swait.ge [sflag:s4], $0x0  }
0x19: {  	s7 =	sld [smem:$0x3F97]  }
0x1a: {  	s8 =	sadd.s32 $0xFFFFE003, lr  }
0x1b: {  	s9 =	sadd.s32 $0xFFFFFEF7, lr;
	s5 =	simm.s32 $0xFFFFFFFF;
	p2 =	slt.u32 s8, $0xFFFFF086  }
0x1c: {  	p1 =	slt.u32 s9, $0xF7A;
	s5 =	simm.s32 @!p2 $0x0  }
0x1d: {  	s5 =	simm.s32 @p1 $0x1;
	p0 =	seq.s32 s7, s2  }
0x1e: {  	s7 =	smul.u32 @!p0 $0xF7A, s2;
	p2 =	seq.s32 @!p0 s5, $0x0  }
0x1f: {  	s9 =	smul.u32 $0xF7A, s1;
	s8 =	simm.s32 @!p0 $0x1BF5;
	p2 =	por !p2, p0  }
0x20: {  	[sflag:s8] =	ssyncset.s32 @!p0 $0xFFFFF086;
	s6 =	sadd.s32 @!p0 s3, s7;
	s7 =	simm.s32 @!p0 $0x108  }
0x21: {  	s3 =	sadd.s32 s3, s9;
	s6 =	sadd.s32 @!p0 $0x88, s6;
	s7 =	simm.s32 @p2 $0x1082  }
0x22: {  	[simem:s7], [sflag:s8] =	dma.local @!p0 [hbm:s6], $0xF7A  }
0x23: {  	s9 =	sor.u32 $0xD0000000, s2;
	s6 =	simm.s32 $0x108;
	_ =	swait.ge @!p0 [sflag:s8], $0x0  }
0x24: {  	s3 =	sadd.s32 $0x88, s3;
	s6 =	simm.s32 @!p1 $0x1082;
	[sflag:s4] =	ssyncset.s32 $0xFFFFF086  }
0x25: {  	[simem:s6], [sflag:s4] =	dma.local [hbm:s3], $0xF7A  }
0x26: {  	[smem:$0x3F97] =	sst s1;
	(tag) =	ssettag s2;
	_ =	strace s9  }
0x27: {  	s1 =	sld [smem:$0x3FA7]  }
0x28: {  	s2 =	sld [smem:$0x3FA8]  }
0x29: {  	s4 =	sld [smem:$0x3FAA]  }
0x2a: {  	p0 =	seq.s32 s5, $0x0;
	s5 =	sld [smem:$0x3FAB]  }
0x2b: {  	s6 =	sld [smem:$0x3FAC]  }
0x2c: {  	s7 =	sld [smem:$0x3FAD]  }
0x2d: {  	s3 =	simm.s32 $0x108;
	s8 =	sld [smem:$0x3FAE]  }
0x2e: {  	s3 =	simm.s32 @!p0 $0x1082;
	s9 =	sld [smem:$0x3FAF]  }
0x2f: {  	lr =	sadd.s32 s0, s3;
	s0 =	sld [smem:$0x3FA6]  }
0x30: {  	s3 =	sld [smem:$0x3FA9]  }
0x31: {  	[smem:$0x3FB2] =	sst s10  }
0x32: {  	s10 =	sld [smem:$0x3FB0];
	_ =	sdelay $0x3  }
0x33: {  	p0 =	seq.s32 s10, $0x1;
	s10 =	sld [smem:$0x3FB2];
	_ =	sdelay $0x3  }
0x34: {  	[smem:$0x3FB2] =	sst s10  }
0x35: {  	s10 =	sld [smem:$0x3FB1];
	_ =	sdelay $0x3  }
0x36: {  	p1 =	seq.s32 s10, $0x1;
	s10 =	sld [smem:$0x3FB2];
	_ =	sdelay $0x3  }
0x37: {  	[smem:$0x3FB2] =	sst s10  }
0x38: {  	s10 =	sld [smem:$0x3FB3]  }
0x39: {  	_ = 	snop;
	(pc) =	sbr.ind lr, $3  }
0x3a: {  	_ = 	snop  }
0x3b: {  	_ = 	snop  }
0x3c: {  	p2 =	seq.s32 s10, $0x1;
	s10 =	sld [smem:$0x3FB2]  }
0x3d: {  	_ =	shalt  }
0x3e: {  	_ =	shalt  }
0x3f: {  	_ =	shalt  }
0x40: {  	_ =	shalt  }
0x41: {  	_ =	shalt  }
0x42: {  	_ =	shalt  }
0x43: {  	_ =	shalt  }
0x44: {  	_ =	shalt  }
0x45: {  	_ =	shalt  }
0x46: {  	_ =	shalt  }
0x47: {  	_ =	shalt  }
0x48: {  	_ =	shalt  }
0x49: {  	_ =	shalt  }
0x4a: {  	_ =	shalt  }
0x4b: {  	_ =	shalt  }
0x4c: {  	_ =	shalt  }
0x4d: {  	_ =	shalt  }
0x4e: {  	_ =	shalt  }
0x4f: {  	_ =	shalt  }
0x50: {  	_ =	shalt  }
0x51: {  	_ =	shalt  }
0x52: {  	_ =	shalt  }
0x53: {  	_ =	shalt  }
0x54: {  	_ =	shalt  }
0x55: {  	_ =	shalt  }
0x56: {  	_ =	shalt  }
0x57: {  	_ =	shalt  }
0x58: {  	_ =	shalt  }
0x59: {  	_ =	shalt  }
0x5a: {  	_ =	shalt  }
0x5b: {  	_ =	shalt  }
0x5c: {  	_ =	shalt  }
0x5d: {  	_ =	shalt  }
0x5e: {  	_ =	shalt  }
0x5f: {  	_ =	shalt  }
0x60: {  	_ =	shalt  }
0x61: {  	_ =	shalt  }
0x62: {  	_ =	shalt  }
0x63: {  	_ =	shalt  }
0x64: {  	_ =	shalt  }
0x65: {  	_ =	shalt  }
0x66: {  	_ =	shalt  }
0x67: {  	_ =	shalt  }
0x68: {  	_ =	shalt  }
0x69: {  	_ =	shalt  }
0x6a: {  	_ =	shalt  }
0x6b: {  	_ =	shalt  }
0x6c: {  	_ =	shalt  }
0x6d: {  	_ =	shalt  }
0x6e: {  	_ =	shalt  }
0x6f: {  	_ =	shalt  }
0x70: {  	_ =	shalt  }
0x71: {  	_ =	shalt  }
0x72: {  	_ =	shalt  }
0x73: {  	_ =	shalt  }
0x74: {  	_ =	shalt  }
0x75: {  	_ =	shalt  }
0x76: {  	_ =	shalt  }
0x77: {  	_ =	shalt  }
0x78: {  	_ =	shalt  }
0x79: {  	_ =	shalt  }
0x7a: {  	_ =	shalt  }
0x7b: {  	_ =	shalt  }
0x7c: {  	_ =	shalt  }
0x7d: {  	_ =	shalt  }
0x7e: {  	_ =	shalt  }
0x7f: {  	_ =	shalt  }
0x80: {  	_ =	shalt  }
0x81: {  	_ =	shalt  }
0x82: {  	_ =	shalt  }
0x83: {  	_ =	shalt  }
0x84: {  	_ =	shalt  }
0x85: {  	_ =	shalt  }
0x86: {  	_ =	shalt  }
0x87: {  	_ =	shalt  }
.Lfunc_end0:
.L_simem_size_0:
called_computation_lowered:
.L_overlay_start_0:
0x88: {  	s2 =	sld [smem:$0x3FD9]  }
0x89: {  	s3 =	sld [smem:$0x3FFE];
	_ =	sdelay $0x1  }
0x8a: {  	s1 =	srdreg.scid  }
0x8b: {  	s0 =	sand.u32 $0x1, s1  }
0x8c: {  	s17 =	sshll.u32 s0, $0xA;
	s2 =	sadd.s32 s3, s2  }
0x8d: {  	s2 =	sadd.s32 s2, s17  }
0x8e: {  	[smem:$0x3FBE] =	sst s2  }
0x8f: {  	_ = 	snop  }
0x90: {  	s2 =	sld [smem:$0x3FD0];
	(tm) =	ssettm $0x1  }
0x91: {  	s18 =	sld [smem:$0x3FFB];
	_ =	sdelay $0x3  }
0x92: {  	_ =	strace s18  }
0x93: {  	s3 =	sld [smem:$0x3FFC];
	_ =	sdelay $0x3  }
0x94: {  	_ =	strace s3  }
0x95: {  	s3 =	sld [smem:$0x3FFD];
	_ =	sdelay $0x3  }
0x96: {  	_ =	strace s3  }
0x97: {  	_ =	strace $0x8FFFFFFF  }
0x98: {  	s19 =	sld [smem:$0x3FDB];
	_ =	sdelay $0x1  }
0x99: {  	s4 =	simm.s32 $_scs_section_size  }
0x9a: {  	s5 =	simm.s32 $_size__tile_overlayer_lowered;
	s6 =	simm.s32 $_tile_overlayer_lowered  }
0x9b: {  	s22 =	simm.s32 $0x1BFF;
	s21 =	sshll.u32 s6, $0x1;
	s3 =	sadd.s32 s4, s19  }
0x9c: {  	s7 =	simm.s32 $0x0;
	s20 =	sshll.u32 s5, $0x1;
	s5 =	sadd.s32 s21, s3  }
0x9d: {  	[timem:s7], [sflag:s22] =	dma.local [hbm:s5], s20  }
0x9e: {  	_ =	swait.ge [sflag:s22], s20  }
0x9f: {  	s4 =	ssub.s32 $0x0, s20;
	[sflag:s22] =	ssyncset.done $0x0  }
0xa0: {  	[sflag:s22] =	ssyncadd.s32 s4;
	_ =	sdelay $0x1  }
0xa1: {  	s23 =	simm.s32 $0x1B8B  }
0xa2: {  	_ =	swait.ge [sflag:s23], $0x1  }
0xa3: {  	[sflag:s23] =	ssyncset.done $0x0  }
0xa4: {  	s25 =	simm.s32 $0x1B8E;
	s24 =	sld [smem:$0x3FFE];
	[sflag:s23] =	ssyncadd.s32 $0xFFFFFFFF  }
0xa5: {  	s26 =	simm.s32 $execute0_lowered;
	[smem:$0x3FD2] =	sst s25  }
0xa6: {  	s5 =	sshll.u32 s26, $0x1;
	_ =	strace $0x80000046;
	[dreg:$0x1] =	wrdreg $0xFFFFFFFF  }
0xa7: {  	s28 =	simm.s32 $_size_execute0_lowered;
	s3 =	sadd.s32 s3, s5;
	[dreg:$0x0] =	wrdreg $0x0  }
0xa8: {  	s5 =	sshll.u32 s28, $0x1;
	[dreg:$0x2] =	wrdreg s3  }
0xa9: {  	[dreg:$0x3] =	wrdreg s5  }
0xaa: {  	[dreg:$0x4] =	wrdreg $0xC0  }
0xab: {  	_ =	task [dreg:s7], $0x5FFFF  }
0xac: {  	[dreg:$0x1] =	wrdreg $0xFFFFFFFF  }
0xad: {  	[dreg:$0x0] =	wrdreg $0x60  }
0xae: {  	[dreg:$0x2] =	wrdreg s24  }
0xaf: {  	[dreg:$0x3] =	wrdreg s2  }
0xb0: {  	[dreg:$0x4] =	wrdreg $0x0  }
0xb1: {  	[dreg:$0x5] =	wrdreg $0x9  }
0xb2: {  	_ =	task.clear_ibuf [dreg:s7], $0x6FFFF;
	_ =	strace $0x90000046  }
0xb3: {  	s29 =	simm.s32 $0x9;
	_ =	strace $0x80000048  }
0xb4: {  	_ =	swait.ge [sflag:s29], $0x1  }
0xb5: {  	[sflag:s29] =	ssyncadd.s32 $0xFFFFFFFF  }
0xb6: {  	_ =	strace $0x90000048  }
0xb7: {  	_ =	sfence  }
0xb8: {  	s30 =	sld [smem:$0x0];
	_ =	sdelay $0x2  }
0xb9: {  	s31 =	sshll.u32 s1, $0xD;
	s1 =	sshrl.u32 s1, $0x2  }
0xba: {  	s3 =	sand.u32 $0x4000, s31;
	s1 =	sadd.s32 s1, s30  }
0xbb: {  	s0 =	sor.u32 s3, s0;
	s1 =	sshll.u32 s1, $0x11  }
0xbc: {  	s0 =	sor.u32 s1, s0  }
0xbd: {  	s0 =	sadd.s32 $0x8F2B, s0  }
0xbe: {  	[sflag:s0] =	ssyncadd.remote.s32 $0x1  }
0xbf: {  	_ =	sfence.sel $0xFFFF  }
0xc0: {  	[dreg:$0x0] =	wrdreg $0xFFFFFFFF;
	(pc) =	sbr.abs _section_cstart, $3  }
0xc1: {  	[dreg:$0x1] =	wrdreg $0xFFFFFFFF  }
0xc2: {  	_ =	task.clear_ibuf [dreg:s7], $0x2FFFF;
	_ =	strace $0x9FFFFFFF  }
0xc3: {  	(tm) =	ssettm $0x7FFFFFFF  }
tec
execute0_lowered:
.L_overlay_start_1:
0x0: {  	(tag) =	ssettag $0x1  }
0x1: {  	s9 =	rddreg [dreg:$0x0]  }
0x2: {  	s1 =	rddreg [dreg:$0x1]  }
0x3: {  	s2 =	rddreg [dreg:$0x2];
	s3 =	simm.s32 $0x0  }
0x4: {  	s7 =	srdreg.scid;
	s13 =	stileid.u32;
	s14 =	simm.s32 $0x1  }
0x5: {  	s15 =	simm.s32 $0x5400;
	s17 =	simm.s32 $0xF300;
	s18 =	simm.s32 $0xF380  }
0x6: {  	s19 =	simm.s32 $0xF400;
	s20 =	simm.s32 $0xF480;
	s21 =	simm.s32 $0xA300  }
0x7: {  	s23 =	simm.s32 $0xF500;
	s24 =	simm.s32 $0x20;
	s25 =	simm.s32 $0xF580  }
0x8: {  	s26 =	simm.s32 $0xE300;
	s28 =	simm.s32 $0x0;
	[smem:$0x7FF] =	sst s3  }
0x9: {  	s4 =	sadd.s32 $0xD400, s9;
	s5 =	sadd.s32 $0x3600, s9;
	s6 =	sadd.s32 $0x8DA00, s9  }
0xa: {  	v0 =	vlaneseq.u32;
	s10 =	sand.u32 $0x1, s7;
	s7 =	sadd.s32 $0x8E400, s9;
	s8 =	sadd.s32 $0x8EE00, s9  }
0xb: {  	v1 =	vimm.f32 $0.0e+00;
	v11 =	vimm.s32 $0x0;
	vm2 =	vcmask $0x704;
	p0 =	sne.s32 s13, $0x0;
	_ =	strace $0x80000047;
	s11 =	smul.u32 $0xA00, s10  }
0xc: {  	vm0 =	vmmov $0x1;
	vm1 =	vcmask $0x308;
	v2 =	vor.u32 $0x10, v0;
	s12 =	ssub.s32 $0x2, s10;
	s10 =	sshll.u32 s10, $0x4;
	s16 =	sshrl.u32 @!p0 s2, $0x3  }
0xd: {  	v3 =	vor.u32 $0x20, v0;
	v4 =	vor.u32 $0x30, v0;
	v5 =	vor.u32 $0x40, v0;
	s31 =	sshrl.u32 s12, $0x1;
	s10 =	sor.u32 s13, s10;
	s13 =	simm.s32 $0x500  }
0xe: {  	v6 =	vor.u32 $0x50, v0;
	v7 =	vor.u32 $0x60, v0;
	v8 =	vor.u32 $0x70, v0;
	s11 =	sadd.s32 s11, s9;
	s12 =	ssub.s32 s12, s31;
	s9 =	smul.u32 $0x4F, s10  }
0xf: {  	v9 =	vor.u32 $0x80, v0;
	v10 =	vor.u32 $0x90, v0;
	v11 =	vsel vm2, $0x1, v11;
	s10 =	sadd.s32 $0x10, s1;
	s11 =	sadd.s32 $0xB6600, s11;
	s12 =	smax.u32 s12, $0x1  }
.LBB2_1:
0x10: {  	[tilespmem:s13], [sflag:$0x1] =	stream.linear.gather [hbm4b:s6+s3], $0x4F00, $0x38;
	[tilespmem:$0xF600] =	vst v63  }
0x11: {  	_ =	swait.ge [sflag:s14], $0x4F00  }
0x12: {  	[sflag:s14] =	ssyncset.done $0x0  }
0x13: {  	[sflag:s14] =	ssyncadd.s32 $0xFFFFB100  }
0x14: {  	[tilespmem:s15], [sflag:$0x1] =	stream.linear.gather [hbm4b:s7+s3], $0x4F00, $0x38;
	[tilespmem:$0xF600] =	vst v63  }
0x15: {  	_ =	swait.ge [sflag:s14], $0x4F00  }
0x16: {  	[sflag:s14] =	ssyncset.done $0x0  }
0x17: {  	s29 =	simm.s32 @!p0 $0x1C01;
	[sflag:s14] =	ssyncadd.s32 $0xFFFFB100  }
0x18: {  	[spmem:s16], [sflag:s29] =	dma.local @!p0 [hbm:s8], $0xA00  }
0x19: {  	s29 =	simm.s32 @!p0 $0x1  }
0x1a: {  	_ =	swait.ge @!p0 [sflag:s29], $0xA00  }
0x1b: {  	[sflag:s29] =	ssyncset.done @!p0 $0x0  }
0x1c: {  	s30 =	simm.s32 $0x200;
	[sflag:s29] =	ssyncadd.s32 @!p0 $0xFFFFF600;
	s29 =	simm.s32 $0x0  }
.LBB2_2:
0x1d: {  	p1 =	sne.s32 s30, $0x13E00;
	[tilespmem:s29+$0xA370] =	vst v1  }
0x1e: {  	[tilespmem:s29+$0xA300] =	vst v1  }
0x1f: {  	[tilespmem:s29+$0xA310] =	vst v1  }
.Ltmp0:
0x20: {  	[tilespmem:s29+$0xA320] =	vst v1;
	(pc) =	sbr.rel @p1 .LBB2_2-.Ltmp0, $4  }
0x21: {  	[tilespmem:s29+$0xA330] =	vst v1  }
0x22: {  	[tilespmem:s29+$0xA340] =	vst v1  }
0x23: {  	[tilespmem:s29+$0xA350] =	vst v1  }
0x24: {  	[tilespmem:s29+$0xA360] =	vst v1;
	s29 =	sshra.s32 s30, $0x2;
	s30 =	sadd.s32 $0x200, s30  }
0x25: {  	[tilespmem:s29+$0xA370] =	vst v1  }
0x26: {  	[tilespmem:s29+$0xA300] =	vst v1  }
0x27: {  	[tilespmem:s29+$0xA310] =	vst v1  }
0x28: {  	[tilespmem:s29+$0xA320] =	vst v1  }
0x29: {  	[tilespmem:s29+$0xA330] =	vst v1  }
0x2a: {  	[tilespmem:s29+$0xA340] =	vst v1  }
0x2b: {  	[tilespmem:s29+$0xA350] =	vst v1  }
0x2c: {  	[tilespmem:s29+$0xA360] =	vst v1  }
0x2d: {  	[tilespmem:$0xF500] =	vst v0  }
0x2e: {  	[tilespmem:$0xF510] =	vst v2  }
0x2f: {  	[tilespmem:$0xF520] =	vst v3  }
0x30: {  	[tilespmem:$0xF530] =	vst v4  }
0x31: {  	[tilespmem:$0xF540] =	vst v5  }
0x32: {  	[tilespmem:$0xF550] =	vst v6  }
0x33: {  	[tilespmem:$0xF560] =	vst v7  }
0x34: {  	[tilespmem:$0xF570] =	vst v8  }
0x35: {  	[tilespmem:$0xF580] =	vst v9  }
0x36: {  	[tilespmem:$0xF590] =	vst v10  }
0x37: {  	s29 =	simm.s32 $0x0;
	s30 =	simm.s32 $0x0;
	[bflag:$0x0] =	sbarrier.arrive $0xFFFF  }
.LBB2_4:
0x38: {  	s31 =	sadd.s32 s9, s30  }
0x39: {  	s0 =	sshll.u32 s31, $0x4  }
0x3a: {  	s22 =	sadd.s32 s4, s0  }
0x3b: {  	[tilespmem:s17], [sflag:$0x1] =	stream.linear.gather [hbm4b:s22+s29], $0x80, $0x38;
	[tilespmem:$0xF600] =	vst v63  }
0x3c: {  	_ =	swait.ge [sflag:s14], $0x80  }
0x3d: {  	[sflag:s14] =	ssyncset.done $0x0  }
0x3e: {  	s0 =	sadd.s32 s5, s0;
	[sflag:s14] =	ssyncadd.s32 $0xFFFFFF80  }
0x3f: {  	[tilespmem:s18], [sflag:$0x1] =	stream.linear.gather [hbm4b:s0+s29], $0x80, $0x38;
	[tilespmem:$0xF600] =	vst v63  }
0x40: {  	_ =	swait.ge [sflag:s14], $0x80  }
0x41: {  	[sflag:s14] =	ssyncset.done $0x0  }
0x42: {  	[sflag:s14] =	ssyncadd.s32 $0xFFFFFF80  }
0x43: {  	v12 =	vld [tilespmem:$0xF300]  }
0x44: {  	v13 =	vld [tilespmem:$0xF380];
	_ =	sdelay $0x3  }
0x45: {  	v12 =	vshll.u32 v12, $0x1  }
0x46: {  	v13 =	vshll.u32 v13, $0x1;
	_ =	sdelay $0x3  }
0x47: {  	v14 =	vld.idx.msk [tilespmem:v12+s13+$0x0], $0xffff  }
0x48: {  	v15 =	vld.idx.msk [tilespmem:v13+s15+$0x0], $0xffff;
	_ =	sdelay $0x4  }
0x49: {  	v14 =	vadd.f32 v15, v14;
	_ =	sdelay $0x1  }
0x4a: {  	v15 =	vmul.f32 $2.000000030e-01, v14  }
0x4b: {  	vm2 =	vge.f32 v14, $0.0e+00  }
0x4c: {  	v14 =	vsel vm2, v14, v15  }
0x4d: {  	v14 =	vmul.f32 $1.442695020e+00, v14;
	_ =	sdelay $0x1  }
0x4e: {  	(erf) = vpow2.f32 v14;
	_ =	sdelay $0x5  }
0x4f: {  	v12 =	vor.u32 $0x1, v12  }
0x50: {  	v13 =	vor.u32 $0x1, v13;
	_ =	sdelay $0x1  }
0x51: {  	v14 =	vpop (erf)  }
0x52: {  	[tilespmem:$0xF400] =	vst v14  }
0x53: {  	v12 =	vld.idx.msk [tilespmem:v12+s13+$0x0], $0xffff  }
0x54: {  	v13 =	vld.idx.msk [tilespmem:v13+s15+$0x0], $0xffff;
	_ =	sdelay $0x4  }
0x55: {  	v12 =	vadd.f32 v13, v12;
	_ =	sdelay $0x1  }
0x56: {  	v13 =	vmul.f32 $2.000000030e-01, v12  }
0x57: {  	vm2 =	vge.f32 v12, $0.0e+00  }
0x58: {  	v12 =	vsel vm2, v12, v13  }
0x59: {  	v12 =	vmul.f32 $1.442695020e+00, v12;
	_ =	sdelay $0x1  }
0x5a: {  	(erf) = vpow2.f32 v12  }
0x5b: {  	v12 =	vld [tilespmem:$0xF310]  }
0x5c: {  	v13 =	vld [tilespmem:$0xF390];
	_ =	sdelay $0x3  }
0x5d: {  	v12 =	vshll.u32 v12, $0x1  }
0x5e: {  	v13 =	vshll.u32 v13, $0x1;
	_ =	sdelay $0x1  }
0x5f: {  	v14 =	vpop (erf)  }
0x60: {  	[tilespmem:$0xF480] =	vst v14  }
0x61: {  	v14 =	vld.idx.msk [tilespmem:v12+s13+$0x0], $0xffff  }
0x62: {  	v15 =	vld.idx.msk [tilespmem:v13+s15+$0x0], $0xffff;
	_ =	sdelay $0x4  }
0x63: {  	v14 =	vadd.f32 v15, v14;
	_ =	sdelay $0x1  }
0x64: {  	v15 =	vmul.f32 $2.000000030e-01, v14  }
0x65: {  	vm2 =	vge.f32 v14, $0.0e+00  }
0x66: {  	v14 =	vsel vm2, v14, v15  }
0x67: {  	v14 =	vmul.f32 $1.442695020e+00, v14;
	_ =	sdelay $0x1  }
0x68: {  	(erf) = vpow2.f32 v14;
	_ =	sdelay $0x5  }
0x69: {  	v12 =	vor.u32 $0x1, v12  }
0x6a: {  	v13 =	vor.u32 $0x1, v13;
	_ =	sdelay $0x1  }
0x6b: {  	v14 =	vpop (erf)  }
0x6c: {  	[tilespmem:$0xF410] =	vst v14  }
0x6d: {  	v12 =	vld.idx.msk [tilespmem:v12+s13+$0x0], $0xffff  }
0x6e: {  	v13 =	vld.idx.msk [tilespmem:v13+s15+$0x0], $0xffff;
	_ =	sdelay $0x4  }
0x6f: {  	v12 =	vadd.f32 v13, v12;
	_ =	sdelay $0x1  }
0x70: {  	v13 =	vmul.f32 $2.000000030e-01, v12  }
0x71: {  	vm2 =	vge.f32 v12, $0.0e+00  }
0x72: {  	v12 =	vsel vm2, v12, v13  }
0x73: {  	v12 =	vmul.f32 $1.442695020e+00, v12;
	_ =	sdelay $0x1  }
0x74: {  	(erf) = vpow2.f32 v12  }
0x75: {  	v12 =	vld [tilespmem:$0xF320]  }
0x76: {  	v13 =	vld [tilespmem:$0xF3A0];
	_ =	sdelay $0x3  }
0x77: {  	v12 =	vshll.u32 v12, $0x1  }
0x78: {  	v13 =	vshll.u32 v13, $0x1;
	_ =	sdelay $0x1  }
0x79: {  	v14 =	vpop (erf)  }
0x7a: {  	[tilespmem:$0xF490] =	vst v14  }
0x7b: {  	v14 =	vld.idx.msk [tilespmem:v12+s13+$0x0], $0xffff  }
0x7c: {  	v15 =	vld.idx.msk [tilespmem:v13+s15+$0x0], $0xffff;
	_ =	sdelay $0x4  }
0x7d: {  	v14 =	vadd.f32 v15, v14;
	_ =	sdelay $0x1  }
0x7e: {  	v15 =	vmul.f32 $2.000000030e-01, v14  }
0x7f: {  	vm2 =	vge.f32 v14, $0.0e+00  }
0x80: {  	v14 =	vsel vm2, v14, v15  }
0x81: {  	v14 =	vmul.f32 $1.442695020e+00, v14;
	_ =	sdelay $0x1  }
0x82: {  	(erf) = vpow2.f32 v14;
	_ =	sdelay $0x5  }
0x83: {  	v12 =	vor.u32 $0x1, v12  }
0x84: {  	v13 =	vor.u32 $0x1, v13;
	_ =	sdelay $0x1  }
0x85: {  	v14 =	vpop (erf)  }
0x86: {  	[tilespmem:$0xF420] =	vst v14  }
0x87: {  	v12 =	vld.idx.msk [tilespmem:v12+s13+$0x0], $0xffff  }
0x88: {  	v13 =	vld.idx.msk [tilespmem:v13+s15+$0x0], $0xffff;
	_ =	sdelay $0x4  }
0x89: {  	v12 =	vadd.f32 v13, v12;
	_ =	sdelay $0x1  }
0x8a: {  	v13 =	vmul.f32 $2.000000030e-01, v12  }
0x8b: {  	vm2 =	vge.f32 v12, $0.0e+00  }
0x8c: {  	v12 =	vsel vm2, v12, v13  }
0x8d: {  	v12 =	vmul.f32 $1.442695020e+00, v12;
	_ =	sdelay $0x1  }
0x8e: {  	(erf) = vpow2.f32 v12  }
0x8f: {  	v12 =	vld [tilespmem:$0xF330]  }
0x90: {  	v13 =	vld [tilespmem:$0xF3B0];
	_ =	sdelay $0x3  }
0x91: {  	v12 =	vshll.u32 v12, $0x1  }
0x92: {  	v13 =	vshll.u32 v13, $0x1;
	_ =	sdelay $0x1  }
0x93: {  	v14 =	vpop (erf)  }
0x94: {  	[tilespmem:$0xF4A0] =	vst v14  }
0x95: {  	v14 =	vld.idx.msk [tilespmem:v12+s13+$0x0], $0xffff  }
0x96: {  	v15 =	vld.idx.msk [tilespmem:v13+s15+$0x0], $0xffff;
	_ =	sdelay $0x4  }
0x97: {  	v14 =	vadd.f32 v15, v14;
	_ =	sdelay $0x1  }
0x98: {  	v15 =	vmul.f32 $2.000000030e-01, v14  }
0x99: {  	vm2 =	vge.f32 v14, $0.0e+00  }
0x9a: {  	v14 =	vsel vm2, v14, v15  }
0x9b: {  	v14 =	vmul.f32 $1.442695020e+00, v14;
	_ =	sdelay $0x1  }
0x9c: {  	(erf) = vpow2.f32 v14;
	_ =	sdelay $0x5  }
0x9d: {  	v12 =	vor.u32 $0x1, v12  }
0x9e: {  	v13 =	vor.u32 $0x1, v13;
	_ =	sdelay $0x1  }
0x9f: {  	v14 =	vpop (erf)  }
0xa0: {  	[tilespmem:$0xF430] =	vst v14  }
0xa1: {  	v12 =	vld.idx.msk [tilespmem:v12+s13+$0x0], $0xffff  }
0xa2: {  	v13 =	vld.idx.msk [tilespmem:v13+s15+$0x0], $0xffff;
	_ =	sdelay $0x4  }
0xa3: {  	v12 =	vadd.f32 v13, v12;
	_ =	sdelay $0x1  }
0xa4: {  	v13 =	vmul.f32 $2.000000030e-01, v12  }
0xa5: {  	vm2 =	vge.f32 v12, $0.0e+00  }
0xa6: {  	v12 =	vsel vm2, v12, v13  }
0xa7: {  	v12 =	vmul.f32 $1.442695020e+00, v12;
	_ =	sdelay $0x1  }
0xa8: {  	(erf) = vpow2.f32 v12  }
0xa9: {  	v12 =	vld [tilespmem:$0xF340]  }
0xaa: {  	v13 =	vld [tilespmem:$0xF3C0];
	_ =	sdelay $0x3  }
0xab: {  	v12 =	vshll.u32 v12, $0x1  }
0xac: {  	v13 =	vshll.u32 v13, $0x1;
	_ =	sdelay $0x1  }
0xad: {  	v14 =	vpop (erf)  }
0xae: {  	[tilespmem:$0xF4B0] =	vst v14  }
0xaf: {  	v14 =	vld.idx.msk [tilespmem:v12+s13+$0x0], $0xffff  }
0xb0: {  	v15 =	vld.idx.msk [tilespmem:v13+s15+$0x0], $0xffff;
	_ =	sdelay $0x4  }
0xb1: {  	v14 =	vadd.f32 v15, v14;
	_ =	sdelay $0x1  }
0xb2: {  	v15 =	vmul.f32 $2.000000030e-01, v14  }
0xb3: {  	vm2 =	vge.f32 v14, $0.0e+00  }
0xb4: {  	v14 =	vsel vm2, v14, v15  }
0xb5: {  	v14 =	vmul.f32 $1.442695020e+00, v14;
	_ =	sdelay $0x1  }
0xb6: {  	(erf) = vpow2.f32 v14;
	_ =	sdelay $0x5  }
0xb7: {  	v12 =	vor.u32 $0x1, v12  }
0xb8: {  	v13 =	vor.u32 $0x1, v13;
	_ =	sdelay $0x1  }
0xb9: {  	v14 =	vpop (erf)  }
0xba: {  	[tilespmem:$0xF440] =	vst v14  }
0xbb: {  	v12 =	vld.idx.msk [tilespmem:v12+s13+$0x0], $0xffff  }
0xbc: {  	v13 =	vld.idx.msk [tilespmem:v13+s15+$0x0], $0xffff;
	_ =	sdelay $0x4  }
0xbd: {  	v12 =	vadd.f32 v13, v12;
	_ =	sdelay $0x1  }
0xbe: {  	v13 =	vmul.f32 $2.000000030e-01, v12  }
0xbf: {  	vm2 =	vge.f32 v12, $0.0e+00  }
0xc0: {  	v12 =	vsel vm2, v12, v13  }
0xc1: {  	v12 =	vmul.f32 $1.442695020e+00, v12;
	_ =	sdelay $0x1  }
0xc2: {  	(erf) = vpow2.f32 v12  }
0xc3: {  	v12 =	vld [tilespmem:$0xF350]  }
0xc4: {  	v13 =	vld [tilespmem:$0xF3D0];
	_ =	sdelay $0x3  }
0xc5: {  	v12 =	vshll.u32 v12, $0x1  }
0xc6: {  	v13 =	vshll.u32 v13, $0x1;
	_ =	sdelay $0x1  }
0xc7: {  	v14 =	vpop (erf)  }
0xc8: {  	[tilespmem:$0xF4C0] =	vst v14  }
0xc9: {  	v14 =	vld.idx.msk [tilespmem:v12+s13+$0x0], $0xffff  }
0xca: {  	v15 =	vld.idx.msk [tilespmem:v13+s15+$0x0], $0xffff;
	_ =	sdelay $0x4  }
0xcb: {  	v14 =	vadd.f32 v15, v14;
	_ =	sdelay $0x1  }
0xcc: {  	v15 =	vmul.f32 $2.000000030e-01, v14  }
0xcd: {  	vm2 =	vge.f32 v14, $0.0e+00  }
0xce: {  	v14 =	vsel vm2, v14, v15  }
0xcf: {  	v14 =	vmul.f32 $1.442695020e+00, v14;
	_ =	sdelay $0x1  }
0xd0: {  	(erf) = vpow2.f32 v14;
	_ =	sdelay $0x5  }
0xd1: {  	v12 =	vor.u32 $0x1, v12  }
0xd2: {  	v13 =	vor.u32 $0x1, v13;
	_ =	sdelay $0x1  }
0xd3: {  	v14 =	vpop (erf)  }
0xd4: {  	[tilespmem:$0xF450] =	vst v14  }
0xd5: {  	v12 =	vld.idx.msk [tilespmem:v12+s13+$0x0], $0xffff  }
0xd6: {  	v13 =	vld.idx.msk [tilespmem:v13+s15+$0x0], $0xffff;
	_ =	sdelay $0x4  }
0xd7: {  	v12 =	vadd.f32 v13, v12;
	_ =	sdelay $0x1  }
0xd8: {  	v13 =	vmul.f32 $2.000000030e-01, v12  }
0xd9: {  	vm2 =	vge.f32 v12, $0.0e+00  }
0xda: {  	v12 =	vsel vm2, v12, v13  }
0xdb: {  	v12 =	vmul.f32 $1.442695020e+00, v12;
	_ =	sdelay $0x1  }
0xdc: {  	(erf) = vpow2.f32 v12  }
0xdd: {  	v12 =	vld [tilespmem:$0xF360]  }
0xde: {  	v13 =	vld [tilespmem:$0xF3E0];
	_ =	sdelay $0x3  }
0xdf: {  	v12 =	vshll.u32 v12, $0x1  }
0xe0: {  	v13 =	vshll.u32 v13, $0x1;
	_ =	sdelay $0x1  }
0xe1: {  	v14 =	vpop (erf)  }
0xe2: {  	[tilespmem:$0xF4D0] =	vst v14  }
0xe3: {  	v14 =	vld.idx.msk [tilespmem:v12+s13+$0x0], $0xffff  }
0xe4: {  	v15 =	vld.idx.msk [tilespmem:v13+s15+$0x0], $0xffff;
	_ =	sdelay $0x4  }
0xe5: {  	v14 =	vadd.f32 v15, v14;
	_ =	sdelay $0x1  }
0xe6: {  	v15 =	vmul.f32 $2.000000030e-01, v14  }
0xe7: {  	vm2 =	vge.f32 v14, $0.0e+00  }
0xe8: {  	v14 =	vsel vm2, v14, v15  }
0xe9: {  	v14 =	vmul.f32 $1.442695020e+00, v14;
	_ =	sdelay $0x1  }
0xea: {  	(erf) = vpow2.f32 v14;
	_ =	sdelay $0x5  }
0xeb: {  	v12 =	vor.u32 $0x1, v12  }
0xec: {  	v13 =	vor.u32 $0x1, v13;
	_ =	sdelay $0x1  }
0xed: {  	v14 =	vpop (erf)  }
0xee: {  	[tilespmem:$0xF460] =	vst v14  }
0xef: {  	v12 =	vld.idx.msk [tilespmem:v12+s13+$0x0], $0xffff  }
0xf0: {  	v13 =	vld.idx.msk [tilespmem:v13+s15+$0x0], $0xffff;
	_ =	sdelay $0x4  }
0xf1: {  	v12 =	vadd.f32 v13, v12;
	_ =	sdelay $0x1  }
0xf2: {  	v13 =	vmul.f32 $2.000000030e-01, v12  }
0xf3: {  	vm2 =	vge.f32 v12, $0.0e+00  }
0xf4: {  	v12 =	vsel vm2, v12, v13  }
0xf5: {  	v12 =	vmul.f32 $1.442695020e+00, v12;
	_ =	sdelay $0x1  }
0xf6: {  	(erf) = vpow2.f32 v12  }
0xf7: {  	v12 =	vld [tilespmem:$0xF370]  }
0xf8: {  	v13 =	vld [tilespmem:$0xF3F0];
	_ =	sdelay $0x3  }
0xf9: {  	v12 =	vshll.u32 v12, $0x1  }
0xfa: {  	v13 =	vshll.u32 v13, $0x1;
	_ =	sdelay $0x1  }
0xfb: {  	v14 =	vpop (erf)  }
0xfc: {  	[tilespmem:$0xF4E0] =	vst v14  }
0xfd: {  	v14 =	vld.idx.msk [tilespmem:v12+s13+$0x0], $0xffff  }
0xfe: {  	v15 =	vld.idx.msk [tilespmem:v13+s15+$0x0], $0xffff;
	_ =	sdelay $0x4  }
0xff: {  	v14 =	vadd.f32 v15, v14;
	_ =	sdelay $0x1  }
0x100: {  	v15 =	vmul.f32 $2.000000030e-01, v14  }
0x101: {  	vm2 =	vge.f32 v14, $0.0e+00  }
0x102: {  	v14 =	vsel vm2, v14, v15  }
0x103: {  	v14 =	vmul.f32 $1.442695020e+00, v14;
	_ =	sdelay $0x1  }
0x104: {  	(erf) = vpow2.f32 v14;
	_ =	sdelay $0x5  }
0x105: {  	v12 =	vor.u32 $0x1, v12  }
0x106: {  	v13 =	vor.u32 $0x1, v13;
	_ =	sdelay $0x1  }
0x107: {  	v14 =	vpop (erf)  }
0x108: {  	[tilespmem:$0xF470] =	vst v14  }
0x109: {  	v12 =	vld.idx.msk [tilespmem:v12+s13+$0x0], $0xffff  }
0x10a: {  	v13 =	vld.idx.msk [tilespmem:v13+s15+$0x0], $0xffff;
	_ =	sdelay $0x4  }
0x10b: {  	v12 =	vadd.f32 v13, v12;
	_ =	sdelay $0x1  }
0x10c: {  	v13 =	vmul.f32 $2.000000030e-01, v12  }
0x10d: {  	vm2 =	vge.f32 v12, $0.0e+00  }
0x10e: {  	v12 =	vsel vm2, v12, v13  }
0x10f: {  	v12 =	vmul.f32 $1.442695020e+00, v12;
	_ =	sdelay $0x1  }
0x110: {  	(erf) = vpow2.f32 v12;
	_ =	sdelay $0x8  }
0x111: {  	s0 =	sshll.u32 s31, $0x5;
	v12 =	vpop (erf)  }
0x112: {  	s22 =	sadd.s32 s1, s0;
	[tilespmem:$0xF4F0] =	vst v12  }
0x113: {  	[hbm4b:s22+s29] =	stream.linear.scatter [tilespmem:s19], [sflag:$0x1], $0x80, $0x38;
	[tilespmem:$0xF600] =	vst v63  }
0x114: {  	_ =	swait.ge [sflag:s14], $0x80  }
0x115: {  	[sflag:s14] =	ssyncset.done $0x0  }
0x116: {  	s0 =	sadd.s32 s0, s10;
	v12 =	vmov s29;
	[sflag:s14] =	ssyncadd.s32 $0xFFFFFF80  }
0x117: {  	[hbm4b:s0+s29] =	stream.linear.scatter [tilespmem:s20], [sflag:$0x1], $0x80, $0x38;
	[tilespmem:$0xF600] =	vst v63  }
0x118: {  	_ =	swait.ge [sflag:s14], $0x80  }
0x119: {  	[sflag:s14] =	ssyncset.done $0x0  }
0x11a: {  	[sflag:s14] =	ssyncadd.s32 $0xFFFFFF80  }
0x11b: {  	v13 =	vld.idx.msk [tilespmem:v12+s18+$0x0], $0xffff;
	_ =	sdelay $0x4  }
0x11c: {  	v13 =	vshll.u32 v13, $0x1  }
0x11d: {  	v13 =	vor.u32 v11, v13;
	_ =	sdelay $0x2  }
0x11e: {  	v16 =	vld.idx.msk [tilespmem:v12+s19+$0x0], $0xffff  }
0x11f: {  	v14 =	vld.idx.msk [tilespmem:v12+s20+$0x0], $0xffff  }
0x120: {  	v15 =	vld.idx.msk [tilespmem:v13+s21+$0x0], $0xffff;
	_ =	sdelay $0x1  }
0x121: {  	s22 =	simm.s32 $0x1  }
0x122: {  	s31 =	simm.s32 $0x2;
	v12 =	vmov s22;
	v16 =	vnsel vm0, $0x0, v16  }
.LBB2_5:
0x123: {  	p1 =	sne.s32 s31, $0x7F;
	v14 =	vsel vm1, v16, v14  }
0x124: {  	v14 =	vadd.f32 v15, v14;
	_ =	sdelay $0x1  }
0x125: {  	[tilespmem:v13+s21+$0x0] =	vst.idx.msk $0x3, v14  }
0x126: {  	v13 =	vld.idx.msk [tilespmem:v12+s18+$0x0], $0xffff;
	_ =	sdelay $0x5  }
0x127: {  	v13 =	vshll.u32 v13, $0x1  }
0x128: {  	v13 =	vor.u32 v11, v13;
	_ =	sdelay $0x2  }
0x129: {  	v16 =	vld.idx.msk [tilespmem:v12+s19+$0x0], $0xffff  }
0x12a: {  	v14 =	vld.idx.msk [tilespmem:v12+s20+$0x0], $0xffff  }
.Ltmp1:
0x12b: {  	v15 =	vld.idx.msk [tilespmem:v13+s21+$0x0], $0xffff;
	(pc) =	sbr.rel @p1 .LBB2_5-.Ltmp1, $2  }
0x12c: {  	_ =	sdelay $0x2  }
0x12d: {  	v12 =	vmov s31;
	s31 =	sadd.s32 $0x1, s31;
	v16 =	vnsel vm0, $0x0, v16  }
0x12e: {  	_ = 	snop  }
0x12f: {  	v14 =	vsel vm1, v16, v14  }
0x130: {  	v14 =	vadd.f32 v15, v14;
	_ =	sdelay $0x1  }
0x131: {  	[tilespmem:v13+s21+$0x0] =	vst.idx.msk $0x3, v14  }
0x132: {  	v13 =	vld.idx.msk [tilespmem:v12+s18+$0x0], $0xffff;
	_ =	sdelay $0x4  }
0x133: {  	v13 =	vshll.u32 v13, $0x1  }
0x134: {  	v13 =	vor.u32 v11, v13;
	_ =	sdelay $0x2  }
0x135: {  	v14 =	vld.idx.msk [tilespmem:v12+s19+$0x0], $0xffff  }
0x136: {  	v62 =	vld.idx.msk [tilespmem:v12+s20+$0x0], $0xffff  }
0x137: {  	v63 =	vld.idx.msk [tilespmem:v13+s21+$0x0], $0xffff  }
0x138: {  	s30 =	sadd.s32 $0x1, s30  }
0x139: {  	p1 =	sne.s32 s30, $0x4F  }
.Ltmp2:
0x13a: {  	v14 =	vnsel vm0, $0x0, v14;
	(pc) =	sbr.rel @p1 .LBB2_4-.Ltmp2, $3  }
0x13b: {  	v12 =	vsel vm1, v14, v62  }
0x13c: {  	v12 =	vadd.f32 v63, v12;
	_ =	sdelay $0x1  }
0x13d: {  	[tilespmem:v13+s21+$0x0] =	vst.idx.msk $0x3, v12  }
0x13e: {  	s0 =	simm.s32 $0x80  }
0x13f: {  	[spmem:s2] =	stream.indirect.scatter.add.f32 [tilespmem:s21], [sflag:$0x1], $0x80, s23, s0, $0xb8;
	[tilespmem:$0xF600] =	vst v63  }
0x140: {  	_ =	swait.ge [sflag:s14], $0x4000  }
0x141: {  	[sflag:s14] =	ssyncset.done $0x0  }
0x142: {  	[sflag:s14] =	ssyncadd.s32 $0xFFFFC000  }
0x143: {  	[spmem:s2] =	stream.indirect.scatter.add.f32 [tilespmem:s26], [sflag:$0x1], $0x80, s25, s24, $0xb8;
	[tilespmem:$0xF600] =	vst v63  }
0x144: {  	_ =	swait.ge [sflag:s14], $0x1000  }
0x145: {  	[sflag:s14] =	ssyncset.done $0x0  }
0x146: {  	s28 =	sadd.s32 $0x1, s28;
	[sflag:s14] =	ssyncadd.s32 $0xFFFFF000  }
0x147: {  	s0 =	simm.s32 @!p0 $0x1C01;
	p1 =	sne.s32 s28, s12;
	[bflag:$0x0] =	sbarrier.arrive $0xFFFF  }
0x148: {  	[hbm:s11], [sflag:s0] =	dma.local @!p0 [spmem:s16], $0xA00  }
.Ltmp3:
0x149: {  	_ = 	snop;
	(pc) =	sbr.rel @p1 .LBB2_1-.Ltmp3, $4  }
0x14a: {  	s0 =	simm.s32 @!p0 $0x1  }
0x14b: {  	_ =	swait.ge @!p0 [sflag:s0], $0xA00  }
0x14c: {  	[sflag:s0] =	ssyncset.done @!p0 $0x0  }
0x14d: {  	[sflag:s0] =	ssyncadd.s32 @!p0 $0xFFFFF600  }
0x14e: {  	_ =	sfence.sel $0x180000  }
0x14f: {  	[bflag:$0x0] =	sbarrier.arrive $0xFFFF  }
0x150: {  	_ =	strace $0x90000047  }
0x151: {  	[bflag:$0x2] =	sbarrier.arrive $0xFFFF  }
0x152: {  	s0 =	rddreg [dreg:$0x3]  }
0x153: {  	s0 =	sadd.s32 @!p0 $0x100000, s0  }
0x154: {  	[sflag:s0] =	ssyncadd.tile.s32 @!p0 $0x1;
	_ =	shalt  }
.Lfunc_end2:
_tile_overlayer_lowered:
.L_overlay_start_2:
0x155: {  	(tag) =	ssettag $0x2  }
0x156: {  	s0 =	rddreg [dreg:$0x0];
	s2 =	stileid.u32  }
0x157: {  	s1 =	rddreg [dreg:$0x1];
	p0 =	sne.s32 s2, $0x0  }
0x158: {  	s3 =	rddreg [dreg:$0x2];
	[bflag:$0x3] =	sbarrier.arrive $0xFFFF;
	s2 =	simm.s32 @!p0 $0x1C01  }
0x159: {  	[timem:s3], [sflag:s2] =	dma.local @!p0 [hbm:s0], s1  }
0x15a: {  	s0 =	simm.s32 @!p0 $0x1  }
0x15b: {  	_ =	swait.ge @!p0 [sflag:s0], s1  }
0x15c: {  	s1 =	ssub.s32 @!p0 $0x0, s1;
	[sflag:s0] =	ssyncset.done @!p0 $0x0  }
0x15d: {  	[sflag:s0] =	ssyncadd.s32 @!p0 s1  }
0x15e: {  	[bflag:$0x3] =	sbarrier.arrive $0xFFFF  }
0x15f: {  	_ =	shalt  }

</sc_bundles>
